<compile_context>
chip_gen: v7x
topology: tpu7x:2x2x1
jax: 0.10.2.dev20260603
libtpu: 0.0.44.dev20260713+nightly
codegen_flags: <defaults>
</compile_context>

<pallas_src>
import functools

import jax
import jax.numpy as jnp
from jax import lax
from jax.experimental import pallas as pl
from jax.experimental.pallas import tpu as pltpu
from jax.experimental.pallas import tpu_sc as plsc

N = 10000
E = 320000
D = 128

NC = 2
NS = 16
L = 16

EPW = E // NS
K = 80
NCHUNK = EPW // K
RPT = 624
TAIL = N - NS * RPT


def _sc_body(x_hbm, e0_hbm, e1_hbm, zr_hbm, on_hbm, acc_hbm, cnt_hbm,
             acc_sh, gidx, sidx, sidx2, rows, rows2, ones, sem, sem2, sem3):
    c = lax.axis_index("c")
    s = lax.axis_index("s")
    r0 = s * RPT

    def zero_acc():
        pltpu.sync_copy(zr_hbm, rows)
        for m in range(7):
            pltpu.sync_copy(rows, acc_sh.at[pl.ds(r0 + m * K, K)])
        pltpu.sync_copy(rows.at[pl.ds(0, RPT - 7 * K)],
                        acc_sh.at[pl.ds(r0 + 7 * K, RPT - 7 * K)])

        @pl.when(s == NS - 1)
        def _():
            pltpu.sync_copy(rows.at[pl.ds(0, TAIL)],
                            acc_sh.at[pl.ds(NS * RPT, TAIL)])

    def copy_out(dst_hbm):
        for m in range(7):
            pltpu.sync_copy(acc_sh.at[pl.ds(r0 + m * K, K)], rows)
            pltpu.sync_copy(rows, dst_hbm.at[c, pl.ds(r0 + m * K, K)])
        w = RPT - 7 * K
        pltpu.sync_copy(acc_sh.at[pl.ds(r0 + 7 * K, w)], rows.at[pl.ds(0, w)])
        pltpu.sync_copy(rows.at[pl.ds(0, w)],
                        dst_hbm.at[c, pl.ds(r0 + 7 * K, w)])

        @pl.when(s == NS - 1)
        def _():
            pltpu.sync_copy(acc_sh.at[pl.ds(NS * RPT, TAIL)],
                            rows.at[pl.ds(0, TAIL)])
            pltpu.sync_copy(rows.at[pl.ds(0, TAIL)],
                            dst_hbm.at[c, pl.ds(NS * RPT, TAIL)])

    def edge_loop(body):
        @pl.when(c == 0)
        def _():
            body(e0_hbm, e1_hbm)

        @pl.when(c == 1)
        def _():
            body(e1_hbm, e0_hbm)

    zero_acc()
    plsc.subcore_barrier()

    def acc_dir(g_hbm, s_hbm):
        def drain(sem_):
            pltpu.make_async_copy(zr_hbm, rows, sem_).wait()

        def fetch(j, idx_ref, buf_ref):
            base = s * EPW + j * K
            pltpu.sync_copy(g_hbm.at[pl.ds(base, K)], gidx)
            pltpu.sync_copy(s_hbm.at[pl.ds(base, K)], idx_ref)
            pltpu.async_copy(x_hbm.at[gidx], buf_ref, sem).wait()

        fetch(0, sidx, rows)

        def pair(m, carry):
            q = 2 * m
            pltpu.async_copy(rows, acc_sh.at[sidx], sem2, add=True)
            fetch(q + 1, sidx2, rows2)
            pltpu.async_copy(rows2, acc_sh.at[sidx2], sem3, add=True)
            drain(sem2)

            @pl.when(q + 2 < NCHUNK)
            def _():
                fetch(q + 2, sidx, rows)

            drain(sem3)
            return carry

        lax.fori_loop(0, NCHUNK // 2, pair, 0)

    edge_loop(acc_dir)
    plsc.subcore_barrier()
    copy_out(acc_hbm)
    plsc.subcore_barrier()

    zero_acc()
    pltpu.sync_copy(on_hbm, ones)
    plsc.subcore_barrier()

    def cnt_dir(g_hbm, s_hbm):
        def drain(sem):
            pltpu.make_async_copy(zr_hbm, ones, sem).wait()

        pltpu.sync_copy(s_hbm.at[pl.ds(s * EPW, K)], gidx)
        pltpu.async_copy(ones, acc_sh.at[gidx], sem, add=True)

        def pair(m, carry):
            q = 2 * m
            base = s * EPW + (q + 1) * K
            pltpu.sync_copy(s_hbm.at[pl.ds(base, K)], sidx)
            pltpu.async_copy(ones, acc_sh.at[sidx], sem2, add=True)
            drain(sem)

            @pl.when(q + 2 < NCHUNK)
            def _():
                base2 = s * EPW + (q + 2) * K
                pltpu.sync_copy(s_hbm.at[pl.ds(base2, K)], gidx)
                pltpu.async_copy(ones, acc_sh.at[gidx], sem, add=True)

            drain(sem2)
            return carry

        lax.fori_loop(0, NCHUNK // 2, pair, 0)

    edge_loop(cnt_dir)
    plsc.subcore_barrier()
    copy_out(cnt_hbm)


@functools.cache
def _sc_aggregate():
    return pl.kernel(
        lambda *args: _sc_body(*args),
        out_type=(jax.ShapeDtypeStruct((NC, N, D), jnp.float32),
                  jax.ShapeDtypeStruct((NC, N, D), jnp.float32)),
        mesh=plsc.VectorSubcoreMesh(core_axis_name="c", subcore_axis_name="s",
                                    num_cores=NC, num_subcores=NS),
        scratch_types=[
            pltpu.VMEM_SHARED((N, D), jnp.float32),
            pltpu.VMEM((K,), jnp.int32),
            pltpu.VMEM((K,), jnp.int32),
            pltpu.VMEM((K,), jnp.int32),
            pltpu.VMEM((K, D), jnp.float32),
            pltpu.VMEM((K, D), jnp.float32),
            pltpu.VMEM((K, D), jnp.float32),
            pltpu.SemaphoreType.DMA,
            pltpu.SemaphoreType.DMA,
            pltpu.SemaphoreType.DMA,
        ],
    )


R = 400


def _tc_body(acc_i, cnt_i, acc_o, cnt_o, x_ref,
             wli, wlo, wri, wro, bli, blo, out_ref):
    mi = acc_i[...] / jnp.maximum(cnt_i[:, 0:1], 1.0)
    mo = acc_o[...] / jnp.maximum(cnt_o[:, 0:1], 1.0)
    o = jnp.dot(mi, wli[...], preferred_element_type=jnp.float32)
    o = o + jnp.dot(mo, wlo[...], preferred_element_type=jnp.float32)
    o = o + jnp.dot(x_ref[...], wri[...] + wro[...],
                    preferred_element_type=jnp.float32)
    out_ref[...] = o + bli[0:1, :] + blo[0:1, :]


def _tc_combine(acc_in, cnt_in, acc_out, cnt_out, x,
                wli_t, wlo_t, wri_t, wro_t, bli, blo):
    blk = lambda w: pl.BlockSpec((R, w), lambda i: (i, 0))
    full = pl.BlockSpec((D, D), lambda i: (0, 0))
    bias = pl.BlockSpec((8, D), lambda i: (0, 0))
    return pl.pallas_call(
        _tc_body,
        grid=(N // R,),
        in_specs=[blk(D), blk(D), blk(D), blk(D), blk(D),
                  full, full, full, full, bias, bias],
        out_specs=blk(D),
        out_shape=jax.ShapeDtypeStruct((N, D), jnp.float32),
    )(acc_in, cnt_in, acc_out, cnt_out, x,
      wli_t, wlo_t, wri_t, wro_t, bli, blo)


def kernel(x, ei, Wl_in, bl_in, Wr_in, Wl_out, bl_out, Wr_out):
    zr = jnp.zeros((K, D), jnp.float32)
    on = jnp.ones((K, D), jnp.float32)
    acc, cnt = _sc_aggregate()(x, ei[0], ei[1], zr, on)
    return _tc_combine(
        acc[0], cnt[0], acc[1], cnt[1], x,
        Wl_in.T, Wl_out.T, Wr_in.T, Wr_out.T,
        jnp.broadcast_to(bl_in.reshape(1, D), (8, D)),
        jnp.broadcast_to(bl_out.reshape(1, D), (8, D)))

# --- scband reference (transcript-rebuilt; emitter-appended) ---
"""Pipeline reference for scband-conv-module-35905926594660 (READ-ONLY COPY).

The authoritative reference and input builder live on the scoring server;
editing this copy changes nothing except your own understanding.
"""

import jax, jax.numpy as jnp
import numpy as np

N = 10000
E = 320000
D = 128


def _glorot(key, shape):
    s = 1.0 / np.sqrt(shape[1])
    return jax.random.uniform(key, shape, minval=-s, maxval=s, dtype=jnp.float32)


def setup_inputs(seed: int = 0) -> dict:
    key = jax.random.key(seed)
    ks = jax.random.split(key, 9)
    x = jax.random.normal(ks[0], (N, D), dtype=jnp.float32)
    ei = jax.random.randint(ks[1], (2, E), 0, N, dtype=jnp.int32)
    # SAGEConv params: lin_l (applied to aggregated neighbors, with bias), lin_r (applied to root, no bias)
    Wl_in = _glorot(ks[2], (D, D))
    bl_in = jnp.zeros((D,), dtype=jnp.float32)
    Wr_in = _glorot(ks[3], (D, D))
    Wl_out = _glorot(ks[4], (D, D))
    bl_out = jnp.zeros((D,), dtype=jnp.float32)
    Wr_out = _glorot(ks[5], (D, D))
    return {"x": x, "ei": ei, "Wl_in": Wl_in, "bl_in": bl_in, "Wr_in": Wr_in,
            "Wl_out": Wl_out, "bl_out": bl_out, "Wr_out": Wr_out}


def _sage_conv(x, ei, Wl, bl, Wr):
    # PyG SAGEConv with mean aggregation:
    # out_i = W_l @ mean_{j: (j->i) in E} x_j + b_l + W_r @ x_i
    src = ei[0]
    dst = ei[1]
    msg = jnp.take(x, src, axis=0)                      # gather (SparseCore)
    agg = jax.ops.segment_sum(msg, dst, num_segments=N) # scatter-add (SparseCore)
    cnt = jax.ops.segment_sum(jnp.ones((ei.shape[1],), dtype=x.dtype), dst, num_segments=N)
    mean = agg / jnp.clip(cnt, 1.0)[:, None]
    return mean @ Wl.T + bl + x @ Wr.T


def reference(x, ei, Wl_in, bl_in, Wr_in, Wl_out, bl_out, Wr_out):
    # model_type == 'DirSeq': conv_in on ei, conv_out on flipped ei
    x_in = _sage_conv(x, ei, Wl_in, bl_in, Wr_in)
    ei_flip = jnp.flip(ei, axis=0)
    x_out = _sage_conv(x, ei_flip, Wl_out, bl_out, Wr_out)
    return x_in + x_out

if __name__ == "__main__":
    import jax
    _d = setup_inputs()
    print(jax.jit(kernel)(*tuple(_d.values())))

</pallas_src>

<mosaic_0001>
#map = affine_map<(d0, d1) -> (0, 0)>
#map1 = affine_map<(d0, d1) -> (0)>
#map2 = affine_map<(d0, d1) -> (0, 0, 0)>
module attributes {stable_mosaic.version = 14 : i64} {
  func.func @_lambda_(%arg0: i32, %arg1: i32, %arg2: memref<10000x128xf32, #tpu.memory_space<hbm>>, %arg3: memref<320000xi32, #tpu.memory_space<hbm>>, %arg4: memref<320000xi32, #tpu.memory_space<hbm>>, %arg5: memref<80x128xf32, #tpu.memory_space<hbm>>, %arg6: memref<80x128xf32, #tpu.memory_space<hbm>>, %arg7: memref<2x10000x128xf32, #tpu.memory_space<hbm>>, %arg8: memref<2x10000x128xf32, #tpu.memory_space<hbm>>, %arg9: memref<10000x128xf32, #tpu.memory_space<vmem_shared>>, %arg10: memref<80xi32, #tpu.memory_space<vmem>>, %arg11: memref<80xi32, #tpu.memory_space<vmem>>, %arg12: memref<80xi32, #tpu.memory_space<vmem>>, %arg13: memref<80x128xf32, #tpu.memory_space<vmem>>, %arg14: memref<80x128xf32, #tpu.memory_space<vmem>>, %arg15: memref<80x128xf32, #tpu.memory_space<vmem>>, %arg16: memref<!tpu.dma_semaphore, #tpu.memory_space<semaphore_mem>>, %arg17: memref<!tpu.dma_semaphore, #tpu.memory_space<semaphore_mem>>, %arg18: memref<!tpu.dma_semaphore, #tpu.memory_space<semaphore_mem>>) attributes {dimension_semantics = [#tpu.dimension_semantics<core_parallel>, #tpu.dimension_semantics<subcore_parallel>], iteration_bounds = array<i64: 2, 16>, scalar_prefetch = 0 : i64, scratch_operands = 10 : i64, tpu.core_type = #tpu.core_type<sc_vector_subcore>, window_params = [{transform_indices = #map}, {transform_indices = #map1}, {transform_indices = #map1}, {transform_indices = #map}, {transform_indices = #map}, {transform_indices = #map2}, {transform_indices = #map2}]} {
    %mul3A = arith.constant 624 : i32
    %mul3A_0 = arith.muli %arg1, %mul3A : i32
    "tpu.region"() ({
      %run_scoped3A = tpu.sem_alloc : memref<!tpu.dma_semaphore, #tpu.memory_space<semaphore_mem>>
      tpu.enqueue_dma source(%arg5 : memref<80x128xf32, #tpu.memory_space<hbm>>) target(%arg13 : memref<80x128xf32, #tpu.memory_space<vmem>>) target_semaphore(%run_scoped3A : memref<!tpu.dma_semaphore, #tpu.memory_space<semaphore_mem>>)
      tpu.wait_dma2 semaphore(%run_scoped3A : memref<!tpu.dma_semaphore, #tpu.memory_space<semaphore_mem>>) src(%arg5 : memref<80x128xf32, #tpu.memory_space<hbm>>) dst(%arg13 : memref<80x128xf32, #tpu.memory_space<vmem>>)
      tpu.yield
    }) : () -> ()
    %add3A = arith.constant 0 : i32
    %add3A_1 = arith.addi %mul3A_0, %add3A : i32
    "tpu.region"() ({
      %run_scoped3A = tpu.sem_alloc : memref<!tpu.dma_semaphore, #tpu.memory_space<semaphore_mem>>
      %dma_start3A = arith.constant 0 : i32
      %dma_start3A_137 = tpu.memref_slice %arg9[%add3A_1, %dma_start3A] : memref<10000x128xf32, #tpu.memory_space<vmem_shared>> -> memref<80x128xf32, #tpu.memory_space<vmem_shared>>
      %dma_start3A_138 = arith.constant 0 : i32
      %dma_start3A_139 = tpu.memref_slice %arg9[%add3A_1, %dma_start3A_138] : memref<10000x128xf32, #tpu.memory_space<vmem_shared>> -> memref<80x128xf32, #tpu.memory_space<vmem_shared>>
      tpu.enqueue_dma source(%arg13 : memref<80x128xf32, #tpu.memory_space<vmem>>) target(%dma_start3A_139 : memref<80x128xf32, #tpu.memory_space<vmem_shared>>) target_semaphore(%run_scoped3A : memref<!tpu.dma_semaphore, #tpu.memory_space<semaphore_mem>>)
      %dma_wait3A = arith.constant 0 : i32
      %dma_wait3A_140 = tpu.memref_slice %arg9[%add3A_1, %dma_wait3A] : memref<10000x128xf32, #tpu.memory_space<vmem_shared>> -> memref<80x128xf32, #tpu.memory_space<vmem_shared>>
      %dma_wait3A_141 = arith.constant 0 : i32
      %dma_wait3A_142 = tpu.memref_slice %arg9[%add3A_1, %dma_wait3A_141] : memref<10000x128xf32, #tpu.memory_space<vmem_shared>> -> memref<80x128xf32, #tpu.memory_space<vmem_shared>>
      tpu.wait_dma2 semaphore(%run_scoped3A : memref<!tpu.dma_semaphore, #tpu.memory_space<semaphore_mem>>) src(%arg13 : memref<80x128xf32, #tpu.memory_space<vmem>>) dst(%dma_wait3A_142 : memref<80x128xf32, #tpu.memory_space<vmem_shared>>)
      tpu.yield
    }) : () -> ()
    %add3A_2 = arith.constant 80 : i32
    %add3A_3 = arith.addi %mul3A_0, %add3A_2 : i32
    "tpu.region"() ({
      %run_scoped3A = tpu.sem_alloc : memref<!tpu.dma_semaphore, #tpu.memory_space<semaphore_mem>>
      %dma_start3A = arith.constant 0 : i32
      %dma_start3A_137 = tpu.memref_slice %arg9[%add3A_3, %dma_start3A] : memref<10000x128xf32, #tpu.memory_space<vmem_shared>> -> memref<80x128xf32, #tpu.memory_space<vmem_shared>>
      %dma_start3A_138 = arith.constant 0 : i32
      %dma_start3A_139 = tpu.memref_slice %arg9[%add3A_3, %dma_start3A_138] : memref<10000x128xf32, #tpu.memory_space<vmem_shared>> -> memref<80x128xf32, #tpu.memory_space<vmem_shared>>
      tpu.enqueue_dma source(%arg13 : memref<80x128xf32, #tpu.memory_space<vmem>>) target(%dma_start3A_139 : memref<80x128xf32, #tpu.memory_space<vmem_shared>>) target_semaphore(%run_scoped3A : memref<!tpu.dma_semaphore, #tpu.memory_space<semaphore_mem>>)
      %dma_wait3A = arith.constant 0 : i32
      %dma_wait3A_140 = tpu.memref_slice %arg9[%add3A_3, %dma_wait3A] : memref<10000x128xf32, #tpu.memory_space<vmem_shared>> -> memref<80x128xf32, #tpu.memory_space<vmem_shared>>
      %dma_wait3A_141 = arith.constant 0 : i32
      %dma_wait3A_142 = tpu.memref_slice %arg9[%add3A_3, %dma_wait3A_141] : memref<10000x128xf32, #tpu.memory_space<vmem_shared>> -> memref<80x128xf32, #tpu.memory_space<vmem_shared>>
      tpu.wait_dma2 semaphore(%run_scoped3A : memref<!tpu.dma_semaphore, #tpu.memory_space<semaphore_mem>>) src(%arg13 : memref<80x128xf32, #tpu.memory_space<vmem>>) dst(%dma_wait3A_142 : memref<80x128xf32, #tpu.memory_space<vmem_shared>>)
      tpu.yield
    }) : () -> ()
    %add3A_4 = arith.constant 160 : i32
    %add3A_5 = arith.addi %mul3A_0, %add3A_4 : i32
    "tpu.region"() ({
      %run_scoped3A = tpu.sem_alloc : memref<!tpu.dma_semaphore, #tpu.memory_space<semaphore_mem>>
      %dma_start3A = arith.constant 0 : i32
      %dma_start3A_137 = tpu.memref_slice %arg9[%add3A_5, %dma_start3A] : memref<10000x128xf32, #tpu.memory_space<vmem_shared>> -> memref<80x128xf32, #tpu.memory_space<vmem_shared>>
      %dma_start3A_138 = arith.constant 0 : i32
      %dma_start3A_139 = tpu.memref_slice %arg9[%add3A_5, %dma_start3A_138] : memref<10000x128xf32, #tpu.memory_space<vmem_shared>> -> memref<80x128xf32, #tpu.memory_space<vmem_shared>>
      tpu.enqueue_dma source(%arg13 : memref<80x128xf32, #tpu.memory_space<vmem>>) target(%dma_start3A_139 : memref<80x128xf32, #tpu.memory_space<vmem_shared>>) target_semaphore(%run_scoped3A : memref<!tpu.dma_semaphore, #tpu.memory_space<semaphore_mem>>)
      %dma_wait3A = arith.constant 0 : i32
      %dma_wait3A_140 = tpu.memref_slice %arg9[%add3A_5, %dma_wait3A] : memref<10000x128xf32, #tpu.memory_space<vmem_shared>> -> memref<80x128xf32, #tpu.memory_space<vmem_shared>>
      %dma_wait3A_141 = arith.constant 0 : i32
      %dma_wait3A_142 = tpu.memref_slice %arg9[%add3A_5, %dma_wait3A_141] : memref<10000x128xf32, #tpu.memory_space<vmem_shared>> -> memref<80x128xf32, #tpu.memory_space<vmem_shared>>
      tpu.wait_dma2 semaphore(%run_scoped3A : memref<!tpu.dma_semaphore, #tpu.memory_space<semaphore_mem>>) src(%arg13 : memref<80x128xf32, #tpu.memory_space<vmem>>) dst(%dma_wait3A_142 : memref<80x128xf32, #tpu.memory_space<vmem_shared>>)
      tpu.yield
    }) : () -> ()
    %add3A_6 = arith.constant 240 : i32
    %add3A_7 = arith.addi %mul3A_0, %add3A_6 : i32
    "tpu.region"() ({
      %run_scoped3A = tpu.sem_alloc : memref<!tpu.dma_semaphore, #tpu.memory_space<semaphore_mem>>
      %dma_start3A = arith.constant 0 : i32
      %dma_start3A_137 = tpu.memref_slice %arg9[%add3A_7, %dma_start3A] : memref<10000x128xf32, #tpu.memory_space<vmem_shared>> -> memref<80x128xf32, #tpu.memory_space<vmem_shared>>
      %dma_start3A_138 = arith.constant 0 : i32
      %dma_start3A_139 = tpu.memref_slice %arg9[%add3A_7, %dma_start3A_138] : memref<10000x128xf32, #tpu.memory_space<vmem_shared>> -> memref<80x128xf32, #tpu.memory_space<vmem_shared>>
      tpu.enqueue_dma source(%arg13 : memref<80x128xf32, #tpu.memory_space<vmem>>) target(%dma_start3A_139 : memref<80x128xf32, #tpu.memory_space<vmem_shared>>) target_semaphore(%run_scoped3A : memref<!tpu.dma_semaphore, #tpu.memory_space<semaphore_mem>>)
      %dma_wait3A = arith.constant 0 : i32
      %dma_wait3A_140 = tpu.memref_slice %arg9[%add3A_7, %dma_wait3A] : memref<10000x128xf32, #tpu.memory_space<vmem_shared>> -> memref<80x128xf32, #tpu.memory_space<vmem_shared>>
      %dma_wait3A_141 = arith.constant 0 : i32
      %dma_wait3A_142 = tpu.memref_slice %arg9[%add3A_7, %dma_wait3A_141] : memref<10000x128xf32, #tpu.memory_space<vmem_shared>> -> memref<80x128xf32, #tpu.memory_space<vmem_shared>>
      tpu.wait_dma2 semaphore(%run_scoped3A : memref<!tpu.dma_semaphore, #tpu.memory_space<semaphore_mem>>) src(%arg13 : memref<80x128xf32, #tpu.memory_space<vmem>>) dst(%dma_wait3A_142 : memref<80x128xf32, #tpu.memory_space<vmem_shared>>)
      tpu.yield
    }) : () -> ()
    %add3A_8 = arith.constant 320 : i32
    %add3A_9 = arith.addi %mul3A_0, %add3A_8 : i32
    "tpu.region"() ({
      %run_scoped3A = tpu.sem_alloc : memref<!tpu.dma_semaphore, #tpu.memory_space<semaphore_mem>>
      %dma_start3A = arith.constant 0 : i32
      %dma_start3A_137 = tpu.memref_slice %arg9[%add3A_9, %dma_start3A] : memref<10000x128xf32, #tpu.memory_space<vmem_shared>> -> memref<80x128xf32, #tpu.memory_space<vmem_shared>>
      %dma_start3A_138 = arith.constant 0 : i32
      %dma_start3A_139 = tpu.memref_slice %arg9[%add3A_9, %dma_start3A_138] : memref<10000x128xf32, #tpu.memory_space<vmem_shared>> -> memref<80x128xf32, #tpu.memory_space<vmem_shared>>
      tpu.enqueue_dma source(%arg13 : memref<80x128xf32, #tpu.memory_space<vmem>>) target(%dma_start3A_139 : memref<80x128xf32, #tpu.memory_space<vmem_shared>>) target_semaphore(%run_scoped3A : memref<!tpu.dma_semaphore, #tpu.memory_space<semaphore_mem>>)
      %dma_wait3A = arith.constant 0 : i32
      %dma_wait3A_140 = tpu.memref_slice %arg9[%add3A_9, %dma_wait3A] : memref<10000x128xf32, #tpu.memory_space<vmem_shared>> -> memref<80x128xf32, #tpu.memory_space<vmem_shared>>
      %dma_wait3A_141 = arith.constant 0 : i32
      %dma_wait3A_142 = tpu.memref_slice %arg9[%add3A_9, %dma_wait3A_141] : memref<10000x128xf32, #tpu.memory_space<vmem_shared>> -> memref<80x128xf32, #tpu.memory_space<vmem_shared>>
      tpu.wait_dma2 semaphore(%run_scoped3A : memref<!tpu.dma_semaphore, #tpu.memory_space<semaphore_mem>>) src(%arg13 : memref<80x128xf32, #tpu.memory_space<vmem>>) dst(%dma_wait3A_142 : memref<80x128xf32, #tpu.memory_space<vmem_shared>>)
      tpu.yield
    }) : () -> ()
    %add3A_10 = arith.constant 400 : i32
    %add3A_11 = arith.addi %mul3A_0, %add3A_10 : i32
    "tpu.region"() ({
      %run_scoped3A = tpu.sem_alloc : memref<!tpu.dma_semaphore, #tpu.memory_space<semaphore_mem>>
      %dma_start3A = arith.constant 0 : i32
      %dma_start3A_137 = tpu.memref_slice %arg9[%add3A_11, %dma_start3A] : memref<10000x128xf32, #tpu.memory_space<vmem_shared>> -> memref<80x128xf32, #tpu.memory_space<vmem_shared>>
      %dma_start3A_138 = arith.constant 0 : i32
      %dma_start3A_139 = tpu.memref_slice %arg9[%add3A_11, %dma_start3A_138] : memref<10000x128xf32, #tpu.memory_space<vmem_shared>> -> memref<80x128xf32, #tpu.memory_space<vmem_shared>>
      tpu.enqueue_dma source(%arg13 : memref<80x128xf32, #tpu.memory_space<vmem>>) target(%dma_start3A_139 : memref<80x128xf32, #tpu.memory_space<vmem_shared>>) target_semaphore(%run_scoped3A : memref<!tpu.dma_semaphore, #tpu.memory_space<semaphore_mem>>)
      %dma_wait3A = arith.constant 0 : i32
      %dma_wait3A_140 = tpu.memref_slice %arg9[%add3A_11, %dma_wait3A] : memref<10000x128xf32, #tpu.memory_space<vmem_shared>> -> memref<80x128xf32, #tpu.memory_space<vmem_shared>>
      %dma_wait3A_141 = arith.constant 0 : i32
      %dma_wait3A_142 = tpu.memref_slice %arg9[%add3A_11, %dma_wait3A_141] : memref<10000x128xf32, #tpu.memory_space<vmem_shared>> -> memref<80x128xf32, #tpu.memory_space<vmem_shared>>
      tpu.wait_dma2 semaphore(%run_scoped3A : memref<!tpu.dma_semaphore, #tpu.memory_space<semaphore_mem>>) src(%arg13 : memref<80x128xf32, #tpu.memory_space<vmem>>) dst(%dma_wait3A_142 : memref<80x128xf32, #tpu.memory_space<vmem_shared>>)
      tpu.yield
    }) : () -> ()
    %add3A_12 = arith.constant 480 : i32
    %add3A_13 = arith.addi %mul3A_0, %add3A_12 : i32
    "tpu.region"() ({
      %run_scoped3A = tpu.sem_alloc : memref<!tpu.dma_semaphore, #tpu.memory_space<semaphore_mem>>
      %dma_start3A = arith.constant 0 : i32
      %dma_start3A_137 = tpu.memref_slice %arg9[%add3A_13, %dma_start3A] : memref<10000x128xf32, #tpu.memory_space<vmem_shared>> -> memref<80x128xf32, #tpu.memory_space<vmem_shared>>
      %dma_start3A_138 = arith.constant 0 : i32
      %dma_start3A_139 = tpu.memref_slice %arg9[%add3A_13, %dma_start3A_138] : memref<10000x128xf32, #tpu.memory_space<vmem_shared>> -> memref<80x128xf32, #tpu.memory_space<vmem_shared>>
      tpu.enqueue_dma source(%arg13 : memref<80x128xf32, #tpu.memory_space<vmem>>) target(%dma_start3A_139 : memref<80x128xf32, #tpu.memory_space<vmem_shared>>) target_semaphore(%run_scoped3A : memref<!tpu.dma_semaphore, #tpu.memory_space<semaphore_mem>>)
      %dma_wait3A = arith.constant 0 : i32
      %dma_wait3A_140 = tpu.memref_slice %arg9[%add3A_13, %dma_wait3A] : memref<10000x128xf32, #tpu.memory_space<vmem_shared>> -> memref<80x128xf32, #tpu.memory_space<vmem_shared>>
      %dma_wait3A_141 = arith.constant 0 : i32
      %dma_wait3A_142 = tpu.memref_slice %arg9[%add3A_13, %dma_wait3A_141] : memref<10000x128xf32, #tpu.memory_space<vmem_shared>> -> memref<80x128xf32, #tpu.memory_space<vmem_shared>>
      tpu.wait_dma2 semaphore(%run_scoped3A : memref<!tpu.dma_semaphore, #tpu.memory_space<semaphore_mem>>) src(%arg13 : memref<80x128xf32, #tpu.memory_space<vmem>>) dst(%dma_wait3A_142 : memref<80x128xf32, #tpu.memory_space<vmem_shared>>)
      tpu.yield
    }) : () -> ()
    %add3A_14 = arith.constant 560 : i32
    %add3A_15 = arith.addi %mul3A_0, %add3A_14 : i32
    "tpu.region"() ({
      %run_scoped3A = tpu.sem_alloc : memref<!tpu.dma_semaphore, #tpu.memory_space<semaphore_mem>>
      %dma_start3A = arith.constant 0 : i32
      %dma_start3A_137 = arith.constant 0 : i32
      %dma_start3A_138 = tpu.memref_slice %arg13[%dma_start3A, %dma_start3A_137] : memref<80x128xf32, #tpu.memory_space<vmem>> -> memref<64x128xf32, #tpu.memory_space<vmem>>
      %dma_start3A_139 = arith.constant 0 : i32
      %dma_start3A_140 = tpu.memref_slice %arg9[%add3A_15, %dma_start3A_139] : memref<10000x128xf32, #tpu.memory_space<vmem_shared>> -> memref<64x128xf32, #tpu.memory_space<vmem_shared>>
      %dma_start3A_141 = arith.constant 0 : i32
      %dma_start3A_142 = tpu.memref_slice %arg9[%add3A_15, %dma_start3A_141] : memref<10000x128xf32, #tpu.memory_space<vmem_shared>> -> memref<64x128xf32, #tpu.memory_space<vmem_shared>>
      %dma_start3A_143 = arith.constant 0 : i32
      %dma_start3A_144 = arith.constant 0 : i32
      %dma_start3A_145 = tpu.memref_slice %arg13[%dma_start3A_143, %dma_start3A_144] : memref<80x128xf32, #tpu.memory_space<vmem>> -> memref<64x128xf32, #tpu.memory_space<vmem>>
      tpu.enqueue_dma source(%dma_start3A_145 : memref<64x128xf32, #tpu.memory_space<vmem>>) target(%dma_start3A_142 : memref<64x128xf32, #tpu.memory_space<vmem_shared>>) target_semaphore(%run_scoped3A : memref<!tpu.dma_semaphore, #tpu.memory_space<semaphore_mem>>)
      %dma_wait3A = arith.constant 0 : i32
      %dma_wait3A_146 = arith.constant 0 : i32
      %dma_wait3A_147 = tpu.memref_slice %arg13[%dma_wait3A, %dma_wait3A_146] : memref<80x128xf32, #tpu.memory_space<vmem>> -> memref<64x128xf32, #tpu.memory_space<vmem>>
      %dma_wait3A_148 = arith.constant 0 : i32
      %dma_wait3A_149 = tpu.memref_slice %arg9[%add3A_15, %dma_wait3A_148] : memref<10000x128xf32, #tpu.memory_space<vmem_shared>> -> memref<64x128xf32, #tpu.memory_space<vmem_shared>>
      %dma_wait3A_150 = arith.constant 0 : i32
      %dma_wait3A_151 = tpu.memref_slice %arg9[%add3A_15, %dma_wait3A_150] : memref<10000x128xf32, #tpu.memory_space<vmem_shared>> -> memref<64x128xf32, #tpu.memory_space<vmem_shared>>
      %dma_wait3A_152 = arith.constant 0 : i32
      %dma_wait3A_153 = arith.constant 0 : i32
      %dma_wait3A_154 = tpu.memref_slice %arg13[%dma_wait3A_152, %dma_wait3A_153] : memref<80x128xf32, #tpu.memory_space<vmem>> -> memref<64x128xf32, #tpu.memory_space<vmem>>
      tpu.wait_dma2 semaphore(%run_scoped3A : memref<!tpu.dma_semaphore, #tpu.memory_space<semaphore_mem>>) src(%dma_wait3A_154 : memref<64x128xf32, #tpu.memory_space<vmem>>) dst(%dma_wait3A_151 : memref<64x128xf32, #tpu.memory_space<vmem_shared>>)
      tpu.yield
    }) : () -> ()
    %eq3A = arith.constant 15 : i32
    %eq3A_16 = arith.cmpi eq, %arg1, %eq3A : i32
    %convert_element_type3A = arith.extui %eq3A_16 : i1 to i32
    %cond3A = arith.constant 0 : i32
    %cond3A_17 = arith.cmpi ne, %convert_element_type3A, %cond3A : i32
    scf.if %cond3A_17 {
      "tpu.region"() ({
        %run_scoped3A = tpu.sem_alloc : memref<!tpu.dma_semaphore, #tpu.memory_space<semaphore_mem>>
        %dma_start3A = arith.constant 0 : i32
        %dma_start3A_137 = arith.constant 0 : i32
        %dma_start3A_138 = tpu.memref_slice %arg13[%dma_start3A, %dma_start3A_137] : memref<80x128xf32, #tpu.memory_space<vmem>> -> memref<16x128xf32, #tpu.memory_space<vmem>>
        %dma_start3A_139 = arith.constant 9984 : i32
        %dma_start3A_140 = arith.constant 0 : i32
        %dma_start3A_141 = tpu.memref_slice %arg9[%dma_start3A_139, %dma_start3A_140] : memref<10000x128xf32, #tpu.memory_space<vmem_shared>> -> memref<16x128xf32, #tpu.memory_space<vmem_shared>>
        %dma_start3A_142 = arith.constant 9984 : i32
        %dma_start3A_143 = arith.constant 0 : i32
        %dma_start3A_144 = tpu.memref_slice %arg9[%dma_start3A_142, %dma_start3A_143] : memref<10000x128xf32, #tpu.memory_space<vmem_shared>> -> memref<16x128xf32, #tpu.memory_space<vmem_shared>>
        %dma_start3A_145 = arith.constant 0 : i32
        %dma_start3A_146 = arith.constant 0 : i32
        %dma_start3A_147 = tpu.memref_slice %arg13[%dma_start3A_145, %dma_start3A_146] : memref<80x128xf32, #tpu.memory_space<vmem>> -> memref<16x128xf32, #tpu.memory_space<vmem>>
        tpu.enqueue_dma source(%dma_start3A_147 : memref<16x128xf32, #tpu.memory_space<vmem>>) target(%dma_start3A_144 : memref<16x128xf32, #tpu.memory_space<vmem_shared>>) target_semaphore(%run_scoped3A : memref<!tpu.dma_semaphore, #tpu.memory_space<semaphore_mem>>)
        %dma_wait3A = arith.constant 0 : i32
        %dma_wait3A_148 = arith.constant 0 : i32
        %dma_wait3A_149 = tpu.memref_slice %arg13[%dma_wait3A, %dma_wait3A_148] : memref<80x128xf32, #tpu.memory_space<vmem>> -> memref<16x128xf32, #tpu.memory_space<vmem>>
        %dma_wait3A_150 = arith.constant 9984 : i32
        %dma_wait3A_151 = arith.constant 0 : i32
        %dma_wait3A_152 = tpu.memref_slice %arg9[%dma_wait3A_150, %dma_wait3A_151] : memref<10000x128xf32, #tpu.memory_space<vmem_shared>> -> memref<16x128xf32, #tpu.memory_space<vmem_shared>>
        %dma_wait3A_153 = arith.constant 9984 : i32
        %dma_wait3A_154 = arith.constant 0 : i32
        %dma_wait3A_155 = tpu.memref_slice %arg9[%dma_wait3A_153, %dma_wait3A_154] : memref<10000x128xf32, #tpu.memory_space<vmem_shared>> -> memref<16x128xf32, #tpu.memory_space<vmem_shared>>
        %dma_wait3A_156 = arith.constant 0 : i32
        %dma_wait3A_157 = arith.constant 0 : i32
        %dma_wait3A_158 = tpu.memref_slice %arg13[%dma_wait3A_156, %dma_wait3A_157] : memref<80x128xf32, #tpu.memory_space<vmem>> -> memref<16x128xf32, #tpu.memory_space<vmem>>
        tpu.wait_dma2 semaphore(%run_scoped3A : memref<!tpu.dma_semaphore, #tpu.memory_space<semaphore_mem>>) src(%dma_wait3A_158 : memref<16x128xf32, #tpu.memory_space<vmem>>) dst(%dma_wait3A_155 : memref<16x128xf32, #tpu.memory_space<vmem_shared>>)
        tpu.yield
      }) : () -> ()
    } else {
    }
    %barrier3A = arith.constant 0 : index
    tpu.barrier barrier_id(%barrier3A)
    %eq3A_18 = arith.constant 0 : i32
    %eq3A_19 = arith.cmpi eq, %arg0, %eq3A_18 : i32
    %convert_element_type3A_20 = arith.extui %eq3A_19 : i1 to i32
    %cond3A_21 = arith.constant 0 : i32
    %cond3A_22 = arith.cmpi ne, %convert_element_type3A_20, %cond3A_21 : i32
    scf.if %cond3A_22 {
      %mul3A_137 = arith.constant 20000 : i32
      %mul3A_138 = arith.muli %arg1, %mul3A_137 : i32
      %add3A_139 = arith.constant 0 : i32
      %add3A_140 = arith.addi %mul3A_138, %add3A_139 : i32
      "tpu.region"() ({
        %run_scoped3A = tpu.sem_alloc : memref<!tpu.dma_semaphore, #tpu.memory_space<semaphore_mem>>
        %dma_start3A_150 = tpu.memref_slice %arg3[%add3A_140] : memref<320000xi32, #tpu.memory_space<hbm>> -> memref<80xi32, #tpu.memory_space<hbm>>
        %dma_start3A_151 = tpu.memref_slice %arg3[%add3A_140] : memref<320000xi32, #tpu.memory_space<hbm>> -> memref<80xi32, #tpu.memory_space<hbm>>
        tpu.enqueue_dma source(%dma_start3A_151 : memref<80xi32, #tpu.memory_space<hbm>>) target(%arg10 : memref<80xi32, #tpu.memory_space<vmem>>) target_semaphore(%run_scoped3A : memref<!tpu.dma_semaphore, #tpu.memory_space<semaphore_mem>>)
        %dma_wait3A_152 = tpu.memref_slice %arg3[%add3A_140] : memref<320000xi32, #tpu.memory_space<hbm>> -> memref<80xi32, #tpu.memory_space<hbm>>
        %dma_wait3A_153 = tpu.memref_slice %arg3[%add3A_140] : memref<320000xi32, #tpu.memory_space<hbm>> -> memref<80xi32, #tpu.memory_space<hbm>>
        tpu.wait_dma2 semaphore(%run_scoped3A : memref<!tpu.dma_semaphore, #tpu.memory_space<semaphore_mem>>) src(%dma_wait3A_153 : memref<80xi32, #tpu.memory_space<hbm>>) dst(%arg10 : memref<80xi32, #tpu.memory_space<vmem>>)
        tpu.yield
      }) : () -> ()
      "tpu.region"() ({
        %run_scoped3A = tpu.sem_alloc : memref<!tpu.dma_semaphore, #tpu.memory_space<semaphore_mem>>
        %dma_start3A_150 = tpu.memref_slice %arg4[%add3A_140] : memref<320000xi32, #tpu.memory_space<hbm>> -> memref<80xi32, #tpu.memory_space<hbm>>
        %dma_start3A_151 = tpu.memref_slice %arg4[%add3A_140] : memref<320000xi32, #tpu.memory_space<hbm>> -> memref<80xi32, #tpu.memory_space<hbm>>
        tpu.enqueue_dma source(%dma_start3A_151 : memref<80xi32, #tpu.memory_space<hbm>>) target(%arg11 : memref<80xi32, #tpu.memory_space<vmem>>) target_semaphore(%run_scoped3A : memref<!tpu.dma_semaphore, #tpu.memory_space<semaphore_mem>>)
        %dma_wait3A_152 = tpu.memref_slice %arg4[%add3A_140] : memref<320000xi32, #tpu.memory_space<hbm>> -> memref<80xi32, #tpu.memory_space<hbm>>
        %dma_wait3A_153 = tpu.memref_slice %arg4[%add3A_140] : memref<320000xi32, #tpu.memory_space<hbm>> -> memref<80xi32, #tpu.memory_space<hbm>>
        tpu.wait_dma2 semaphore(%run_scoped3A : memref<!tpu.dma_semaphore, #tpu.memory_space<semaphore_mem>>) src(%dma_wait3A_153 : memref<80xi32, #tpu.memory_space<hbm>>) dst(%arg11 : memref<80xi32, #tpu.memory_space<vmem>>)
        tpu.yield
      }) : () -> ()
      %dma_start3A = arith.constant 0 : i32
      %dma_start3A_141 = arith.constant 0 : i32
      %dma_start3A_142 = tpu.memref_slice %arg2[%dma_start3A, %dma_start3A_141] : memref<10000x128xf32, #tpu.memory_space<hbm>> -> memref<10000x128xf32, #tpu.memory_space<hbm>>
      tpu.enqueue_indirect_dma source(%dma_start3A_142 : memref<10000x128xf32, #tpu.memory_space<hbm>>) target(%arg13 : memref<80x128xf32, #tpu.memory_space<vmem>>) offsets(%arg10 : memref<80xi32, #tpu.memory_space<vmem>>) semaphore(%arg16 : memref<!tpu.dma_semaphore, #tpu.memory_space<semaphore_mem>>)
      %dma_wait3A = arith.constant 0 : i32
      %dma_wait3A_143 = arith.constant 0 : i32
      %dma_wait3A_144 = tpu.memref_slice %arg2[%dma_wait3A, %dma_wait3A_143] : memref<10000x128xf32, #tpu.memory_space<hbm>> -> memref<10000x128xf32, #tpu.memory_space<hbm>>
      tpu.wait_indirect_dma semaphore(%arg16 : memref<!tpu.dma_semaphore, #tpu.memory_space<semaphore_mem>>) src(%dma_wait3A_144 : memref<10000x128xf32, #tpu.memory_space<hbm>>) dst(%arg13 : memref<80x128xf32, #tpu.memory_space<vmem>>)
      %scan3A = arith.constant 0 : i32
      %scan3A_145 = arith.constant 0 : i32
      %scan3A_146 = arith.constant 125 : i32
      %scan3A_147 = arith.addi %scan3A_145, %scan3A_146 : i32
      %scan3A_148 = arith.constant 1 : i32
      scf.for %scan3A_150 = %scan3A_145 to %scan3A_147 step %scan3A_148  : i32 {
        %mul3A_151 = arith.constant 2 : i32
        %mul3A_152 = arith.muli %mul3A_151, %scan3A_150 : i32
        %dma_start3A_153 = arith.constant 0 : i32
        %dma_start3A_154 = arith.constant 0 : i32
        %dma_start3A_155 = tpu.memref_slice %arg9[%dma_start3A_153, %dma_start3A_154] : memref<10000x128xf32, #tpu.memory_space<vmem_shared>> -> memref<10000x128xf32, #tpu.memory_space<vmem_shared>>
        tpu.enqueue_indirect_dma source(%arg13 : memref<80x128xf32, #tpu.memory_space<vmem>>) target(%dma_start3A_155 : memref<10000x128xf32, #tpu.memory_space<vmem_shared>>) offsets(%arg11 : memref<80xi32, #tpu.memory_space<vmem>>) semaphore(%arg17 : memref<!tpu.dma_semaphore, #tpu.memory_space<semaphore_mem>>) {add = true}
        %add3A_156 = arith.constant 1 : i32
        %add3A_157 = arith.addi %mul3A_152, %add3A_156 : i32
        %mul3A_158 = arith.constant 20000 : i32
        %mul3A_159 = arith.muli %arg1, %mul3A_158 : i32
        %mul3A_160 = arith.constant 80 : i32
        %mul3A_161 = arith.muli %add3A_157, %mul3A_160 : i32
        %add3A_162 = arith.addi %mul3A_159, %mul3A_161 : i32
        "tpu.region"() ({
          %run_scoped3A = tpu.sem_alloc : memref<!tpu.dma_semaphore, #tpu.memory_space<semaphore_mem>>
          %dma_start3A_178 = tpu.memref_slice %arg3[%add3A_162] : memref<320000xi32, #tpu.memory_space<hbm>> -> memref<80xi32, #tpu.memory_space<hbm>>
          %dma_start3A_179 = tpu.memref_slice %arg3[%add3A_162] : memref<320000xi32, #tpu.memory_space<hbm>> -> memref<80xi32, #tpu.memory_space<hbm>>
          tpu.enqueue_dma source(%dma_start3A_179 : memref<80xi32, #tpu.memory_space<hbm>>) target(%arg10 : memref<80xi32, #tpu.memory_space<vmem>>) target_semaphore(%run_scoped3A : memref<!tpu.dma_semaphore, #tpu.memory_space<semaphore_mem>>)
          %dma_wait3A_180 = tpu.memref_slice %arg3[%add3A_162] : memref<320000xi32, #tpu.memory_space<hbm>> -> memref<80xi32, #tpu.memory_space<hbm>>
          %dma_wait3A_181 = tpu.memref_slice %arg3[%add3A_162] : memref<320000xi32, #tpu.memory_space<hbm>> -> memref<80xi32, #tpu.memory_space<hbm>>
          tpu.wait_dma2 semaphore(%run_scoped3A : memref<!tpu.dma_semaphore, #tpu.memory_space<semaphore_mem>>) src(%dma_wait3A_181 : memref<80xi32, #tpu.memory_space<hbm>>) dst(%arg10 : memref<80xi32, #tpu.memory_space<vmem>>)
          tpu.yield
        }) : () -> ()
        "tpu.region"() ({
          %run_scoped3A = tpu.sem_alloc : memref<!tpu.dma_semaphore, #tpu.memory_space<semaphore_mem>>
          %dma_start3A_178 = tpu.memref_slice %arg4[%add3A_162] : memref<320000xi32, #tpu.memory_space<hbm>> -> memref<80xi32, #tpu.memory_space<hbm>>
          %dma_start3A_179 = tpu.memref_slice %arg4[%add3A_162] : memref<320000xi32, #tpu.memory_space<hbm>> -> memref<80xi32, #tpu.memory_space<hbm>>
          tpu.enqueue_dma source(%dma_start3A_179 : memref<80xi32, #tpu.memory_space<hbm>>) target(%arg12 : memref<80xi32, #tpu.memory_space<vmem>>) target_semaphore(%run_scoped3A : memref<!tpu.dma_semaphore, #tpu.memory_space<semaphore_mem>>)
          %dma_wait3A_180 = tpu.memref_slice %arg4[%add3A_162] : memref<320000xi32, #tpu.memory_space<hbm>> -> memref<80xi32, #tpu.memory_space<hbm>>
          %dma_wait3A_181 = tpu.memref_slice %arg4[%add3A_162] : memref<320000xi32, #tpu.memory_space<hbm>> -> memref<80xi32, #tpu.memory_space<hbm>>
          tpu.wait_dma2 semaphore(%run_scoped3A : memref<!tpu.dma_semaphore, #tpu.memory_space<semaphore_mem>>) src(%dma_wait3A_181 : memref<80xi32, #tpu.memory_space<hbm>>) dst(%arg12 : memref<80xi32, #tpu.memory_space<vmem>>)
          tpu.yield
        }) : () -> ()
        %dma_start3A_163 = arith.constant 0 : i32
        %dma_start3A_164 = arith.constant 0 : i32
        %dma_start3A_165 = tpu.memref_slice %arg2[%dma_start3A_163, %dma_start3A_164] : memref<10000x128xf32, #tpu.memory_space<hbm>> -> memref<10000x128xf32, #tpu.memory_space<hbm>>
        tpu.enqueue_indirect_dma source(%dma_start3A_165 : memref<10000x128xf32, #tpu.memory_space<hbm>>) target(%arg14 : memref<80x128xf32, #tpu.memory_space<vmem>>) offsets(%arg10 : memref<80xi32, #tpu.memory_space<vmem>>) semaphore(%arg16 : memref<!tpu.dma_semaphore, #tpu.memory_space<semaphore_mem>>)
        %dma_wait3A_166 = arith.constant 0 : i32
        %dma_wait3A_167 = arith.constant 0 : i32
        %dma_wait3A_168 = tpu.memref_slice %arg2[%dma_wait3A_166, %dma_wait3A_167] : memref<10000x128xf32, #tpu.memory_space<hbm>> -> memref<10000x128xf32, #tpu.memory_space<hbm>>
        tpu.wait_indirect_dma semaphore(%arg16 : memref<!tpu.dma_semaphore, #tpu.memory_space<semaphore_mem>>) src(%dma_wait3A_168 : memref<10000x128xf32, #tpu.memory_space<hbm>>) dst(%arg14 : memref<80x128xf32, #tpu.memory_space<vmem>>)
        %dma_start3A_169 = arith.constant 0 : i32
        %dma_start3A_170 = arith.constant 0 : i32
        %dma_start3A_171 = tpu.memref_slice %arg9[%dma_start3A_169, %dma_start3A_170] : memref<10000x128xf32, #tpu.memory_space<vmem_shared>> -> memref<10000x128xf32, #tpu.memory_space<vmem_shared>>
        tpu.enqueue_indirect_dma source(%arg14 : memref<80x128xf32, #tpu.memory_space<vmem>>) target(%dma_start3A_171 : memref<10000x128xf32, #tpu.memory_space<vmem_shared>>) offsets(%arg12 : memref<80xi32, #tpu.memory_space<vmem>>) semaphore(%arg18 : memref<!tpu.dma_semaphore, #tpu.memory_space<semaphore_mem>>) {add = true}
        tpu.wait_dma2 semaphore(%arg17 : memref<!tpu.dma_semaphore, #tpu.memory_space<semaphore_mem>>) src(%arg5 : memref<80x128xf32, #tpu.memory_space<hbm>>) dst(%arg13 : memref<80x128xf32, #tpu.memory_space<vmem>>)
        %add3A_172 = arith.constant 2 : i32
        %add3A_173 = arith.addi %mul3A_152, %add3A_172 : i32
        %lt3A = arith.constant 250 : i32
        %lt3A_174 = arith.cmpi slt, %add3A_173, %lt3A : i32
        %convert_element_type3A_175 = arith.extui %lt3A_174 : i1 to i32
        %cond3A_176 = arith.constant 0 : i32
        %cond3A_177 = arith.cmpi ne, %convert_element_type3A_175, %cond3A_176 : i32
        scf.if %cond3A_177 {
          %add3A_178 = arith.constant 2 : i32
          %add3A_179 = arith.addi %mul3A_152, %add3A_178 : i32
          %mul3A_180 = arith.constant 20000 : i32
          %mul3A_181 = arith.muli %arg1, %mul3A_180 : i32
          %mul3A_182 = arith.constant 80 : i32
          %mul3A_183 = arith.muli %add3A_179, %mul3A_182 : i32
          %add3A_184 = arith.addi %mul3A_181, %mul3A_183 : i32
          "tpu.region"() ({
            %run_scoped3A = tpu.sem_alloc : memref<!tpu.dma_semaphore, #tpu.memory_space<semaphore_mem>>
            %dma_start3A_191 = tpu.memref_slice %arg3[%add3A_184] : memref<320000xi32, #tpu.memory_space<hbm>> -> memref<80xi32, #tpu.memory_space<hbm>>
            %dma_start3A_192 = tpu.memref_slice %arg3[%add3A_184] : memref<320000xi32, #tpu.memory_space<hbm>> -> memref<80xi32, #tpu.memory_space<hbm>>
            tpu.enqueue_dma source(%dma_start3A_192 : memref<80xi32, #tpu.memory_space<hbm>>) target(%arg10 : memref<80xi32, #tpu.memory_space<vmem>>) target_semaphore(%run_scoped3A : memref<!tpu.dma_semaphore, #tpu.memory_space<semaphore_mem>>)
            %dma_wait3A_193 = tpu.memref_slice %arg3[%add3A_184] : memref<320000xi32, #tpu.memory_space<hbm>> -> memref<80xi32, #tpu.memory_space<hbm>>
            %dma_wait3A_194 = tpu.memref_slice %arg3[%add3A_184] : memref<320000xi32, #tpu.memory_space<hbm>> -> memref<80xi32, #tpu.memory_space<hbm>>
            tpu.wait_dma2 semaphore(%run_scoped3A : memref<!tpu.dma_semaphore, #tpu.memory_space<semaphore_mem>>) src(%dma_wait3A_194 : memref<80xi32, #tpu.memory_space<hbm>>) dst(%arg10 : memref<80xi32, #tpu.memory_space<vmem>>)
            tpu.yield
          }) : () -> ()
          "tpu.region"() ({
            %run_scoped3A = tpu.sem_alloc : memref<!tpu.dma_semaphore, #tpu.memory_space<semaphore_mem>>
            %dma_start3A_191 = tpu.memref_slice %arg4[%add3A_184] : memref<320000xi32, #tpu.memory_space<hbm>> -> memref<80xi32, #tpu.memory_space<hbm>>
            %dma_start3A_192 = tpu.memref_slice %arg4[%add3A_184] : memref<320000xi32, #tpu.memory_space<hbm>> -> memref<80xi32, #tpu.memory_space<hbm>>
            tpu.enqueue_dma source(%dma_start3A_192 : memref<80xi32, #tpu.memory_space<hbm>>) target(%arg11 : memref<80xi32, #tpu.memory_space<vmem>>) target_semaphore(%run_scoped3A : memref<!tpu.dma_semaphore, #tpu.memory_space<semaphore_mem>>)
            %dma_wait3A_193 = tpu.memref_slice %arg4[%add3A_184] : memref<320000xi32, #tpu.memory_space<hbm>> -> memref<80xi32, #tpu.memory_space<hbm>>
            %dma_wait3A_194 = tpu.memref_slice %arg4[%add3A_184] : memref<320000xi32, #tpu.memory_space<hbm>> -> memref<80xi32, #tpu.memory_space<hbm>>
            tpu.wait_dma2 semaphore(%run_scoped3A : memref<!tpu.dma_semaphore, #tpu.memory_space<semaphore_mem>>) src(%dma_wait3A_194 : memref<80xi32, #tpu.memory_space<hbm>>) dst(%arg11 : memref<80xi32, #tpu.memory_space<vmem>>)
            tpu.yield
          }) : () -> ()
          %dma_start3A_185 = arith.constant 0 : i32
          %dma_start3A_186 = arith.constant 0 : i32
          %dma_start3A_187 = tpu.memref_slice %arg2[%dma_start3A_185, %dma_start3A_186] : memref<10000x128xf32, #tpu.memory_space<hbm>> -> memref<10000x128xf32, #tpu.memory_space<hbm>>
          tpu.enqueue_indirect_dma source(%dma_start3A_187 : memref<10000x128xf32, #tpu.memory_space<hbm>>) target(%arg13 : memref<80x128xf32, #tpu.memory_space<vmem>>) offsets(%arg10 : memref<80xi32, #tpu.memory_space<vmem>>) semaphore(%arg16 : memref<!tpu.dma_semaphore, #tpu.memory_space<semaphore_mem>>)
          %dma_wait3A_188 = arith.constant 0 : i32
          %dma_wait3A_189 = arith.constant 0 : i32
          %dma_wait3A_190 = tpu.memref_slice %arg2[%dma_wait3A_188, %dma_wait3A_189] : memref<10000x128xf32, #tpu.memory_space<hbm>> -> memref<10000x128xf32, #tpu.memory_space<hbm>>
          tpu.wait_indirect_dma semaphore(%arg16 : memref<!tpu.dma_semaphore, #tpu.memory_space<semaphore_mem>>) src(%dma_wait3A_190 : memref<10000x128xf32, #tpu.memory_space<hbm>>) dst(%arg13 : memref<80x128xf32, #tpu.memory_space<vmem>>)
        } else {
        }
        tpu.wait_dma2 semaphore(%arg18 : memref<!tpu.dma_semaphore, #tpu.memory_space<semaphore_mem>>) src(%arg5 : memref<80x128xf32, #tpu.memory_space<hbm>>) dst(%arg13 : memref<80x128xf32, #tpu.memory_space<vmem>>)
      }
      %scan3A_149 = arith.constant 125 : i32
    } else {
    }
    %eq3A_23 = arith.constant 1 : i32
    %eq3A_24 = arith.cmpi eq, %arg0, %eq3A_23 : i32
    %convert_element_type3A_25 = arith.extui %eq3A_24 : i1 to i32
    %cond3A_26 = arith.constant 0 : i32
    %cond3A_27 = arith.cmpi ne, %convert_element_type3A_25, %cond3A_26 : i32
    scf.if %cond3A_27 {
      %mul3A_137 = arith.constant 20000 : i32
      %mul3A_138 = arith.muli %arg1, %mul3A_137 : i32
      %add3A_139 = arith.constant 0 : i32
      %add3A_140 = arith.addi %mul3A_138, %add3A_139 : i32
      "tpu.region"() ({
        %run_scoped3A = tpu.sem_alloc : memref<!tpu.dma_semaphore, #tpu.memory_space<semaphore_mem>>
        %dma_start3A_150 = tpu.memref_slice %arg4[%add3A_140] : memref<320000xi32, #tpu.memory_space<hbm>> -> memref<80xi32, #tpu.memory_space<hbm>>
        %dma_start3A_151 = tpu.memref_slice %arg4[%add3A_140] : memref<320000xi32, #tpu.memory_space<hbm>> -> memref<80xi32, #tpu.memory_space<hbm>>
        tpu.enqueue_dma source(%dma_start3A_151 : memref<80xi32, #tpu.memory_space<hbm>>) target(%arg10 : memref<80xi32, #tpu.memory_space<vmem>>) target_semaphore(%run_scoped3A : memref<!tpu.dma_semaphore, #tpu.memory_space<semaphore_mem>>)
        %dma_wait3A_152 = tpu.memref_slice %arg4[%add3A_140] : memref<320000xi32, #tpu.memory_space<hbm>> -> memref<80xi32, #tpu.memory_space<hbm>>
        %dma_wait3A_153 = tpu.memref_slice %arg4[%add3A_140] : memref<320000xi32, #tpu.memory_space<hbm>> -> memref<80xi32, #tpu.memory_space<hbm>>
        tpu.wait_dma2 semaphore(%run_scoped3A : memref<!tpu.dma_semaphore, #tpu.memory_space<semaphore_mem>>) src(%dma_wait3A_153 : memref<80xi32, #tpu.memory_space<hbm>>) dst(%arg10 : memref<80xi32, #tpu.memory_space<vmem>>)
        tpu.yield
      }) : () -> ()
      "tpu.region"() ({
        %run_scoped3A = tpu.sem_alloc : memref<!tpu.dma_semaphore, #tpu.memory_space<semaphore_mem>>
        %dma_start3A_150 = tpu.memref_slice %arg3[%add3A_140] : memref<320000xi32, #tpu.memory_space<hbm>> -> memref<80xi32, #tpu.memory_space<hbm>>
        %dma_start3A_151 = tpu.memref_slice %arg3[%add3A_140] : memref<320000xi32, #tpu.memory_space<hbm>> -> memref<80xi32, #tpu.memory_space<hbm>>
        tpu.enqueue_dma source(%dma_start3A_151 : memref<80xi32, #tpu.memory_space<hbm>>) target(%arg11 : memref<80xi32, #tpu.memory_space<vmem>>) target_semaphore(%run_scoped3A : memref<!tpu.dma_semaphore, #tpu.memory_space<semaphore_mem>>)
        %dma_wait3A_152 = tpu.memref_slice %arg3[%add3A_140] : memref<320000xi32, #tpu.memory_space<hbm>> -> memref<80xi32, #tpu.memory_space<hbm>>
        %dma_wait3A_153 = tpu.memref_slice %arg3[%add3A_140] : memref<320000xi32, #tpu.memory_space<hbm>> -> memref<80xi32, #tpu.memory_space<hbm>>
        tpu.wait_dma2 semaphore(%run_scoped3A : memref<!tpu.dma_semaphore, #tpu.memory_space<semaphore_mem>>) src(%dma_wait3A_153 : memref<80xi32, #tpu.memory_space<hbm>>) dst(%arg11 : memref<80xi32, #tpu.memory_space<vmem>>)
        tpu.yield
      }) : () -> ()
      %dma_start3A = arith.constant 0 : i32
      %dma_start3A_141 = arith.constant 0 : i32
      %dma_start3A_142 = tpu.memref_slice %arg2[%dma_start3A, %dma_start3A_141] : memref<10000x128xf32, #tpu.memory_space<hbm>> -> memref<10000x128xf32, #tpu.memory_space<hbm>>
      tpu.enqueue_indirect_dma source(%dma_start3A_142 : memref<10000x128xf32, #tpu.memory_space<hbm>>) target(%arg13 : memref<80x128xf32, #tpu.memory_space<vmem>>) offsets(%arg10 : memref<80xi32, #tpu.memory_space<vmem>>) semaphore(%arg16 : memref<!tpu.dma_semaphore, #tpu.memory_space<semaphore_mem>>)
      %dma_wait3A = arith.constant 0 : i32
      %dma_wait3A_143 = arith.constant 0 : i32
      %dma_wait3A_144 = tpu.memref_slice %arg2[%dma_wait3A, %dma_wait3A_143] : memref<10000x128xf32, #tpu.memory_space<hbm>> -> memref<10000x128xf32, #tpu.memory_space<hbm>>
      tpu.wait_indirect_dma semaphore(%arg16 : memref<!tpu.dma_semaphore, #tpu.memory_space<semaphore_mem>>) src(%dma_wait3A_144 : memref<10000x128xf32, #tpu.memory_space<hbm>>) dst(%arg13 : memref<80x128xf32, #tpu.memory_space<vmem>>)
      %scan3A = arith.constant 0 : i32
      %scan3A_145 = arith.constant 0 : i32
      %scan3A_146 = arith.constant 125 : i32
      %scan3A_147 = arith.addi %scan3A_145, %scan3A_146 : i32
      %scan3A_148 = arith.constant 1 : i32
      scf.for %scan3A_150 = %scan3A_145 to %scan3A_147 step %scan3A_148  : i32 {
        %mul3A_151 = arith.constant 2 : i32
        %mul3A_152 = arith.muli %mul3A_151, %scan3A_150 : i32
        %dma_start3A_153 = arith.constant 0 : i32
        %dma_start3A_154 = arith.constant 0 : i32
        %dma_start3A_155 = tpu.memref_slice %arg9[%dma_start3A_153, %dma_start3A_154] : memref<10000x128xf32, #tpu.memory_space<vmem_shared>> -> memref<10000x128xf32, #tpu.memory_space<vmem_shared>>
        tpu.enqueue_indirect_dma source(%arg13 : memref<80x128xf32, #tpu.memory_space<vmem>>) target(%dma_start3A_155 : memref<10000x128xf32, #tpu.memory_space<vmem_shared>>) offsets(%arg11 : memref<80xi32, #tpu.memory_space<vmem>>) semaphore(%arg17 : memref<!tpu.dma_semaphore, #tpu.memory_space<semaphore_mem>>) {add = true}
        %add3A_156 = arith.constant 1 : i32
        %add3A_157 = arith.addi %mul3A_152, %add3A_156 : i32
        %mul3A_158 = arith.constant 20000 : i32
        %mul3A_159 = arith.muli %arg1, %mul3A_158 : i32
        %mul3A_160 = arith.constant 80 : i32
        %mul3A_161 = arith.muli %add3A_157, %mul3A_160 : i32
        %add3A_162 = arith.addi %mul3A_159, %mul3A_161 : i32
        "tpu.region"() ({
          %run_scoped3A = tpu.sem_alloc : memref<!tpu.dma_semaphore, #tpu.memory_space<semaphore_mem>>
          %dma_start3A_178 = tpu.memref_slice %arg4[%add3A_162] : memref<320000xi32, #tpu.memory_space<hbm>> -> memref<80xi32, #tpu.memory_space<hbm>>
          %dma_start3A_179 = tpu.memref_slice %arg4[%add3A_162] : memref<320000xi32, #tpu.memory_space<hbm>> -> memref<80xi32, #tpu.memory_space<hbm>>
          tpu.enqueue_dma source(%dma_start3A_179 : memref<80xi32, #tpu.memory_space<hbm>>) target(%arg10 : memref<80xi32, #tpu.memory_space<vmem>>) target_semaphore(%run_scoped3A : memref<!tpu.dma_semaphore, #tpu.memory_space<semaphore_mem>>)
          %dma_wait3A_180 = tpu.memref_slice %arg4[%add3A_162] : memref<320000xi32, #tpu.memory_space<hbm>> -> memref<80xi32, #tpu.memory_space<hbm>>
          %dma_wait3A_181 = tpu.memref_slice %arg4[%add3A_162] : memref<320000xi32, #tpu.memory_space<hbm>> -> memref<80xi32, #tpu.memory_space<hbm>>
          tpu.wait_dma2 semaphore(%run_scoped3A : memref<!tpu.dma_semaphore, #tpu.memory_space<semaphore_mem>>) src(%dma_wait3A_181 : memref<80xi32, #tpu.memory_space<hbm>>) dst(%arg10 : memref<80xi32, #tpu.memory_space<vmem>>)
          tpu.yield
        }) : () -> ()
        "tpu.region"() ({
          %run_scoped3A = tpu.sem_alloc : memref<!tpu.dma_semaphore, #tpu.memory_space<semaphore_mem>>
          %dma_start3A_178 = tpu.memref_slice %arg3[%add3A_162] : memref<320000xi32, #tpu.memory_space<hbm>> -> memref<80xi32, #tpu.memory_space<hbm>>
          %dma_start3A_179 = tpu.memref_slice %arg3[%add3A_162] : memref<320000xi32, #tpu.memory_space<hbm>> -> memref<80xi32, #tpu.memory_space<hbm>>
          tpu.enqueue_dma source(%dma_start3A_179 : memref<80xi32, #tpu.memory_space<hbm>>) target(%arg12 : memref<80xi32, #tpu.memory_space<vmem>>) target_semaphore(%run_scoped3A : memref<!tpu.dma_semaphore, #tpu.memory_space<semaphore_mem>>)
          %dma_wait3A_180 = tpu.memref_slice %arg3[%add3A_162] : memref<320000xi32, #tpu.memory_space<hbm>> -> memref<80xi32, #tpu.memory_space<hbm>>
          %dma_wait3A_181 = tpu.memref_slice %arg3[%add3A_162] : memref<320000xi32, #tpu.memory_space<hbm>> -> memref<80xi32, #tpu.memory_space<hbm>>
          tpu.wait_dma2 semaphore(%run_scoped3A : memref<!tpu.dma_semaphore, #tpu.memory_space<semaphore_mem>>) src(%dma_wait3A_181 : memref<80xi32, #tpu.memory_space<hbm>>) dst(%arg12 : memref<80xi32, #tpu.memory_space<vmem>>)
          tpu.yield
        }) : () -> ()
        %dma_start3A_163 = arith.constant 0 : i32
        %dma_start3A_164 = arith.constant 0 : i32
        %dma_start3A_165 = tpu.memref_slice %arg2[%dma_start3A_163, %dma_start3A_164] : memref<10000x128xf32, #tpu.memory_space<hbm>> -> memref<10000x128xf32, #tpu.memory_space<hbm>>
        tpu.enqueue_indirect_dma source(%dma_start3A_165 : memref<10000x128xf32, #tpu.memory_space<hbm>>) target(%arg14 : memref<80x128xf32, #tpu.memory_space<vmem>>) offsets(%arg10 : memref<80xi32, #tpu.memory_space<vmem>>) semaphore(%arg16 : memref<!tpu.dma_semaphore, #tpu.memory_space<semaphore_mem>>)
        %dma_wait3A_166 = arith.constant 0 : i32
        %dma_wait3A_167 = arith.constant 0 : i32
        %dma_wait3A_168 = tpu.memref_slice %arg2[%dma_wait3A_166, %dma_wait3A_167] : memref<10000x128xf32, #tpu.memory_space<hbm>> -> memref<10000x128xf32, #tpu.memory_space<hbm>>
        tpu.wait_indirect_dma semaphore(%arg16 : memref<!tpu.dma_semaphore, #tpu.memory_space<semaphore_mem>>) src(%dma_wait3A_168 : memref<10000x128xf32, #tpu.memory_space<hbm>>) dst(%arg14 : memref<80x128xf32, #tpu.memory_space<vmem>>)
        %dma_start3A_169 = arith.constant 0 : i32
        %dma_start3A_170 = arith.constant 0 : i32
        %dma_start3A_171 = tpu.memref_slice %arg9[%dma_start3A_169, %dma_start3A_170] : memref<10000x128xf32, #tpu.memory_space<vmem_shared>> -> memref<10000x128xf32, #tpu.memory_space<vmem_shared>>
        tpu.enqueue_indirect_dma source(%arg14 : memref<80x128xf32, #tpu.memory_space<vmem>>) target(%dma_start3A_171 : memref<10000x128xf32, #tpu.memory_space<vmem_shared>>) offsets(%arg12 : memref<80xi32, #tpu.memory_space<vmem>>) semaphore(%arg18 : memref<!tpu.dma_semaphore, #tpu.memory_space<semaphore_mem>>) {add = true}
        tpu.wait_dma2 semaphore(%arg17 : memref<!tpu.dma_semaphore, #tpu.memory_space<semaphore_mem>>) src(%arg5 : memref<80x128xf32, #tpu.memory_space<hbm>>) dst(%arg13 : memref<80x128xf32, #tpu.memory_space<vmem>>)
        %add3A_172 = arith.constant 2 : i32
        %add3A_173 = arith.addi %mul3A_152, %add3A_172 : i32
        %lt3A = arith.constant 250 : i32
        %lt3A_174 = arith.cmpi slt, %add3A_173, %lt3A : i32
        %convert_element_type3A_175 = arith.extui %lt3A_174 : i1 to i32
        %cond3A_176 = arith.constant 0 : i32
        %cond3A_177 = arith.cmpi ne, %convert_element_type3A_175, %cond3A_176 : i32
        scf.if %cond3A_177 {
          %add3A_178 = arith.constant 2 : i32
          %add3A_179 = arith.addi %mul3A_152, %add3A_178 : i32
          %mul3A_180 = arith.constant 20000 : i32
          %mul3A_181 = arith.muli %arg1, %mul3A_180 : i32
          %mul3A_182 = arith.constant 80 : i32
          %mul3A_183 = arith.muli %add3A_179, %mul3A_182 : i32
          %add3A_184 = arith.addi %mul3A_181, %mul3A_183 : i32
          "tpu.region"() ({
            %run_scoped3A = tpu.sem_alloc : memref<!tpu.dma_semaphore, #tpu.memory_space<semaphore_mem>>
            %dma_start3A_191 = tpu.memref_slice %arg4[%add3A_184] : memref<320000xi32, #tpu.memory_space<hbm>> -> memref<80xi32, #tpu.memory_space<hbm>>
            %dma_start3A_192 = tpu.memref_slice %arg4[%add3A_184] : memref<320000xi32, #tpu.memory_space<hbm>> -> memref<80xi32, #tpu.memory_space<hbm>>
            tpu.enqueue_dma source(%dma_start3A_192 : memref<80xi32, #tpu.memory_space<hbm>>) target(%arg10 : memref<80xi32, #tpu.memory_space<vmem>>) target_semaphore(%run_scoped3A : memref<!tpu.dma_semaphore, #tpu.memory_space<semaphore_mem>>)
            %dma_wait3A_193 = tpu.memref_slice %arg4[%add3A_184] : memref<320000xi32, #tpu.memory_space<hbm>> -> memref<80xi32, #tpu.memory_space<hbm>>
            %dma_wait3A_194 = tpu.memref_slice %arg4[%add3A_184] : memref<320000xi32, #tpu.memory_space<hbm>> -> memref<80xi32, #tpu.memory_space<hbm>>
            tpu.wait_dma2 semaphore(%run_scoped3A : memref<!tpu.dma_semaphore, #tpu.memory_space<semaphore_mem>>) src(%dma_wait3A_194 : memref<80xi32, #tpu.memory_space<hbm>>) dst(%arg10 : memref<80xi32, #tpu.memory_space<vmem>>)
            tpu.yield
          }) : () -> ()
          "tpu.region"() ({
            %run_scoped3A = tpu.sem_alloc : memref<!tpu.dma_semaphore, #tpu.memory_space<semaphore_mem>>
            %dma_start3A_191 = tpu.memref_slice %arg3[%add3A_184] : memref<320000xi32, #tpu.memory_space<hbm>> -> memref<80xi32, #tpu.memory_space<hbm>>
            %dma_start3A_192 = tpu.memref_slice %arg3[%add3A_184] : memref<320000xi32, #tpu.memory_space<hbm>> -> memref<80xi32, #tpu.memory_space<hbm>>
            tpu.enqueue_dma source(%dma_start3A_192 : memref<80xi32, #tpu.memory_space<hbm>>) target(%arg11 : memref<80xi32, #tpu.memory_space<vmem>>) target_semaphore(%run_scoped3A : memref<!tpu.dma_semaphore, #tpu.memory_space<semaphore_mem>>)
            %dma_wait3A_193 = tpu.memref_slice %arg3[%add3A_184] : memref<320000xi32, #tpu.memory_space<hbm>> -> memref<80xi32, #tpu.memory_space<hbm>>
            %dma_wait3A_194 = tpu.memref_slice %arg3[%add3A_184] : memref<320000xi32, #tpu.memory_space<hbm>> -> memref<80xi32, #tpu.memory_space<hbm>>
            tpu.wait_dma2 semaphore(%run_scoped3A : memref<!tpu.dma_semaphore, #tpu.memory_space<semaphore_mem>>) src(%dma_wait3A_194 : memref<80xi32, #tpu.memory_space<hbm>>) dst(%arg11 : memref<80xi32, #tpu.memory_space<vmem>>)
            tpu.yield
          }) : () -> ()
          %dma_start3A_185 = arith.constant 0 : i32
          %dma_start3A_186 = arith.constant 0 : i32
          %dma_start3A_187 = tpu.memref_slice %arg2[%dma_start3A_185, %dma_start3A_186] : memref<10000x128xf32, #tpu.memory_space<hbm>> -> memref<10000x128xf32, #tpu.memory_space<hbm>>
          tpu.enqueue_indirect_dma source(%dma_start3A_187 : memref<10000x128xf32, #tpu.memory_space<hbm>>) target(%arg13 : memref<80x128xf32, #tpu.memory_space<vmem>>) offsets(%arg10 : memref<80xi32, #tpu.memory_space<vmem>>) semaphore(%arg16 : memref<!tpu.dma_semaphore, #tpu.memory_space<semaphore_mem>>)
          %dma_wait3A_188 = arith.constant 0 : i32
          %dma_wait3A_189 = arith.constant 0 : i32
          %dma_wait3A_190 = tpu.memref_slice %arg2[%dma_wait3A_188, %dma_wait3A_189] : memref<10000x128xf32, #tpu.memory_space<hbm>> -> memref<10000x128xf32, #tpu.memory_space<hbm>>
          tpu.wait_indirect_dma semaphore(%arg16 : memref<!tpu.dma_semaphore, #tpu.memory_space<semaphore_mem>>) src(%dma_wait3A_190 : memref<10000x128xf32, #tpu.memory_space<hbm>>) dst(%arg13 : memref<80x128xf32, #tpu.memory_space<vmem>>)
        } else {
        }
        tpu.wait_dma2 semaphore(%arg18 : memref<!tpu.dma_semaphore, #tpu.memory_space<semaphore_mem>>) src(%arg5 : memref<80x128xf32, #tpu.memory_space<hbm>>) dst(%arg13 : memref<80x128xf32, #tpu.memory_space<vmem>>)
      }
      %scan3A_149 = arith.constant 125 : i32
    } else {
    }
    %barrier3A_28 = arith.constant 0 : index
    tpu.barrier barrier_id(%barrier3A_28)
    %add3A_29 = arith.constant 0 : i32
    %add3A_30 = arith.addi %mul3A_0, %add3A_29 : i32
    "tpu.region"() ({
      %run_scoped3A = tpu.sem_alloc : memref<!tpu.dma_semaphore, #tpu.memory_space<semaphore_mem>>
      %dma_start3A = arith.constant 0 : i32
      %dma_start3A_137 = tpu.memref_slice %arg9[%add3A_30, %dma_start3A] : memref<10000x128xf32, #tpu.memory_space<vmem_shared>> -> memref<80x128xf32, #tpu.memory_space<vmem_shared>>
      %dma_start3A_138 = arith.constant 0 : i32
      %dma_start3A_139 = tpu.memref_slice %arg9[%add3A_30, %dma_start3A_138] : memref<10000x128xf32, #tpu.memory_space<vmem_shared>> -> memref<80x128xf32, #tpu.memory_space<vmem_shared>>
      tpu.enqueue_dma source(%dma_start3A_139 : memref<80x128xf32, #tpu.memory_space<vmem_shared>>) target(%arg13 : memref<80x128xf32, #tpu.memory_space<vmem>>) target_semaphore(%run_scoped3A : memref<!tpu.dma_semaphore, #tpu.memory_space<semaphore_mem>>)
      %dma_wait3A = arith.constant 0 : i32
      %dma_wait3A_140 = tpu.memref_slice %arg9[%add3A_30, %dma_wait3A] : memref<10000x128xf32, #tpu.memory_space<vmem_shared>> -> memref<80x128xf32, #tpu.memory_space<vmem_shared>>
      %dma_wait3A_141 = arith.constant 0 : i32
      %dma_wait3A_142 = tpu.memref_slice %arg9[%add3A_30, %dma_wait3A_141] : memref<10000x128xf32, #tpu.memory_space<vmem_shared>> -> memref<80x128xf32, #tpu.memory_space<vmem_shared>>
      tpu.wait_dma2 semaphore(%run_scoped3A : memref<!tpu.dma_semaphore, #tpu.memory_space<semaphore_mem>>) src(%dma_wait3A_142 : memref<80x128xf32, #tpu.memory_space<vmem_shared>>) dst(%arg13 : memref<80x128xf32, #tpu.memory_space<vmem>>)
      tpu.yield
    }) : () -> ()
    %add3A_31 = arith.constant 0 : i32
    %add3A_32 = arith.addi %mul3A_0, %add3A_31 : i32
    "tpu.region"() ({
      %run_scoped3A = tpu.sem_alloc : memref<!tpu.dma_semaphore, #tpu.memory_space<semaphore_mem>>
      %dma_start3A = arith.constant 0 : i32
      %dma_start3A_137 = tpu.memref_slice %arg7[%arg0, %add3A_32, %dma_start3A] : memref<2x10000x128xf32, #tpu.memory_space<hbm>> -> memref<1x80x128xf32, #tpu.memory_space<hbm>>
      %dma_start3A_138 = tpu.memref_squeeze %dma_start3A_137 : memref<1x80x128xf32, #tpu.memory_space<hbm>> -> memref<80x128xf32, #tpu.memory_space<hbm>>
      %dma_start3A_139 = arith.constant 0 : i32
      %dma_start3A_140 = tpu.memref_slice %arg7[%arg0, %add3A_32, %dma_start3A_139] : memref<2x10000x128xf32, #tpu.memory_space<hbm>> -> memref<1x80x128xf32, #tpu.memory_space<hbm>>
      %dma_start3A_141 = tpu.memref_squeeze %dma_start3A_140 : memref<1x80x128xf32, #tpu.memory_space<hbm>> -> memref<80x128xf32, #tpu.memory_space<hbm>>
      tpu.enqueue_dma source(%arg13 : memref<80x128xf32, #tpu.memory_space<vmem>>) target(%dma_start3A_141 : memref<80x128xf32, #tpu.memory_space<hbm>>) target_semaphore(%run_scoped3A : memref<!tpu.dma_semaphore, #tpu.memory_space<semaphore_mem>>)
      %dma_wait3A = arith.constant 0 : i32
      %dma_wait3A_142 = tpu.memref_slice %arg7[%arg0, %add3A_32, %dma_wait3A] : memref<2x10000x128xf32, #tpu.memory_space<hbm>> -> memref<1x80x128xf32, #tpu.memory_space<hbm>>
      %dma_wait3A_143 = tpu.memref_squeeze %dma_wait3A_142 : memref<1x80x128xf32, #tpu.memory_space<hbm>> -> memref<80x128xf32, #tpu.memory_space<hbm>>
      %dma_wait3A_144 = arith.constant 0 : i32
      %dma_wait3A_145 = tpu.memref_slice %arg7[%arg0, %add3A_32, %dma_wait3A_144] : memref<2x10000x128xf32, #tpu.memory_space<hbm>> -> memref<1x80x128xf32, #tpu.memory_space<hbm>>
      %dma_wait3A_146 = tpu.memref_squeeze %dma_wait3A_145 : memref<1x80x128xf32, #tpu.memory_space<hbm>> -> memref<80x128xf32, #tpu.memory_space<hbm>>
      tpu.wait_dma2 semaphore(%run_scoped3A : memref<!tpu.dma_semaphore, #tpu.memory_space<semaphore_mem>>) src(%arg13 : memref<80x128xf32, #tpu.memory_space<vmem>>) dst(%dma_wait3A_146 : memref<80x128xf32, #tpu.memory_space<hbm>>)
      tpu.yield
    }) : () -> ()
    %add3A_33 = arith.constant 80 : i32
    %add3A_34 = arith.addi %mul3A_0, %add3A_33 : i32
    "tpu.region"() ({
      %run_scoped3A = tpu.sem_alloc : memref<!tpu.dma_semaphore, #tpu.memory_space<semaphore_mem>>
      %dma_start3A = arith.constant 0 : i32
      %dma_start3A_137 = tpu.memref_slice %arg9[%add3A_34, %dma_start3A] : memref<10000x128xf32, #tpu.memory_space<vmem_shared>> -> memref<80x128xf32, #tpu.memory_space<vmem_shared>>
      %dma_start3A_138 = arith.constant 0 : i32
      %dma_start3A_139 = tpu.memref_slice %arg9[%add3A_34, %dma_start3A_138] : memref<10000x128xf32, #tpu.memory_space<vmem_shared>> -> memref<80x128xf32, #tpu.memory_space<vmem_shared>>
      tpu.enqueue_dma source(%dma_start3A_139 : memref<80x128xf32, #tpu.memory_space<vmem_shared>>) target(%arg13 : memref<80x128xf32, #tpu.memory_space<vmem>>) target_semaphore(%run_scoped3A : memref<!tpu.dma_semaphore, #tpu.memory_space<semaphore_mem>>)
      %dma_wait3A = arith.constant 0 : i32
      %dma_wait3A_140 = tpu.memref_slice %arg9[%add3A_34, %dma_wait3A] : memref<10000x128xf32, #tpu.memory_space<vmem_shared>> -> memref<80x128xf32, #tpu.memory_space<vmem_shared>>
      %dma_wait3A_141 = arith.constant 0 : i32
      %dma_wait3A_142 = tpu.memref_slice %arg9[%add3A_34, %dma_wait3A_141] : memref<10000x128xf32, #tpu.memory_space<vmem_shared>> -> memref<80x128xf32, #tpu.memory_space<vmem_shared>>
      tpu.wait_dma2 semaphore(%run_scoped3A : memref<!tpu.dma_semaphore, #tpu.memory_space<semaphore_mem>>) src(%dma_wait3A_142 : memref<80x128xf32, #tpu.memory_space<vmem_shared>>) dst(%arg13 : memref<80x128xf32, #tpu.memory_space<vmem>>)
      tpu.yield
    }) : () -> ()
    %add3A_35 = arith.constant 80 : i32
    %add3A_36 = arith.addi %mul3A_0, %add3A_35 : i32
    "tpu.region"() ({
      %run_scoped3A = tpu.sem_alloc : memref<!tpu.dma_semaphore, #tpu.memory_space<semaphore_mem>>
      %dma_start3A = arith.constant 0 : i32
      %dma_start3A_137 = tpu.memref_slice %arg7[%arg0, %add3A_36, %dma_start3A] : memref<2x10000x128xf32, #tpu.memory_space<hbm>> -> memref<1x80x128xf32, #tpu.memory_space<hbm>>
      %dma_start3A_138 = tpu.memref_squeeze %dma_start3A_137 : memref<1x80x128xf32, #tpu.memory_space<hbm>> -> memref<80x128xf32, #tpu.memory_space<hbm>>
      %dma_start3A_139 = arith.constant 0 : i32
      %dma_start3A_140 = tpu.memref_slice %arg7[%arg0, %add3A_36, %dma_start3A_139] : memref<2x10000x128xf32, #tpu.memory_space<hbm>> -> memref<1x80x128xf32, #tpu.memory_space<hbm>>
      %dma_start3A_141 = tpu.memref_squeeze %dma_start3A_140 : memref<1x80x128xf32, #tpu.memory_space<hbm>> -> memref<80x128xf32, #tpu.memory_space<hbm>>
      tpu.enqueue_dma source(%arg13 : memref<80x128xf32, #tpu.memory_space<vmem>>) target(%dma_start3A_141 : memref<80x128xf32, #tpu.memory_space<hbm>>) target_semaphore(%run_scoped3A : memref<!tpu.dma_semaphore, #tpu.memory_space<semaphore_mem>>)
      %dma_wait3A = arith.constant 0 : i32
      %dma_wait3A_142 = tpu.memref_slice %arg7[%arg0, %add3A_36, %dma_wait3A] : memref<2x10000x128xf32, #tpu.memory_space<hbm>> -> memref<1x80x128xf32, #tpu.memory_space<hbm>>
      %dma_wait3A_143 = tpu.memref_squeeze %dma_wait3A_142 : memref<1x80x128xf32, #tpu.memory_space<hbm>> -> memref<80x128xf32, #tpu.memory_space<hbm>>
      %dma_wait3A_144 = arith.constant 0 : i32
      %dma_wait3A_145 = tpu.memref_slice %arg7[%arg0, %add3A_36, %dma_wait3A_144] : memref<2x10000x128xf32, #tpu.memory_space<hbm>> -> memref<1x80x128xf32, #tpu.memory_space<hbm>>
      %dma_wait3A_146 = tpu.memref_squeeze %dma_wait3A_145 : memref<1x80x128xf32, #tpu.memory_space<hbm>> -> memref<80x128xf32, #tpu.memory_space<hbm>>
      tpu.wait_dma2 semaphore(%run_scoped3A : memref<!tpu.dma_semaphore, #tpu.memory_space<semaphore_mem>>) src(%arg13 : memref<80x128xf32, #tpu.memory_space<vmem>>) dst(%dma_wait3A_146 : memref<80x128xf32, #tpu.memory_space<hbm>>)
      tpu.yield
    }) : () -> ()
    %add3A_37 = arith.constant 160 : i32
    %add3A_38 = arith.addi %mul3A_0, %add3A_37 : i32
    "tpu.region"() ({
      %run_scoped3A = tpu.sem_alloc : memref<!tpu.dma_semaphore, #tpu.memory_space<semaphore_mem>>
      %dma_start3A = arith.constant 0 : i32
      %dma_start3A_137 = tpu.memref_slice %arg9[%add3A_38, %dma_start3A] : memref<10000x128xf32, #tpu.memory_space<vmem_shared>> -> memref<80x128xf32, #tpu.memory_space<vmem_shared>>
      %dma_start3A_138 = arith.constant 0 : i32
      %dma_start3A_139 = tpu.memref_slice %arg9[%add3A_38, %dma_start3A_138] : memref<10000x128xf32, #tpu.memory_space<vmem_shared>> -> memref<80x128xf32, #tpu.memory_space<vmem_shared>>
      tpu.enqueue_dma source(%dma_start3A_139 : memref<80x128xf32, #tpu.memory_space<vmem_shared>>) target(%arg13 : memref<80x128xf32, #tpu.memory_space<vmem>>) target_semaphore(%run_scoped3A : memref<!tpu.dma_semaphore, #tpu.memory_space<semaphore_mem>>)
      %dma_wait3A = arith.constant 0 : i32
      %dma_wait3A_140 = tpu.memref_slice %arg9[%add3A_38, %dma_wait3A] : memref<10000x128xf32, #tpu.memory_space<vmem_shared>> -> memref<80x128xf32, #tpu.memory_space<vmem_shared>>
      %dma_wait3A_141 = arith.constant 0 : i32
      %dma_wait3A_142 = tpu.memref_slice %arg9[%add3A_38, %dma_wait3A_141] : memref<10000x128xf32, #tpu.memory_space<vmem_shared>> -> memref<80x128xf32, #tpu.memory_space<vmem_shared>>
      tpu.wait_dma2 semaphore(%run_scoped3A : memref<!tpu.dma_semaphore, #tpu.memory_space<semaphore_mem>>) src(%dma_wait3A_142 : memref<80x128xf32, #tpu.memory_space<vmem_shared>>) dst(%arg13 : memref<80x128xf32, #tpu.memory_space<vmem>>)
      tpu.yield
    }) : () -> ()
    %add3A_39 = arith.constant 160 : i32
    %add3A_40 = arith.addi %mul3A_0, %add3A_39 : i32
    "tpu.region"() ({
      %run_scoped3A = tpu.sem_alloc : memref<!tpu.dma_semaphore, #tpu.memory_space<semaphore_mem>>
      %dma_start3A = arith.constant 0 : i32
      %dma_start3A_137 = tpu.memref_slice %arg7[%arg0, %add3A_40, %dma_start3A] : memref<2x10000x128xf32, #tpu.memory_space<hbm>> -> memref<1x80x128xf32, #tpu.memory_space<hbm>>
      %dma_start3A_138 = tpu.memref_squeeze %dma_start3A_137 : memref<1x80x128xf32, #tpu.memory_space<hbm>> -> memref<80x128xf32, #tpu.memory_space<hbm>>
      %dma_start3A_139 = arith.constant 0 : i32
      %dma_start3A_140 = tpu.memref_slice %arg7[%arg0, %add3A_40, %dma_start3A_139] : memref<2x10000x128xf32, #tpu.memory_space<hbm>> -> memref<1x80x128xf32, #tpu.memory_space<hbm>>
      %dma_start3A_141 = tpu.memref_squeeze %dma_start3A_140 : memref<1x80x128xf32, #tpu.memory_space<hbm>> -> memref<80x128xf32, #tpu.memory_space<hbm>>
      tpu.enqueue_dma source(%arg13 : memref<80x128xf32, #tpu.memory_space<vmem>>) target(%dma_start3A_141 : memref<80x128xf32, #tpu.memory_space<hbm>>) target_semaphore(%run_scoped3A : memref<!tpu.dma_semaphore, #tpu.memory_space<semaphore_mem>>)
      %dma_wait3A = arith.constant 0 : i32
      %dma_wait3A_142 = tpu.memref_slice %arg7[%arg0, %add3A_40, %dma_wait3A] : memref<2x10000x128xf32, #tpu.memory_space<hbm>> -> memref<1x80x128xf32, #tpu.memory_space<hbm>>
      %dma_wait3A_143 = tpu.memref_squeeze %dma_wait3A_142 : memref<1x80x128xf32, #tpu.memory_space<hbm>> -> memref<80x128xf32, #tpu.memory_space<hbm>>
      %dma_wait3A_144 = arith.constant 0 : i32
      %dma_wait3A_145 = tpu.memref_slice %arg7[%arg0, %add3A_40, %dma_wait3A_144] : memref<2x10000x128xf32, #tpu.memory_space<hbm>> -> memref<1x80x128xf32, #tpu.memory_space<hbm>>
      %dma_wait3A_146 = tpu.memref_squeeze %dma_wait3A_145 : memref<1x80x128xf32, #tpu.memory_space<hbm>> -> memref<80x128xf32, #tpu.memory_space<hbm>>
      tpu.wait_dma2 semaphore(%run_scoped3A : memref<!tpu.dma_semaphore, #tpu.memory_space<semaphore_mem>>) src(%arg13 : memref<80x128xf32, #tpu.memory_space<vmem>>) dst(%dma_wait3A_146 : memref<80x128xf32, #tpu.memory_space<hbm>>)
      tpu.yield
    }) : () -> ()
    %add3A_41 = arith.constant 240 : i32
    %add3A_42 = arith.addi %mul3A_0, %add3A_41 : i32
    "tpu.region"() ({
      %run_scoped3A = tpu.sem_alloc : memref<!tpu.dma_semaphore, #tpu.memory_space<semaphore_mem>>
      %dma_start3A = arith.constant 0 : i32
      %dma_start3A_137 = tpu.memref_slice %arg9[%add3A_42, %dma_start3A] : memref<10000x128xf32, #tpu.memory_space<vmem_shared>> -> memref<80x128xf32, #tpu.memory_space<vmem_shared>>
      %dma_start3A_138 = arith.constant 0 : i32
      %dma_start3A_139 = tpu.memref_slice %arg9[%add3A_42, %dma_start3A_138] : memref<10000x128xf32, #tpu.memory_space<vmem_shared>> -> memref<80x128xf32, #tpu.memory_space<vmem_shared>>
      tpu.enqueue_dma source(%dma_start3A_139 : memref<80x128xf32, #tpu.memory_space<vmem_shared>>) target(%arg13 : memref<80x128xf32, #tpu.memory_space<vmem>>) target_semaphore(%run_scoped3A : memref<!tpu.dma_semaphore, #tpu.memory_space<semaphore_mem>>)
      %dma_wait3A = arith.constant 0 : i32
      %dma_wait3A_140 = tpu.memref_slice %arg9[%add3A_42, %dma_wait3A] : memref<10000x128xf32, #tpu.memory_space<vmem_shared>> -> memref<80x128xf32, #tpu.memory_space<vmem_shared>>
      %dma_wait3A_141 = arith.constant 0 : i32
      %dma_wait3A_142 = tpu.memref_slice %arg9[%add3A_42, %dma_wait3A_141] : memref<10000x128xf32, #tpu.memory_space<vmem_shared>> -> memref<80x128xf32, #tpu.memory_space<vmem_shared>>
      tpu.wait_dma2 semaphore(%run_scoped3A : memref<!tpu.dma_semaphore, #tpu.memory_space<semaphore_mem>>) src(%dma_wait3A_142 : memref<80x128xf32, #tpu.memory_space<vmem_shared>>) dst(%arg13 : memref<80x128xf32, #tpu.memory_space<vmem>>)
      tpu.yield
    }) : () -> ()
    %add3A_43 = arith.constant 240 : i32
    %add3A_44 = arith.addi %mul3A_0, %add3A_43 : i32
    "tpu.region"() ({
      %run_scoped3A = tpu.sem_alloc : memref<!tpu.dma_semaphore, #tpu.memory_space<semaphore_mem>>
      %dma_start3A = arith.constant 0 : i32
      %dma_start3A_137 = tpu.memref_slice %arg7[%arg0, %add3A_44, %dma_start3A] : memref<2x10000x128xf32, #tpu.memory_space<hbm>> -> memref<1x80x128xf32, #tpu.memory_space<hbm>>
      %dma_start3A_138 = tpu.memref_squeeze %dma_start3A_137 : memref<1x80x128xf32, #tpu.memory_space<hbm>> -> memref<80x128xf32, #tpu.memory_space<hbm>>
      %dma_start3A_139 = arith.constant 0 : i32
      %dma_start3A_140 = tpu.memref_slice %arg7[%arg0, %add3A_44, %dma_start3A_139] : memref<2x10000x128xf32, #tpu.memory_space<hbm>> -> memref<1x80x128xf32, #tpu.memory_space<hbm>>
      %dma_start3A_141 = tpu.memref_squeeze %dma_start3A_140 : memref<1x80x128xf32, #tpu.memory_space<hbm>> -> memref<80x128xf32, #tpu.memory_space<hbm>>
      tpu.enqueue_dma source(%arg13 : memref<80x128xf32, #tpu.memory_space<vmem>>) target(%dma_start3A_141 : memref<80x128xf32, #tpu.memory_space<hbm>>) target_semaphore(%run_scoped3A : memref<!tpu.dma_semaphore, #tpu.memory_space<semaphore_mem>>)
      %dma_wait3A = arith.constant 0 : i32
      %dma_wait3A_142 = tpu.memref_slice %arg7[%arg0, %add3A_44, %dma_wait3A] : memref<2x10000x128xf32, #tpu.memory_space<hbm>> -> memref<1x80x128xf32, #tpu.memory_space<hbm>>
      %dma_wait3A_143 = tpu.memref_squeeze %dma_wait3A_142 : memref<1x80x128xf32, #tpu.memory_space<hbm>> -> memref<80x128xf32, #tpu.memory_space<hbm>>
      %dma_wait3A_144 = arith.constant 0 : i32
      %dma_wait3A_145 = tpu.memref_slice %arg7[%arg0, %add3A_44, %dma_wait3A_144] : memref<2x10000x128xf32, #tpu.memory_space<hbm>> -> memref<1x80x128xf32, #tpu.memory_space<hbm>>
      %dma_wait3A_146 = tpu.memref_squeeze %dma_wait3A_145 : memref<1x80x128xf32, #tpu.memory_space<hbm>> -> memref<80x128xf32, #tpu.memory_space<hbm>>
      tpu.wait_dma2 semaphore(%run_scoped3A : memref<!tpu.dma_semaphore, #tpu.memory_space<semaphore_mem>>) src(%arg13 : memref<80x128xf32, #tpu.memory_space<vmem>>) dst(%dma_wait3A_146 : memref<80x128xf32, #tpu.memory_space<hbm>>)
      tpu.yield
    }) : () -> ()
    %add3A_45 = arith.constant 320 : i32
    %add3A_46 = arith.addi %mul3A_0, %add3A_45 : i32
    "tpu.region"() ({
      %run_scoped3A = tpu.sem_alloc : memref<!tpu.dma_semaphore, #tpu.memory_space<semaphore_mem>>
      %dma_start3A = arith.constant 0 : i32
      %dma_start3A_137 = tpu.memref_slice %arg9[%add3A_46, %dma_start3A] : memref<10000x128xf32, #tpu.memory_space<vmem_shared>> -> memref<80x128xf32, #tpu.memory_space<vmem_shared>>
      %dma_start3A_138 = arith.constant 0 : i32
      %dma_start3A_139 = tpu.memref_slice %arg9[%add3A_46, %dma_start3A_138] : memref<10000x128xf32, #tpu.memory_space<vmem_shared>> -> memref<80x128xf32, #tpu.memory_space<vmem_shared>>
      tpu.enqueue_dma source(%dma_start3A_139 : memref<80x128xf32, #tpu.memory_space<vmem_shared>>) target(%arg13 : memref<80x128xf32, #tpu.memory_space<vmem>>) target_semaphore(%run_scoped3A : memref<!tpu.dma_semaphore, #tpu.memory_space<semaphore_mem>>)
      %dma_wait3A = arith.constant 0 : i32
      %dma_wait3A_140 = tpu.memref_slice %arg9[%add3A_46, %dma_wait3A] : memref<10000x128xf32, #tpu.memory_space<vmem_shared>> -> memref<80x128xf32, #tpu.memory_space<vmem_shared>>
      %dma_wait3A_141 = arith.constant 0 : i32
      %dma_wait3A_142 = tpu.memref_slice %arg9[%add3A_46, %dma_wait3A_141] : memref<10000x128xf32, #tpu.memory_space<vmem_shared>> -> memref<80x128xf32, #tpu.memory_space<vmem_shared>>
      tpu.wait_dma2 semaphore(%run_scoped3A : memref<!tpu.dma_semaphore, #tpu.memory_space<semaphore_mem>>) src(%dma_wait3A_142 : memref<80x128xf32, #tpu.memory_space<vmem_shared>>) dst(%arg13 : memref<80x128xf32, #tpu.memory_space<vmem>>)
      tpu.yield
    }) : () -> ()
    %add3A_47 = arith.constant 320 : i32
    %add3A_48 = arith.addi %mul3A_0, %add3A_47 : i32
    "tpu.region"() ({
      %run_scoped3A = tpu.sem_alloc : memref<!tpu.dma_semaphore, #tpu.memory_space<semaphore_mem>>
      %dma_start3A = arith.constant 0 : i32
      %dma_start3A_137 = tpu.memref_slice %arg7[%arg0, %add3A_48, %dma_start3A] : memref<2x10000x128xf32, #tpu.memory_space<hbm>> -> memref<1x80x128xf32, #tpu.memory_space<hbm>>
      %dma_start3A_138 = tpu.memref_squeeze %dma_start3A_137 : memref<1x80x128xf32, #tpu.memory_space<hbm>> -> memref<80x128xf32, #tpu.memory_space<hbm>>
      %dma_start3A_139 = arith.constant 0 : i32
      %dma_start3A_140 = tpu.memref_slice %arg7[%arg0, %add3A_48, %dma_start3A_139] : memref<2x10000x128xf32, #tpu.memory_space<hbm>> -> memref<1x80x128xf32, #tpu.memory_space<hbm>>
      %dma_start3A_141 = tpu.memref_squeeze %dma_start3A_140 : memref<1x80x128xf32, #tpu.memory_space<hbm>> -> memref<80x128xf32, #tpu.memory_space<hbm>>
      tpu.enqueue_dma source(%arg13 : memref<80x128xf32, #tpu.memory_space<vmem>>) target(%dma_start3A_141 : memref<80x128xf32, #tpu.memory_space<hbm>>) target_semaphore(%run_scoped3A : memref<!tpu.dma_semaphore, #tpu.memory_space<semaphore_mem>>)
      %dma_wait3A = arith.constant 0 : i32
      %dma_wait3A_142 = tpu.memref_slice %arg7[%arg0, %add3A_48, %dma_wait3A] : memref<2x10000x128xf32, #tpu.memory_space<hbm>> -> memref<1x80x128xf32, #tpu.memory_space<hbm>>
      %dma_wait3A_143 = tpu.memref_squeeze %dma_wait3A_142 : memref<1x80x128xf32, #tpu.memory_space<hbm>> -> memref<80x128xf32, #tpu.memory_space<hbm>>
      %dma_wait3A_144 = arith.constant 0 : i32
      %dma_wait3A_145 = tpu.memref_slice %arg7[%arg0, %add3A_48, %dma_wait3A_144] : memref<2x10000x128xf32, #tpu.memory_space<hbm>> -> memref<1x80x128xf32, #tpu.memory_space<hbm>>
      %dma_wait3A_146 = tpu.memref_squeeze %dma_wait3A_145 : memref<1x80x128xf32, #tpu.memory_space<hbm>> -> memref<80x128xf32, #tpu.memory_space<hbm>>
      tpu.wait_dma2 semaphore(%run_scoped3A : memref<!tpu.dma_semaphore, #tpu.memory_space<semaphore_mem>>) src(%arg13 : memref<80x128xf32, #tpu.memory_space<vmem>>) dst(%dma_wait3A_146 : memref<80x128xf32, #tpu.memory_space<hbm>>)
      tpu.yield
    }) : () -> ()
    %add3A_49 = arith.constant 400 : i32
    %add3A_50 = arith.addi %mul3A_0, %add3A_49 : i32
    "tpu.region"() ({
      %run_scoped3A = tpu.sem_alloc : memref<!tpu.dma_semaphore, #tpu.memory_space<semaphore_mem>>
      %dma_start3A = arith.constant 0 : i32
      %dma_start3A_137 = tpu.memref_slice %arg9[%add3A_50, %dma_start3A] : memref<10000x128xf32, #tpu.memory_space<vmem_shared>> -> memref<80x128xf32, #tpu.memory_space<vmem_shared>>
      %dma_start3A_138 = arith.constant 0 : i32
      %dma_start3A_139 = tpu.memref_slice %arg9[%add3A_50, %dma_start3A_138] : memref<10000x128xf32, #tpu.memory_space<vmem_shared>> -> memref<80x128xf32, #tpu.memory_space<vmem_shared>>
      tpu.enqueue_dma source(%dma_start3A_139 : memref<80x128xf32, #tpu.memory_space<vmem_shared>>) target(%arg13 : memref<80x128xf32, #tpu.memory_space<vmem>>) target_semaphore(%run_scoped3A : memref<!tpu.dma_semaphore, #tpu.memory_space<semaphore_mem>>)
      %dma_wait3A = arith.constant 0 : i32
      %dma_wait3A_140 = tpu.memref_slice %arg9[%add3A_50, %dma_wait3A] : memref<10000x128xf32, #tpu.memory_space<vmem_shared>> -> memref<80x128xf32, #tpu.memory_space<vmem_shared>>
      %dma_wait3A_141 = arith.constant 0 : i32
      %dma_wait3A_142 = tpu.memref_slice %arg9[%add3A_50, %dma_wait3A_141] : memref<10000x128xf32, #tpu.memory_space<vmem_shared>> -> memref<80x128xf32, #tpu.memory_space<vmem_shared>>
      tpu.wait_dma2 semaphore(%run_scoped3A : memref<!tpu.dma_semaphore, #tpu.memory_space<semaphore_mem>>) src(%dma_wait3A_142 : memref<80x128xf32, #tpu.memory_space<vmem_shared>>) dst(%arg13 : memref<80x128xf32, #tpu.memory_space<vmem>>)
      tpu.yield
    }) : () -> ()
    %add3A_51 = arith.constant 400 : i32
    %add3A_52 = arith.addi %mul3A_0, %add3A_51 : i32
    "tpu.region"() ({
      %run_scoped3A = tpu.sem_alloc : memref<!tpu.dma_semaphore, #tpu.memory_space<semaphore_mem>>
      %dma_start3A = arith.constant 0 : i32
      %dma_start3A_137 = tpu.memref_slice %arg7[%arg0, %add3A_52, %dma_start3A] : memref<2x10000x128xf32, #tpu.memory_space<hbm>> -> memref<1x80x128xf32, #tpu.memory_space<hbm>>
      %dma_start3A_138 = tpu.memref_squeeze %dma_start3A_137 : memref<1x80x128xf32, #tpu.memory_space<hbm>> -> memref<80x128xf32, #tpu.memory_space<hbm>>
      %dma_start3A_139 = arith.constant 0 : i32
      %dma_start3A_140 = tpu.memref_slice %arg7[%arg0, %add3A_52, %dma_start3A_139] : memref<2x10000x128xf32, #tpu.memory_space<hbm>> -> memref<1x80x128xf32, #tpu.memory_space<hbm>>
      %dma_start3A_141 = tpu.memref_squeeze %dma_start3A_140 : memref<1x80x128xf32, #tpu.memory_space<hbm>> -> memref<80x128xf32, #tpu.memory_space<hbm>>
      tpu.enqueue_dma source(%arg13 : memref<80x128xf32, #tpu.memory_space<vmem>>) target(%dma_start3A_141 : memref<80x128xf32, #tpu.memory_space<hbm>>) target_semaphore(%run_scoped3A : memref<!tpu.dma_semaphore, #tpu.memory_space<semaphore_mem>>)
      %dma_wait3A = arith.constant 0 : i32
      %dma_wait3A_142 = tpu.memref_slice %arg7[%arg0, %add3A_52, %dma_wait3A] : memref<2x10000x128xf32, #tpu.memory_space<hbm>> -> memref<1x80x128xf32, #tpu.memory_space<hbm>>
      %dma_wait3A_143 = tpu.memref_squeeze %dma_wait3A_142 : memref<1x80x128xf32, #tpu.memory_space<hbm>> -> memref<80x128xf32, #tpu.memory_space<hbm>>
      %dma_wait3A_144 = arith.constant 0 : i32
      %dma_wait3A_145 = tpu.memref_slice %arg7[%arg0, %add3A_52, %dma_wait3A_144] : memref<2x10000x128xf32, #tpu.memory_space<hbm>> -> memref<1x80x128xf32, #tpu.memory_space<hbm>>
      %dma_wait3A_146 = tpu.memref_squeeze %dma_wait3A_145 : memref<1x80x128xf32, #tpu.memory_space<hbm>> -> memref<80x128xf32, #tpu.memory_space<hbm>>
      tpu.wait_dma2 semaphore(%run_scoped3A : memref<!tpu.dma_semaphore, #tpu.memory_space<semaphore_mem>>) src(%arg13 : memref<80x128xf32, #tpu.memory_space<vmem>>) dst(%dma_wait3A_146 : memref<80x128xf32, #tpu.memory_space<hbm>>)
      tpu.yield
    }) : () -> ()
    %add3A_53 = arith.constant 480 : i32
    %add3A_54 = arith.addi %mul3A_0, %add3A_53 : i32
    "tpu.region"() ({
      %run_scoped3A = tpu.sem_alloc : memref<!tpu.dma_semaphore, #tpu.memory_space<semaphore_mem>>
      %dma_start3A = arith.constant 0 : i32
      %dma_start3A_137 = tpu.memref_slice %arg9[%add3A_54, %dma_start3A] : memref<10000x128xf32, #tpu.memory_space<vmem_shared>> -> memref<80x128xf32, #tpu.memory_space<vmem_shared>>
      %dma_start3A_138 = arith.constant 0 : i32
      %dma_start3A_139 = tpu.memref_slice %arg9[%add3A_54, %dma_start3A_138] : memref<10000x128xf32, #tpu.memory_space<vmem_shared>> -> memref<80x128xf32, #tpu.memory_space<vmem_shared>>
      tpu.enqueue_dma source(%dma_start3A_139 : memref<80x128xf32, #tpu.memory_space<vmem_shared>>) target(%arg13 : memref<80x128xf32, #tpu.memory_space<vmem>>) target_semaphore(%run_scoped3A : memref<!tpu.dma_semaphore, #tpu.memory_space<semaphore_mem>>)
      %dma_wait3A = arith.constant 0 : i32
      %dma_wait3A_140 = tpu.memref_slice %arg9[%add3A_54, %dma_wait3A] : memref<10000x128xf32, #tpu.memory_space<vmem_shared>> -> memref<80x128xf32, #tpu.memory_space<vmem_shared>>
      %dma_wait3A_141 = arith.constant 0 : i32
      %dma_wait3A_142 = tpu.memref_slice %arg9[%add3A_54, %dma_wait3A_141] : memref<10000x128xf32, #tpu.memory_space<vmem_shared>> -> memref<80x128xf32, #tpu.memory_space<vmem_shared>>
      tpu.wait_dma2 semaphore(%run_scoped3A : memref<!tpu.dma_semaphore, #tpu.memory_space<semaphore_mem>>) src(%dma_wait3A_142 : memref<80x128xf32, #tpu.memory_space<vmem_shared>>) dst(%arg13 : memref<80x128xf32, #tpu.memory_space<vmem>>)
      tpu.yield
    }) : () -> ()
    %add3A_55 = arith.constant 480 : i32
    %add3A_56 = arith.addi %mul3A_0, %add3A_55 : i32
    "tpu.region"() ({
      %run_scoped3A = tpu.sem_alloc : memref<!tpu.dma_semaphore, #tpu.memory_space<semaphore_mem>>
      %dma_start3A = arith.constant 0 : i32
      %dma_start3A_137 = tpu.memref_slice %arg7[%arg0, %add3A_56, %dma_start3A] : memref<2x10000x128xf32, #tpu.memory_space<hbm>> -> memref<1x80x128xf32, #tpu.memory_space<hbm>>
      %dma_start3A_138 = tpu.memref_squeeze %dma_start3A_137 : memref<1x80x128xf32, #tpu.memory_space<hbm>> -> memref<80x128xf32, #tpu.memory_space<hbm>>
      %dma_start3A_139 = arith.constant 0 : i32
      %dma_start3A_140 = tpu.memref_slice %arg7[%arg0, %add3A_56, %dma_start3A_139] : memref<2x10000x128xf32, #tpu.memory_space<hbm>> -> memref<1x80x128xf32, #tpu.memory_space<hbm>>
      %dma_start3A_141 = tpu.memref_squeeze %dma_start3A_140 : memref<1x80x128xf32, #tpu.memory_space<hbm>> -> memref<80x128xf32, #tpu.memory_space<hbm>>
      tpu.enqueue_dma source(%arg13 : memref<80x128xf32, #tpu.memory_space<vmem>>) target(%dma_start3A_141 : memref<80x128xf32, #tpu.memory_space<hbm>>) target_semaphore(%run_scoped3A : memref<!tpu.dma_semaphore, #tpu.memory_space<semaphore_mem>>)
      %dma_wait3A = arith.constant 0 : i32
      %dma_wait3A_142 = tpu.memref_slice %arg7[%arg0, %add3A_56, %dma_wait3A] : memref<2x10000x128xf32, #tpu.memory_space<hbm>> -> memref<1x80x128xf32, #tpu.memory_space<hbm>>
      %dma_wait3A_143 = tpu.memref_squeeze %dma_wait3A_142 : memref<1x80x128xf32, #tpu.memory_space<hbm>> -> memref<80x128xf32, #tpu.memory_space<hbm>>
      %dma_wait3A_144 = arith.constant 0 : i32
      %dma_wait3A_145 = tpu.memref_slice %arg7[%arg0, %add3A_56, %dma_wait3A_144] : memref<2x10000x128xf32, #tpu.memory_space<hbm>> -> memref<1x80x128xf32, #tpu.memory_space<hbm>>
      %dma_wait3A_146 = tpu.memref_squeeze %dma_wait3A_145 : memref<1x80x128xf32, #tpu.memory_space<hbm>> -> memref<80x128xf32, #tpu.memory_space<hbm>>
      tpu.wait_dma2 semaphore(%run_scoped3A : memref<!tpu.dma_semaphore, #tpu.memory_space<semaphore_mem>>) src(%arg13 : memref<80x128xf32, #tpu.memory_space<vmem>>) dst(%dma_wait3A_146 : memref<80x128xf32, #tpu.memory_space<hbm>>)
      tpu.yield
    }) : () -> ()
    %add3A_57 = arith.constant 560 : i32
    %add3A_58 = arith.addi %mul3A_0, %add3A_57 : i32
    "tpu.region"() ({
      %run_scoped3A = tpu.sem_alloc : memref<!tpu.dma_semaphore, #tpu.memory_space<semaphore_mem>>
      %dma_start3A = arith.constant 0 : i32
      %dma_start3A_137 = arith.constant 0 : i32
      %dma_start3A_138 = tpu.memref_slice %arg13[%dma_start3A, %dma_start3A_137] : memref<80x128xf32, #tpu.memory_space<vmem>> -> memref<64x128xf32, #tpu.memory_space<vmem>>
      %dma_start3A_139 = arith.constant 0 : i32
      %dma_start3A_140 = tpu.memref_slice %arg9[%add3A_58, %dma_start3A_139] : memref<10000x128xf32, #tpu.memory_space<vmem_shared>> -> memref<64x128xf32, #tpu.memory_space<vmem_shared>>
      %dma_start3A_141 = arith.constant 0 : i32
      %dma_start3A_142 = arith.constant 0 : i32
      %dma_start3A_143 = tpu.memref_slice %arg13[%dma_start3A_141, %dma_start3A_142] : memref<80x128xf32, #tpu.memory_space<vmem>> -> memref<64x128xf32, #tpu.memory_space<vmem>>
      %dma_start3A_144 = arith.constant 0 : i32
      %dma_start3A_145 = tpu.memref_slice %arg9[%add3A_58, %dma_start3A_144] : memref<10000x128xf32, #tpu.memory_space<vmem_shared>> -> memref<64x128xf32, #tpu.memory_space<vmem_shared>>
      tpu.enqueue_dma source(%dma_start3A_145 : memref<64x128xf32, #tpu.memory_space<vmem_shared>>) target(%dma_start3A_143 : memref<64x128xf32, #tpu.memory_space<vmem>>) target_semaphore(%run_scoped3A : memref<!tpu.dma_semaphore, #tpu.memory_space<semaphore_mem>>)
      %dma_wait3A = arith.constant 0 : i32
      %dma_wait3A_146 = arith.constant 0 : i32
      %dma_wait3A_147 = tpu.memref_slice %arg13[%dma_wait3A, %dma_wait3A_146] : memref<80x128xf32, #tpu.memory_space<vmem>> -> memref<64x128xf32, #tpu.memory_space<vmem>>
      %dma_wait3A_148 = arith.constant 0 : i32
      %dma_wait3A_149 = tpu.memref_slice %arg9[%add3A_58, %dma_wait3A_148] : memref<10000x128xf32, #tpu.memory_space<vmem_shared>> -> memref<64x128xf32, #tpu.memory_space<vmem_shared>>
      %dma_wait3A_150 = arith.constant 0 : i32
      %dma_wait3A_151 = arith.constant 0 : i32
      %dma_wait3A_152 = tpu.memref_slice %arg13[%dma_wait3A_150, %dma_wait3A_151] : memref<80x128xf32, #tpu.memory_space<vmem>> -> memref<64x128xf32, #tpu.memory_space<vmem>>
      %dma_wait3A_153 = arith.constant 0 : i32
      %dma_wait3A_154 = tpu.memref_slice %arg9[%add3A_58, %dma_wait3A_153] : memref<10000x128xf32, #tpu.memory_space<vmem_shared>> -> memref<64x128xf32, #tpu.memory_space<vmem_shared>>
      tpu.wait_dma2 semaphore(%run_scoped3A : memref<!tpu.dma_semaphore, #tpu.memory_space<semaphore_mem>>) src(%dma_wait3A_154 : memref<64x128xf32, #tpu.memory_space<vmem_shared>>) dst(%dma_wait3A_152 : memref<64x128xf32, #tpu.memory_space<vmem>>)
      tpu.yield
    }) : () -> ()
    %add3A_59 = arith.constant 560 : i32
    %add3A_60 = arith.addi %mul3A_0, %add3A_59 : i32
    "tpu.region"() ({
      %run_scoped3A = tpu.sem_alloc : memref<!tpu.dma_semaphore, #tpu.memory_space<semaphore_mem>>
      %dma_start3A = arith.constant 0 : i32
      %dma_start3A_137 = arith.constant 0 : i32
      %dma_start3A_138 = tpu.memref_slice %arg13[%dma_start3A, %dma_start3A_137] : memref<80x128xf32, #tpu.memory_space<vmem>> -> memref<64x128xf32, #tpu.memory_space<vmem>>
      %dma_start3A_139 = arith.constant 0 : i32
      %dma_start3A_140 = tpu.memref_slice %arg7[%arg0, %add3A_60, %dma_start3A_139] : memref<2x10000x128xf32, #tpu.memory_space<hbm>> -> memref<1x64x128xf32, #tpu.memory_space<hbm>>
      %dma_start3A_141 = tpu.memref_squeeze %dma_start3A_140 : memref<1x64x128xf32, #tpu.memory_space<hbm>> -> memref<64x128xf32, #tpu.memory_space<hbm>>
      %dma_start3A_142 = arith.constant 0 : i32
      %dma_start3A_143 = tpu.memref_slice %arg7[%arg0, %add3A_60, %dma_start3A_142] : memref<2x10000x128xf32, #tpu.memory_space<hbm>> -> memref<1x64x128xf32, #tpu.memory_space<hbm>>
      %dma_start3A_144 = tpu.memref_squeeze %dma_start3A_143 : memref<1x64x128xf32, #tpu.memory_space<hbm>> -> memref<64x128xf32, #tpu.memory_space<hbm>>
      %dma_start3A_145 = arith.constant 0 : i32
      %dma_start3A_146 = arith.constant 0 : i32
      %dma_start3A_147 = tpu.memref_slice %arg13[%dma_start3A_145, %dma_start3A_146] : memref<80x128xf32, #tpu.memory_space<vmem>> -> memref<64x128xf32, #tpu.memory_space<vmem>>
      tpu.enqueue_dma source(%dma_start3A_147 : memref<64x128xf32, #tpu.memory_space<vmem>>) target(%dma_start3A_144 : memref<64x128xf32, #tpu.memory_space<hbm>>) target_semaphore(%run_scoped3A : memref<!tpu.dma_semaphore, #tpu.memory_space<semaphore_mem>>)
      %dma_wait3A = arith.constant 0 : i32
      %dma_wait3A_148 = arith.constant 0 : i32
      %dma_wait3A_149 = tpu.memref_slice %arg13[%dma_wait3A, %dma_wait3A_148] : memref<80x128xf32, #tpu.memory_space<vmem>> -> memref<64x128xf32, #tpu.memory_space<vmem>>
      %dma_wait3A_150 = arith.constant 0 : i32
      %dma_wait3A_151 = tpu.memref_slice %arg7[%arg0, %add3A_60, %dma_wait3A_150] : memref<2x10000x128xf32, #tpu.memory_space<hbm>> -> memref<1x64x128xf32, #tpu.memory_space<hbm>>
      %dma_wait3A_152 = tpu.memref_squeeze %dma_wait3A_151 : memref<1x64x128xf32, #tpu.memory_space<hbm>> -> memref<64x128xf32, #tpu.memory_space<hbm>>
      %dma_wait3A_153 = arith.constant 0 : i32
      %dma_wait3A_154 = tpu.memref_slice %arg7[%arg0, %add3A_60, %dma_wait3A_153] : memref<2x10000x128xf32, #tpu.memory_space<hbm>> -> memref<1x64x128xf32, #tpu.memory_space<hbm>>
      %dma_wait3A_155 = tpu.memref_squeeze %dma_wait3A_154 : memref<1x64x128xf32, #tpu.memory_space<hbm>> -> memref<64x128xf32, #tpu.memory_space<hbm>>
      %dma_wait3A_156 = arith.constant 0 : i32
      %dma_wait3A_157 = arith.constant 0 : i32
      %dma_wait3A_158 = tpu.memref_slice %arg13[%dma_wait3A_156, %dma_wait3A_157] : memref<80x128xf32, #tpu.memory_space<vmem>> -> memref<64x128xf32, #tpu.memory_space<vmem>>
      tpu.wait_dma2 semaphore(%run_scoped3A : memref<!tpu.dma_semaphore, #tpu.memory_space<semaphore_mem>>) src(%dma_wait3A_158 : memref<64x128xf32, #tpu.memory_space<vmem>>) dst(%dma_wait3A_155 : memref<64x128xf32, #tpu.memory_space<hbm>>)
      tpu.yield
    }) : () -> ()
    %eq3A_61 = arith.constant 15 : i32
    %eq3A_62 = arith.cmpi eq, %arg1, %eq3A_61 : i32
    %convert_element_type3A_63 = arith.extui %eq3A_62 : i1 to i32
    %cond3A_64 = arith.constant 0 : i32
    %cond3A_65 = arith.cmpi ne, %convert_element_type3A_63, %cond3A_64 : i32
    scf.if %cond3A_65 {
      "tpu.region"() ({
        %run_scoped3A = tpu.sem_alloc : memref<!tpu.dma_semaphore, #tpu.memory_space<semaphore_mem>>
        %dma_start3A = arith.constant 0 : i32
        %dma_start3A_137 = arith.constant 0 : i32
        %dma_start3A_138 = tpu.memref_slice %arg13[%dma_start3A, %dma_start3A_137] : memref<80x128xf32, #tpu.memory_space<vmem>> -> memref<16x128xf32, #tpu.memory_space<vmem>>
        %dma_start3A_139 = arith.constant 9984 : i32
        %dma_start3A_140 = arith.constant 0 : i32
        %dma_start3A_141 = tpu.memref_slice %arg9[%dma_start3A_139, %dma_start3A_140] : memref<10000x128xf32, #tpu.memory_space<vmem_shared>> -> memref<16x128xf32, #tpu.memory_space<vmem_shared>>
        %dma_start3A_142 = arith.constant 0 : i32
        %dma_start3A_143 = arith.constant 0 : i32
        %dma_start3A_144 = tpu.memref_slice %arg13[%dma_start3A_142, %dma_start3A_143] : memref<80x128xf32, #tpu.memory_space<vmem>> -> memref<16x128xf32, #tpu.memory_space<vmem>>
        %dma_start3A_145 = arith.constant 9984 : i32
        %dma_start3A_146 = arith.constant 0 : i32
        %dma_start3A_147 = tpu.memref_slice %arg9[%dma_start3A_145, %dma_start3A_146] : memref<10000x128xf32, #tpu.memory_space<vmem_shared>> -> memref<16x128xf32, #tpu.memory_space<vmem_shared>>
        tpu.enqueue_dma source(%dma_start3A_147 : memref<16x128xf32, #tpu.memory_space<vmem_shared>>) target(%dma_start3A_144 : memref<16x128xf32, #tpu.memory_space<vmem>>) target_semaphore(%run_scoped3A : memref<!tpu.dma_semaphore, #tpu.memory_space<semaphore_mem>>)
        %dma_wait3A = arith.constant 0 : i32
        %dma_wait3A_148 = arith.constant 0 : i32
        %dma_wait3A_149 = tpu.memref_slice %arg13[%dma_wait3A, %dma_wait3A_148] : memref<80x128xf32, #tpu.memory_space<vmem>> -> memref<16x128xf32, #tpu.memory_space<vmem>>
        %dma_wait3A_150 = arith.constant 9984 : i32
        %dma_wait3A_151 = arith.constant 0 : i32
        %dma_wait3A_152 = tpu.memref_slice %arg9[%dma_wait3A_150, %dma_wait3A_151] : memref<10000x128xf32, #tpu.memory_space<vmem_shared>> -> memref<16x128xf32, #tpu.memory_space<vmem_shared>>
        %dma_wait3A_153 = arith.constant 0 : i32
        %dma_wait3A_154 = arith.constant 0 : i32
        %dma_wait3A_155 = tpu.memref_slice %arg13[%dma_wait3A_153, %dma_wait3A_154] : memref<80x128xf32, #tpu.memory_space<vmem>> -> memref<16x128xf32, #tpu.memory_space<vmem>>
        %dma_wait3A_156 = arith.constant 9984 : i32
        %dma_wait3A_157 = arith.constant 0 : i32
        %dma_wait3A_158 = tpu.memref_slice %arg9[%dma_wait3A_156, %dma_wait3A_157] : memref<10000x128xf32, #tpu.memory_space<vmem_shared>> -> memref<16x128xf32, #tpu.memory_space<vmem_shared>>
        tpu.wait_dma2 semaphore(%run_scoped3A : memref<!tpu.dma_semaphore, #tpu.memory_space<semaphore_mem>>) src(%dma_wait3A_158 : memref<16x128xf32, #tpu.memory_space<vmem_shared>>) dst(%dma_wait3A_155 : memref<16x128xf32, #tpu.memory_space<vmem>>)
        tpu.yield
      }) : () -> ()
      "tpu.region"() ({
        %run_scoped3A = tpu.sem_alloc : memref<!tpu.dma_semaphore, #tpu.memory_space<semaphore_mem>>
        %dma_start3A = arith.constant 0 : i32
        %dma_start3A_137 = arith.constant 0 : i32
        %dma_start3A_138 = tpu.memref_slice %arg13[%dma_start3A, %dma_start3A_137] : memref<80x128xf32, #tpu.memory_space<vmem>> -> memref<16x128xf32, #tpu.memory_space<vmem>>
        %dma_start3A_139 = arith.constant 9984 : i32
        %dma_start3A_140 = arith.constant 0 : i32
        %dma_start3A_141 = tpu.memref_slice %arg7[%arg0, %dma_start3A_139, %dma_start3A_140] : memref<2x10000x128xf32, #tpu.memory_space<hbm>> -> memref<1x16x128xf32, #tpu.memory_space<hbm>>
        %dma_start3A_142 = tpu.memref_squeeze %dma_start3A_141 : memref<1x16x128xf32, #tpu.memory_space<hbm>> -> memref<16x128xf32, #tpu.memory_space<hbm>>
        %dma_start3A_143 = arith.constant 9984 : i32
        %dma_start3A_144 = arith.constant 0 : i32
        %dma_start3A_145 = tpu.memref_slice %arg7[%arg0, %dma_start3A_143, %dma_start3A_144] : memref<2x10000x128xf32, #tpu.memory_space<hbm>> -> memref<1x16x128xf32, #tpu.memory_space<hbm>>
        %dma_start3A_146 = tpu.memref_squeeze %dma_start3A_145 : memref<1x16x128xf32, #tpu.memory_space<hbm>> -> memref<16x128xf32, #tpu.memory_space<hbm>>
        %dma_start3A_147 = arith.constant 0 : i32
        %dma_start3A_148 = arith.constant 0 : i32
        %dma_start3A_149 = tpu.memref_slice %arg13[%dma_start3A_147, %dma_start3A_148] : memref<80x128xf32, #tpu.memory_space<vmem>> -> memref<16x128xf32, #tpu.memory_space<vmem>>
        tpu.enqueue_dma source(%dma_start3A_149 : memref<16x128xf32, #tpu.memory_space<vmem>>) target(%dma_start3A_146 : memref<16x128xf32, #tpu.memory_space<hbm>>) target_semaphore(%run_scoped3A : memref<!tpu.dma_semaphore, #tpu.memory_space<semaphore_mem>>)
        %dma_wait3A = arith.constant 0 : i32
        %dma_wait3A_150 = arith.constant 0 : i32
        %dma_wait3A_151 = tpu.memref_slice %arg13[%dma_wait3A, %dma_wait3A_150] : memref<80x128xf32, #tpu.memory_space<vmem>> -> memref<16x128xf32, #tpu.memory_space<vmem>>
        %dma_wait3A_152 = arith.constant 9984 : i32
        %dma_wait3A_153 = arith.constant 0 : i32
        %dma_wait3A_154 = tpu.memref_slice %arg7[%arg0, %dma_wait3A_152, %dma_wait3A_153] : memref<2x10000x128xf32, #tpu.memory_space<hbm>> -> memref<1x16x128xf32, #tpu.memory_space<hbm>>
        %dma_wait3A_155 = tpu.memref_squeeze %dma_wait3A_154 : memref<1x16x128xf32, #tpu.memory_space<hbm>> -> memref<16x128xf32, #tpu.memory_space<hbm>>
        %dma_wait3A_156 = arith.constant 9984 : i32
        %dma_wait3A_157 = arith.constant 0 : i32
        %dma_wait3A_158 = tpu.memref_slice %arg7[%arg0, %dma_wait3A_156, %dma_wait3A_157] : memref<2x10000x128xf32, #tpu.memory_space<hbm>> -> memref<1x16x128xf32, #tpu.memory_space<hbm>>
        %dma_wait3A_159 = tpu.memref_squeeze %dma_wait3A_158 : memref<1x16x128xf32, #tpu.memory_space<hbm>> -> memref<16x128xf32, #tpu.memory_space<hbm>>
        %dma_wait3A_160 = arith.constant 0 : i32
        %dma_wait3A_161 = arith.constant 0 : i32
        %dma_wait3A_162 = tpu.memref_slice %arg13[%dma_wait3A_160, %dma_wait3A_161] : memref<80x128xf32, #tpu.memory_space<vmem>> -> memref<16x128xf32, #tpu.memory_space<vmem>>
        tpu.wait_dma2 semaphore(%run_scoped3A : memref<!tpu.dma_semaphore, #tpu.memory_space<semaphore_mem>>) src(%dma_wait3A_162 : memref<16x128xf32, #tpu.memory_space<vmem>>) dst(%dma_wait3A_159 : memref<16x128xf32, #tpu.memory_space<hbm>>)
        tpu.yield
      }) : () -> ()
    } else {
    }
    %barrier3A_66 = arith.constant 0 : index
    tpu.barrier barrier_id(%barrier3A_66)
    "tpu.region"() ({
      %run_scoped3A = tpu.sem_alloc : memref<!tpu.dma_semaphore, #tpu.memory_space<semaphore_mem>>
      tpu.enqueue_dma source(%arg5 : memref<80x128xf32, #tpu.memory_space<hbm>>) target(%arg13 : memref<80x128xf32, #tpu.memory_space<vmem>>) target_semaphore(%run_scoped3A : memref<!tpu.dma_semaphore, #tpu.memory_space<semaphore_mem>>)
      tpu.wait_dma2 semaphore(%run_scoped3A : memref<!tpu.dma_semaphore, #tpu.memory_space<semaphore_mem>>) src(%arg5 : memref<80x128xf32, #tpu.memory_space<hbm>>) dst(%arg13 : memref<80x128xf32, #tpu.memory_space<vmem>>)
      tpu.yield
    }) : () -> ()
    %add3A_67 = arith.constant 0 : i32
    %add3A_68 = arith.addi %mul3A_0, %add3A_67 : i32
    "tpu.region"() ({
      %run_scoped3A = tpu.sem_alloc : memref<!tpu.dma_semaphore, #tpu.memory_space<semaphore_mem>>
      %dma_start3A = arith.constant 0 : i32
      %dma_start3A_137 = tpu.memref_slice %arg9[%add3A_68, %dma_start3A] : memref<10000x128xf32, #tpu.memory_space<vmem_shared>> -> memref<80x128xf32, #tpu.memory_space<vmem_shared>>
      %dma_start3A_138 = arith.constant 0 : i32
      %dma_start3A_139 = tpu.memref_slice %arg9[%add3A_68, %dma_start3A_138] : memref<10000x128xf32, #tpu.memory_space<vmem_shared>> -> memref<80x128xf32, #tpu.memory_space<vmem_shared>>
      tpu.enqueue_dma source(%arg13 : memref<80x128xf32, #tpu.memory_space<vmem>>) target(%dma_start3A_139 : memref<80x128xf32, #tpu.memory_space<vmem_shared>>) target_semaphore(%run_scoped3A : memref<!tpu.dma_semaphore, #tpu.memory_space<semaphore_mem>>)
      %dma_wait3A = arith.constant 0 : i32
      %dma_wait3A_140 = tpu.memref_slice %arg9[%add3A_68, %dma_wait3A] : memref<10000x128xf32, #tpu.memory_space<vmem_shared>> -> memref<80x128xf32, #tpu.memory_space<vmem_shared>>
      %dma_wait3A_141 = arith.constant 0 : i32
      %dma_wait3A_142 = tpu.memref_slice %arg9[%add3A_68, %dma_wait3A_141] : memref<10000x128xf32, #tpu.memory_space<vmem_shared>> -> memref<80x128xf32, #tpu.memory_space<vmem_shared>>
      tpu.wait_dma2 semaphore(%run_scoped3A : memref<!tpu.dma_semaphore, #tpu.memory_space<semaphore_mem>>) src(%arg13 : memref<80x128xf32, #tpu.memory_space<vmem>>) dst(%dma_wait3A_142 : memref<80x128xf32, #tpu.memory_space<vmem_shared>>)
      tpu.yield
    }) : () -> ()
    %add3A_69 = arith.constant 80 : i32
    %add3A_70 = arith.addi %mul3A_0, %add3A_69 : i32
    "tpu.region"() ({
      %run_scoped3A = tpu.sem_alloc : memref<!tpu.dma_semaphore, #tpu.memory_space<semaphore_mem>>
      %dma_start3A = arith.constant 0 : i32
      %dma_start3A_137 = tpu.memref_slice %arg9[%add3A_70, %dma_start3A] : memref<10000x128xf32, #tpu.memory_space<vmem_shared>> -> memref<80x128xf32, #tpu.memory_space<vmem_shared>>
      %dma_start3A_138 = arith.constant 0 : i32
      %dma_start3A_139 = tpu.memref_slice %arg9[%add3A_70, %dma_start3A_138] : memref<10000x128xf32, #tpu.memory_space<vmem_shared>> -> memref<80x128xf32, #tpu.memory_space<vmem_shared>>
      tpu.enqueue_dma source(%arg13 : memref<80x128xf32, #tpu.memory_space<vmem>>) target(%dma_start3A_139 : memref<80x128xf32, #tpu.memory_space<vmem_shared>>) target_semaphore(%run_scoped3A : memref<!tpu.dma_semaphore, #tpu.memory_space<semaphore_mem>>)
      %dma_wait3A = arith.constant 0 : i32
      %dma_wait3A_140 = tpu.memref_slice %arg9[%add3A_70, %dma_wait3A] : memref<10000x128xf32, #tpu.memory_space<vmem_shared>> -> memref<80x128xf32, #tpu.memory_space<vmem_shared>>
      %dma_wait3A_141 = arith.constant 0 : i32
      %dma_wait3A_142 = tpu.memref_slice %arg9[%add3A_70, %dma_wait3A_141] : memref<10000x128xf32, #tpu.memory_space<vmem_shared>> -> memref<80x128xf32, #tpu.memory_space<vmem_shared>>
      tpu.wait_dma2 semaphore(%run_scoped3A : memref<!tpu.dma_semaphore, #tpu.memory_space<semaphore_mem>>) src(%arg13 : memref<80x128xf32, #tpu.memory_space<vmem>>) dst(%dma_wait3A_142 : memref<80x128xf32, #tpu.memory_space<vmem_shared>>)
      tpu.yield
    }) : () -> ()
    %add3A_71 = arith.constant 160 : i32
    %add3A_72 = arith.addi %mul3A_0, %add3A_71 : i32
    "tpu.region"() ({
      %run_scoped3A = tpu.sem_alloc : memref<!tpu.dma_semaphore, #tpu.memory_space<semaphore_mem>>
      %dma_start3A = arith.constant 0 : i32
      %dma_start3A_137 = tpu.memref_slice %arg9[%add3A_72, %dma_start3A] : memref<10000x128xf32, #tpu.memory_space<vmem_shared>> -> memref<80x128xf32, #tpu.memory_space<vmem_shared>>
      %dma_start3A_138 = arith.constant 0 : i32
      %dma_start3A_139 = tpu.memref_slice %arg9[%add3A_72, %dma_start3A_138] : memref<10000x128xf32, #tpu.memory_space<vmem_shared>> -> memref<80x128xf32, #tpu.memory_space<vmem_shared>>
      tpu.enqueue_dma source(%arg13 : memref<80x128xf32, #tpu.memory_space<vmem>>) target(%dma_start3A_139 : memref<80x128xf32, #tpu.memory_space<vmem_shared>>) target_semaphore(%run_scoped3A : memref<!tpu.dma_semaphore, #tpu.memory_space<semaphore_mem>>)
      %dma_wait3A = arith.constant 0 : i32
      %dma_wait3A_140 = tpu.memref_slice %arg9[%add3A_72, %dma_wait3A] : memref<10000x128xf32, #tpu.memory_space<vmem_shared>> -> memref<80x128xf32, #tpu.memory_space<vmem_shared>>
      %dma_wait3A_141 = arith.constant 0 : i32
      %dma_wait3A_142 = tpu.memref_slice %arg9[%add3A_72, %dma_wait3A_141] : memref<10000x128xf32, #tpu.memory_space<vmem_shared>> -> memref<80x128xf32, #tpu.memory_space<vmem_shared>>
      tpu.wait_dma2 semaphore(%run_scoped3A : memref<!tpu.dma_semaphore, #tpu.memory_space<semaphore_mem>>) src(%arg13 : memref<80x128xf32, #tpu.memory_space<vmem>>) dst(%dma_wait3A_142 : memref<80x128xf32, #tpu.memory_space<vmem_shared>>)
      tpu.yield
    }) : () -> ()
    %add3A_73 = arith.constant 240 : i32
    %add3A_74 = arith.addi %mul3A_0, %add3A_73 : i32
    "tpu.region"() ({
      %run_scoped3A = tpu.sem_alloc : memref<!tpu.dma_semaphore, #tpu.memory_space<semaphore_mem>>
      %dma_start3A = arith.constant 0 : i32
      %dma_start3A_137 = tpu.memref_slice %arg9[%add3A_74, %dma_start3A] : memref<10000x128xf32, #tpu.memory_space<vmem_shared>> -> memref<80x128xf32, #tpu.memory_space<vmem_shared>>
      %dma_start3A_138 = arith.constant 0 : i32
      %dma_start3A_139 = tpu.memref_slice %arg9[%add3A_74, %dma_start3A_138] : memref<10000x128xf32, #tpu.memory_space<vmem_shared>> -> memref<80x128xf32, #tpu.memory_space<vmem_shared>>
      tpu.enqueue_dma source(%arg13 : memref<80x128xf32, #tpu.memory_space<vmem>>) target(%dma_start3A_139 : memref<80x128xf32, #tpu.memory_space<vmem_shared>>) target_semaphore(%run_scoped3A : memref<!tpu.dma_semaphore, #tpu.memory_space<semaphore_mem>>)
      %dma_wait3A = arith.constant 0 : i32
      %dma_wait3A_140 = tpu.memref_slice %arg9[%add3A_74, %dma_wait3A] : memref<10000x128xf32, #tpu.memory_space<vmem_shared>> -> memref<80x128xf32, #tpu.memory_space<vmem_shared>>
      %dma_wait3A_141 = arith.constant 0 : i32
      %dma_wait3A_142 = tpu.memref_slice %arg9[%add3A_74, %dma_wait3A_141] : memref<10000x128xf32, #tpu.memory_space<vmem_shared>> -> memref<80x128xf32, #tpu.memory_space<vmem_shared>>
      tpu.wait_dma2 semaphore(%run_scoped3A : memref<!tpu.dma_semaphore, #tpu.memory_space<semaphore_mem>>) src(%arg13 : memref<80x128xf32, #tpu.memory_space<vmem>>) dst(%dma_wait3A_142 : memref<80x128xf32, #tpu.memory_space<vmem_shared>>)
      tpu.yield
    }) : () -> ()
    %add3A_75 = arith.constant 320 : i32
    %add3A_76 = arith.addi %mul3A_0, %add3A_75 : i32
    "tpu.region"() ({
      %run_scoped3A = tpu.sem_alloc : memref<!tpu.dma_semaphore, #tpu.memory_space<semaphore_mem>>
      %dma_start3A = arith.constant 0 : i32
      %dma_start3A_137 = tpu.memref_slice %arg9[%add3A_76, %dma_start3A] : memref<10000x128xf32, #tpu.memory_space<vmem_shared>> -> memref<80x128xf32, #tpu.memory_space<vmem_shared>>
      %dma_start3A_138 = arith.constant 0 : i32
      %dma_start3A_139 = tpu.memref_slice %arg9[%add3A_76, %dma_start3A_138] : memref<10000x128xf32, #tpu.memory_space<vmem_shared>> -> memref<80x128xf32, #tpu.memory_space<vmem_shared>>
      tpu.enqueue_dma source(%arg13 : memref<80x128xf32, #tpu.memory_space<vmem>>) target(%dma_start3A_139 : memref<80x128xf32, #tpu.memory_space<vmem_shared>>) target_semaphore(%run_scoped3A : memref<!tpu.dma_semaphore, #tpu.memory_space<semaphore_mem>>)
      %dma_wait3A = arith.constant 0 : i32
      %dma_wait3A_140 = tpu.memref_slice %arg9[%add3A_76, %dma_wait3A] : memref<10000x128xf32, #tpu.memory_space<vmem_shared>> -> memref<80x128xf32, #tpu.memory_space<vmem_shared>>
      %dma_wait3A_141 = arith.constant 0 : i32
      %dma_wait3A_142 = tpu.memref_slice %arg9[%add3A_76, %dma_wait3A_141] : memref<10000x128xf32, #tpu.memory_space<vmem_shared>> -> memref<80x128xf32, #tpu.memory_space<vmem_shared>>
      tpu.wait_dma2 semaphore(%run_scoped3A : memref<!tpu.dma_semaphore, #tpu.memory_space<semaphore_mem>>) src(%arg13 : memref<80x128xf32, #tpu.memory_space<vmem>>) dst(%dma_wait3A_142 : memref<80x128xf32, #tpu.memory_space<vmem_shared>>)
      tpu.yield
    }) : () -> ()
    %add3A_77 = arith.constant 400 : i32
    %add3A_78 = arith.addi %mul3A_0, %add3A_77 : i32
    "tpu.region"() ({
      %run_scoped3A = tpu.sem_alloc : memref<!tpu.dma_semaphore, #tpu.memory_space<semaphore_mem>>
      %dma_start3A = arith.constant 0 : i32
      %dma_start3A_137 = tpu.memref_slice %arg9[%add3A_78, %dma_start3A] : memref<10000x128xf32, #tpu.memory_space<vmem_shared>> -> memref<80x128xf32, #tpu.memory_space<vmem_shared>>
      %dma_start3A_138 = arith.constant 0 : i32
      %dma_start3A_139 = tpu.memref_slice %arg9[%add3A_78, %dma_start3A_138] : memref<10000x128xf32, #tpu.memory_space<vmem_shared>> -> memref<80x128xf32, #tpu.memory_space<vmem_shared>>
      tpu.enqueue_dma source(%arg13 : memref<80x128xf32, #tpu.memory_space<vmem>>) target(%dma_start3A_139 : memref<80x128xf32, #tpu.memory_space<vmem_shared>>) target_semaphore(%run_scoped3A : memref<!tpu.dma_semaphore, #tpu.memory_space<semaphore_mem>>)
      %dma_wait3A = arith.constant 0 : i32
      %dma_wait3A_140 = tpu.memref_slice %arg9[%add3A_78, %dma_wait3A] : memref<10000x128xf32, #tpu.memory_space<vmem_shared>> -> memref<80x128xf32, #tpu.memory_space<vmem_shared>>
      %dma_wait3A_141 = arith.constant 0 : i32
      %dma_wait3A_142 = tpu.memref_slice %arg9[%add3A_78, %dma_wait3A_141] : memref<10000x128xf32, #tpu.memory_space<vmem_shared>> -> memref<80x128xf32, #tpu.memory_space<vmem_shared>>
      tpu.wait_dma2 semaphore(%run_scoped3A : memref<!tpu.dma_semaphore, #tpu.memory_space<semaphore_mem>>) src(%arg13 : memref<80x128xf32, #tpu.memory_space<vmem>>) dst(%dma_wait3A_142 : memref<80x128xf32, #tpu.memory_space<vmem_shared>>)
      tpu.yield
    }) : () -> ()
    %add3A_79 = arith.constant 480 : i32
    %add3A_80 = arith.addi %mul3A_0, %add3A_79 : i32
    "tpu.region"() ({
      %run_scoped3A = tpu.sem_alloc : memref<!tpu.dma_semaphore, #tpu.memory_space<semaphore_mem>>
      %dma_start3A = arith.constant 0 : i32
      %dma_start3A_137 = tpu.memref_slice %arg9[%add3A_80, %dma_start3A] : memref<10000x128xf32, #tpu.memory_space<vmem_shared>> -> memref<80x128xf32, #tpu.memory_space<vmem_shared>>
      %dma_start3A_138 = arith.constant 0 : i32
      %dma_start3A_139 = tpu.memref_slice %arg9[%add3A_80, %dma_start3A_138] : memref<10000x128xf32, #tpu.memory_space<vmem_shared>> -> memref<80x128xf32, #tpu.memory_space<vmem_shared>>
      tpu.enqueue_dma source(%arg13 : memref<80x128xf32, #tpu.memory_space<vmem>>) target(%dma_start3A_139 : memref<80x128xf32, #tpu.memory_space<vmem_shared>>) target_semaphore(%run_scoped3A : memref<!tpu.dma_semaphore, #tpu.memory_space<semaphore_mem>>)
      %dma_wait3A = arith.constant 0 : i32
      %dma_wait3A_140 = tpu.memref_slice %arg9[%add3A_80, %dma_wait3A] : memref<10000x128xf32, #tpu.memory_space<vmem_shared>> -> memref<80x128xf32, #tpu.memory_space<vmem_shared>>
      %dma_wait3A_141 = arith.constant 0 : i32
      %dma_wait3A_142 = tpu.memref_slice %arg9[%add3A_80, %dma_wait3A_141] : memref<10000x128xf32, #tpu.memory_space<vmem_shared>> -> memref<80x128xf32, #tpu.memory_space<vmem_shared>>
      tpu.wait_dma2 semaphore(%run_scoped3A : memref<!tpu.dma_semaphore, #tpu.memory_space<semaphore_mem>>) src(%arg13 : memref<80x128xf32, #tpu.memory_space<vmem>>) dst(%dma_wait3A_142 : memref<80x128xf32, #tpu.memory_space<vmem_shared>>)
      tpu.yield
    }) : () -> ()
    %add3A_81 = arith.constant 560 : i32
    %add3A_82 = arith.addi %mul3A_0, %add3A_81 : i32
    "tpu.region"() ({
      %run_scoped3A = tpu.sem_alloc : memref<!tpu.dma_semaphore, #tpu.memory_space<semaphore_mem>>
      %dma_start3A = arith.constant 0 : i32
      %dma_start3A_137 = arith.constant 0 : i32
      %dma_start3A_138 = tpu.memref_slice %arg13[%dma_start3A, %dma_start3A_137] : memref<80x128xf32, #tpu.memory_space<vmem>> -> memref<64x128xf32, #tpu.memory_space<vmem>>
      %dma_start3A_139 = arith.constant 0 : i32
      %dma_start3A_140 = tpu.memref_slice %arg9[%add3A_82, %dma_start3A_139] : memref<10000x128xf32, #tpu.memory_space<vmem_shared>> -> memref<64x128xf32, #tpu.memory_space<vmem_shared>>
      %dma_start3A_141 = arith.constant 0 : i32
      %dma_start3A_142 = tpu.memref_slice %arg9[%add3A_82, %dma_start3A_141] : memref<10000x128xf32, #tpu.memory_space<vmem_shared>> -> memref<64x128xf32, #tpu.memory_space<vmem_shared>>
      %dma_start3A_143 = arith.constant 0 : i32
      %dma_start3A_144 = arith.constant 0 : i32
      %dma_start3A_145 = tpu.memref_slice %arg13[%dma_start3A_143, %dma_start3A_144] : memref<80x128xf32, #tpu.memory_space<vmem>> -> memref<64x128xf32, #tpu.memory_space<vmem>>
      tpu.enqueue_dma source(%dma_start3A_145 : memref<64x128xf32, #tpu.memory_space<vmem>>) target(%dma_start3A_142 : memref<64x128xf32, #tpu.memory_space<vmem_shared>>) target_semaphore(%run_scoped3A : memref<!tpu.dma_semaphore, #tpu.memory_space<semaphore_mem>>)
      %dma_wait3A = arith.constant 0 : i32
      %dma_wait3A_146 = arith.constant 0 : i32
      %dma_wait3A_147 = tpu.memref_slice %arg13[%dma_wait3A, %dma_wait3A_146] : memref<80x128xf32, #tpu.memory_space<vmem>> -> memref<64x128xf32, #tpu.memory_space<vmem>>
      %dma_wait3A_148 = arith.constant 0 : i32
      %dma_wait3A_149 = tpu.memref_slice %arg9[%add3A_82, %dma_wait3A_148] : memref<10000x128xf32, #tpu.memory_space<vmem_shared>> -> memref<64x128xf32, #tpu.memory_space<vmem_shared>>
      %dma_wait3A_150 = arith.constant 0 : i32
      %dma_wait3A_151 = tpu.memref_slice %arg9[%add3A_82, %dma_wait3A_150] : memref<10000x128xf32, #tpu.memory_space<vmem_shared>> -> memref<64x128xf32, #tpu.memory_space<vmem_shared>>
      %dma_wait3A_152 = arith.constant 0 : i32
      %dma_wait3A_153 = arith.constant 0 : i32
      %dma_wait3A_154 = tpu.memref_slice %arg13[%dma_wait3A_152, %dma_wait3A_153] : memref<80x128xf32, #tpu.memory_space<vmem>> -> memref<64x128xf32, #tpu.memory_space<vmem>>
      tpu.wait_dma2 semaphore(%run_scoped3A : memref<!tpu.dma_semaphore, #tpu.memory_space<semaphore_mem>>) src(%dma_wait3A_154 : memref<64x128xf32, #tpu.memory_space<vmem>>) dst(%dma_wait3A_151 : memref<64x128xf32, #tpu.memory_space<vmem_shared>>)
      tpu.yield
    }) : () -> ()
    %eq3A_83 = arith.constant 15 : i32
    %eq3A_84 = arith.cmpi eq, %arg1, %eq3A_83 : i32
    %convert_element_type3A_85 = arith.extui %eq3A_84 : i1 to i32
    %cond3A_86 = arith.constant 0 : i32
    %cond3A_87 = arith.cmpi ne, %convert_element_type3A_85, %cond3A_86 : i32
    scf.if %cond3A_87 {
      "tpu.region"() ({
        %run_scoped3A = tpu.sem_alloc : memref<!tpu.dma_semaphore, #tpu.memory_space<semaphore_mem>>
        %dma_start3A = arith.constant 0 : i32
        %dma_start3A_137 = arith.constant 0 : i32
        %dma_start3A_138 = tpu.memref_slice %arg13[%dma_start3A, %dma_start3A_137] : memref<80x128xf32, #tpu.memory_space<vmem>> -> memref<16x128xf32, #tpu.memory_space<vmem>>
        %dma_start3A_139 = arith.constant 9984 : i32
        %dma_start3A_140 = arith.constant 0 : i32
        %dma_start3A_141 = tpu.memref_slice %arg9[%dma_start3A_139, %dma_start3A_140] : memref<10000x128xf32, #tpu.memory_space<vmem_shared>> -> memref<16x128xf32, #tpu.memory_space<vmem_shared>>
        %dma_start3A_142 = arith.constant 9984 : i32
        %dma_start3A_143 = arith.constant 0 : i32
        %dma_start3A_144 = tpu.memref_slice %arg9[%dma_start3A_142, %dma_start3A_143] : memref<10000x128xf32, #tpu.memory_space<vmem_shared>> -> memref<16x128xf32, #tpu.memory_space<vmem_shared>>
        %dma_start3A_145 = arith.constant 0 : i32
        %dma_start3A_146 = arith.constant 0 : i32
        %dma_start3A_147 = tpu.memref_slice %arg13[%dma_start3A_145, %dma_start3A_146] : memref<80x128xf32, #tpu.memory_space<vmem>> -> memref<16x128xf32, #tpu.memory_space<vmem>>
        tpu.enqueue_dma source(%dma_start3A_147 : memref<16x128xf32, #tpu.memory_space<vmem>>) target(%dma_start3A_144 : memref<16x128xf32, #tpu.memory_space<vmem_shared>>) target_semaphore(%run_scoped3A : memref<!tpu.dma_semaphore, #tpu.memory_space<semaphore_mem>>)
        %dma_wait3A = arith.constant 0 : i32
        %dma_wait3A_148 = arith.constant 0 : i32
        %dma_wait3A_149 = tpu.memref_slice %arg13[%dma_wait3A, %dma_wait3A_148] : memref<80x128xf32, #tpu.memory_space<vmem>> -> memref<16x128xf32, #tpu.memory_space<vmem>>
        %dma_wait3A_150 = arith.constant 9984 : i32
        %dma_wait3A_151 = arith.constant 0 : i32
        %dma_wait3A_152 = tpu.memref_slice %arg9[%dma_wait3A_150, %dma_wait3A_151] : memref<10000x128xf32, #tpu.memory_space<vmem_shared>> -> memref<16x128xf32, #tpu.memory_space<vmem_shared>>
        %dma_wait3A_153 = arith.constant 9984 : i32
        %dma_wait3A_154 = arith.constant 0 : i32
        %dma_wait3A_155 = tpu.memref_slice %arg9[%dma_wait3A_153, %dma_wait3A_154] : memref<10000x128xf32, #tpu.memory_space<vmem_shared>> -> memref<16x128xf32, #tpu.memory_space<vmem_shared>>
        %dma_wait3A_156 = arith.constant 0 : i32
        %dma_wait3A_157 = arith.constant 0 : i32
        %dma_wait3A_158 = tpu.memref_slice %arg13[%dma_wait3A_156, %dma_wait3A_157] : memref<80x128xf32, #tpu.memory_space<vmem>> -> memref<16x128xf32, #tpu.memory_space<vmem>>
        tpu.wait_dma2 semaphore(%run_scoped3A : memref<!tpu.dma_semaphore, #tpu.memory_space<semaphore_mem>>) src(%dma_wait3A_158 : memref<16x128xf32, #tpu.memory_space<vmem>>) dst(%dma_wait3A_155 : memref<16x128xf32, #tpu.memory_space<vmem_shared>>)
        tpu.yield
      }) : () -> ()
    } else {
    }
    "tpu.region"() ({
      %run_scoped3A = tpu.sem_alloc : memref<!tpu.dma_semaphore, #tpu.memory_space<semaphore_mem>>
      tpu.enqueue_dma source(%arg6 : memref<80x128xf32, #tpu.memory_space<hbm>>) target(%arg15 : memref<80x128xf32, #tpu.memory_space<vmem>>) target_semaphore(%run_scoped3A : memref<!tpu.dma_semaphore, #tpu.memory_space<semaphore_mem>>)
      tpu.wait_dma2 semaphore(%run_scoped3A : memref<!tpu.dma_semaphore, #tpu.memory_space<semaphore_mem>>) src(%arg6 : memref<80x128xf32, #tpu.memory_space<hbm>>) dst(%arg15 : memref<80x128xf32, #tpu.memory_space<vmem>>)
      tpu.yield
    }) : () -> ()
    %barrier3A_88 = arith.constant 0 : index
    tpu.barrier barrier_id(%barrier3A_88)
    %eq3A_89 = arith.constant 0 : i32
    %eq3A_90 = arith.cmpi eq, %arg0, %eq3A_89 : i32
    %convert_element_type3A_91 = arith.extui %eq3A_90 : i1 to i32
    %cond3A_92 = arith.constant 0 : i32
    %cond3A_93 = arith.cmpi ne, %convert_element_type3A_91, %cond3A_92 : i32
    scf.if %cond3A_93 {
      %mul3A_137 = arith.constant 20000 : i32
      %mul3A_138 = arith.muli %arg1, %mul3A_137 : i32
      "tpu.region"() ({
        %run_scoped3A = tpu.sem_alloc : memref<!tpu.dma_semaphore, #tpu.memory_space<semaphore_mem>>
        %dma_start3A_146 = tpu.memref_slice %arg4[%mul3A_138] : memref<320000xi32, #tpu.memory_space<hbm>> -> memref<80xi32, #tpu.memory_space<hbm>>
        %dma_start3A_147 = tpu.memref_slice %arg4[%mul3A_138] : memref<320000xi32, #tpu.memory_space<hbm>> -> memref<80xi32, #tpu.memory_space<hbm>>
        tpu.enqueue_dma source(%dma_start3A_147 : memref<80xi32, #tpu.memory_space<hbm>>) target(%arg10 : memref<80xi32, #tpu.memory_space<vmem>>) target_semaphore(%run_scoped3A : memref<!tpu.dma_semaphore, #tpu.memory_space<semaphore_mem>>)
        %dma_wait3A = tpu.memref_slice %arg4[%mul3A_138] : memref<320000xi32, #tpu.memory_space<hbm>> -> memref<80xi32, #tpu.memory_space<hbm>>
        %dma_wait3A_148 = tpu.memref_slice %arg4[%mul3A_138] : memref<320000xi32, #tpu.memory_space<hbm>> -> memref<80xi32, #tpu.memory_space<hbm>>
        tpu.wait_dma2 semaphore(%run_scoped3A : memref<!tpu.dma_semaphore, #tpu.memory_space<semaphore_mem>>) src(%dma_wait3A_148 : memref<80xi32, #tpu.memory_space<hbm>>) dst(%arg10 : memref<80xi32, #tpu.memory_space<vmem>>)
        tpu.yield
      }) : () -> ()
      %dma_start3A = arith.constant 0 : i32
      %dma_start3A_139 = arith.constant 0 : i32
      %dma_start3A_140 = tpu.memref_slice %arg9[%dma_start3A, %dma_start3A_139] : memref<10000x128xf32, #tpu.memory_space<vmem_shared>> -> memref<10000x128xf32, #tpu.memory_space<vmem_shared>>
      tpu.enqueue_indirect_dma source(%arg15 : memref<80x128xf32, #tpu.memory_space<vmem>>) target(%dma_start3A_140 : memref<10000x128xf32, #tpu.memory_space<vmem_shared>>) offsets(%arg10 : memref<80xi32, #tpu.memory_space<vmem>>) semaphore(%arg16 : memref<!tpu.dma_semaphore, #tpu.memory_space<semaphore_mem>>) {add = true}
      %scan3A = arith.constant 0 : i32
      %scan3A_141 = arith.constant 0 : i32
      %scan3A_142 = arith.constant 125 : i32
      %scan3A_143 = arith.addi %scan3A_141, %scan3A_142 : i32
      %scan3A_144 = arith.constant 1 : i32
      scf.for %scan3A_146 = %scan3A_141 to %scan3A_143 step %scan3A_144  : i32 {
        %mul3A_147 = arith.constant 2 : i32
        %mul3A_148 = arith.muli %mul3A_147, %scan3A_146 : i32
        %mul3A_149 = arith.constant 20000 : i32
        %mul3A_150 = arith.muli %arg1, %mul3A_149 : i32
        %add3A_151 = arith.constant 1 : i32
        %add3A_152 = arith.addi %mul3A_148, %add3A_151 : i32
        %mul3A_153 = arith.constant 80 : i32
        %mul3A_154 = arith.muli %add3A_152, %mul3A_153 : i32
        %add3A_155 = arith.addi %mul3A_150, %mul3A_154 : i32
        "tpu.region"() ({
          %run_scoped3A = tpu.sem_alloc : memref<!tpu.dma_semaphore, #tpu.memory_space<semaphore_mem>>
          %dma_start3A_165 = tpu.memref_slice %arg4[%add3A_155] : memref<320000xi32, #tpu.memory_space<hbm>> -> memref<80xi32, #tpu.memory_space<hbm>>
          %dma_start3A_166 = tpu.memref_slice %arg4[%add3A_155] : memref<320000xi32, #tpu.memory_space<hbm>> -> memref<80xi32, #tpu.memory_space<hbm>>
          tpu.enqueue_dma source(%dma_start3A_166 : memref<80xi32, #tpu.memory_space<hbm>>) target(%arg11 : memref<80xi32, #tpu.memory_space<vmem>>) target_semaphore(%run_scoped3A : memref<!tpu.dma_semaphore, #tpu.memory_space<semaphore_mem>>)
          %dma_wait3A = tpu.memref_slice %arg4[%add3A_155] : memref<320000xi32, #tpu.memory_space<hbm>> -> memref<80xi32, #tpu.memory_space<hbm>>
          %dma_wait3A_167 = tpu.memref_slice %arg4[%add3A_155] : memref<320000xi32, #tpu.memory_space<hbm>> -> memref<80xi32, #tpu.memory_space<hbm>>
          tpu.wait_dma2 semaphore(%run_scoped3A : memref<!tpu.dma_semaphore, #tpu.memory_space<semaphore_mem>>) src(%dma_wait3A_167 : memref<80xi32, #tpu.memory_space<hbm>>) dst(%arg11 : memref<80xi32, #tpu.memory_space<vmem>>)
          tpu.yield
        }) : () -> ()
        %dma_start3A_156 = arith.constant 0 : i32
        %dma_start3A_157 = arith.constant 0 : i32
        %dma_start3A_158 = tpu.memref_slice %arg9[%dma_start3A_156, %dma_start3A_157] : memref<10000x128xf32, #tpu.memory_space<vmem_shared>> -> memref<10000x128xf32, #tpu.memory_space<vmem_shared>>
        tpu.enqueue_indirect_dma source(%arg15 : memref<80x128xf32, #tpu.memory_space<vmem>>) target(%dma_start3A_158 : memref<10000x128xf32, #tpu.memory_space<vmem_shared>>) offsets(%arg11 : memref<80xi32, #tpu.memory_space<vmem>>) semaphore(%arg17 : memref<!tpu.dma_semaphore, #tpu.memory_space<semaphore_mem>>) {add = true}
        tpu.wait_dma2 semaphore(%arg16 : memref<!tpu.dma_semaphore, #tpu.memory_space<semaphore_mem>>) src(%arg5 : memref<80x128xf32, #tpu.memory_space<hbm>>) dst(%arg15 : memref<80x128xf32, #tpu.memory_space<vmem>>)
        %add3A_159 = arith.constant 2 : i32
        %add3A_160 = arith.addi %mul3A_148, %add3A_159 : i32
        %lt3A = arith.constant 250 : i32
        %lt3A_161 = arith.cmpi slt, %add3A_160, %lt3A : i32
        %convert_element_type3A_162 = arith.extui %lt3A_161 : i1 to i32
        %cond3A_163 = arith.constant 0 : i32
        %cond3A_164 = arith.cmpi ne, %convert_element_type3A_162, %cond3A_163 : i32
        scf.if %cond3A_164 {
          %mul3A_165 = arith.constant 20000 : i32
          %mul3A_166 = arith.muli %arg1, %mul3A_165 : i32
          %add3A_167 = arith.constant 2 : i32
          %add3A_168 = arith.addi %mul3A_148, %add3A_167 : i32
          %mul3A_169 = arith.constant 80 : i32
          %mul3A_170 = arith.muli %add3A_168, %mul3A_169 : i32
          %add3A_171 = arith.addi %mul3A_166, %mul3A_170 : i32
          "tpu.region"() ({
            %run_scoped3A = tpu.sem_alloc : memref<!tpu.dma_semaphore, #tpu.memory_space<semaphore_mem>>
            %dma_start3A_175 = tpu.memref_slice %arg4[%add3A_171] : memref<320000xi32, #tpu.memory_space<hbm>> -> memref<80xi32, #tpu.memory_space<hbm>>
            %dma_start3A_176 = tpu.memref_slice %arg4[%add3A_171] : memref<320000xi32, #tpu.memory_space<hbm>> -> memref<80xi32, #tpu.memory_space<hbm>>
            tpu.enqueue_dma source(%dma_start3A_176 : memref<80xi32, #tpu.memory_space<hbm>>) target(%arg10 : memref<80xi32, #tpu.memory_space<vmem>>) target_semaphore(%run_scoped3A : memref<!tpu.dma_semaphore, #tpu.memory_space<semaphore_mem>>)
            %dma_wait3A = tpu.memref_slice %arg4[%add3A_171] : memref<320000xi32, #tpu.memory_space<hbm>> -> memref<80xi32, #tpu.memory_space<hbm>>
            %dma_wait3A_177 = tpu.memref_slice %arg4[%add3A_171] : memref<320000xi32, #tpu.memory_space<hbm>> -> memref<80xi32, #tpu.memory_space<hbm>>
            tpu.wait_dma2 semaphore(%run_scoped3A : memref<!tpu.dma_semaphore, #tpu.memory_space<semaphore_mem>>) src(%dma_wait3A_177 : memref<80xi32, #tpu.memory_space<hbm>>) dst(%arg10 : memref<80xi32, #tpu.memory_space<vmem>>)
            tpu.yield
          }) : () -> ()
          %dma_start3A_172 = arith.constant 0 : i32
          %dma_start3A_173 = arith.constant 0 : i32
          %dma_start3A_174 = tpu.memref_slice %arg9[%dma_start3A_172, %dma_start3A_173] : memref<10000x128xf32, #tpu.memory_space<vmem_shared>> -> memref<10000x128xf32, #tpu.memory_space<vmem_shared>>
          tpu.enqueue_indirect_dma source(%arg15 : memref<80x128xf32, #tpu.memory_space<vmem>>) target(%dma_start3A_174 : memref<10000x128xf32, #tpu.memory_space<vmem_shared>>) offsets(%arg10 : memref<80xi32, #tpu.memory_space<vmem>>) semaphore(%arg16 : memref<!tpu.dma_semaphore, #tpu.memory_space<semaphore_mem>>) {add = true}
        } else {
        }
        tpu.wait_dma2 semaphore(%arg17 : memref<!tpu.dma_semaphore, #tpu.memory_space<semaphore_mem>>) src(%arg5 : memref<80x128xf32, #tpu.memory_space<hbm>>) dst(%arg15 : memref<80x128xf32, #tpu.memory_space<vmem>>)
      }
      %scan3A_145 = arith.constant 125 : i32
    } else {
    }
    %eq3A_94 = arith.constant 1 : i32
    %eq3A_95 = arith.cmpi eq, %arg0, %eq3A_94 : i32
    %convert_element_type3A_96 = arith.extui %eq3A_95 : i1 to i32
    %cond3A_97 = arith.constant 0 : i32
    %cond3A_98 = arith.cmpi ne, %convert_element_type3A_96, %cond3A_97 : i32
    scf.if %cond3A_98 {
      %mul3A_137 = arith.constant 20000 : i32
      %mul3A_138 = arith.muli %arg1, %mul3A_137 : i32
      "tpu.region"() ({
        %run_scoped3A = tpu.sem_alloc : memref<!tpu.dma_semaphore, #tpu.memory_space<semaphore_mem>>
        %dma_start3A_146 = tpu.memref_slice %arg3[%mul3A_138] : memref<320000xi32, #tpu.memory_space<hbm>> -> memref<80xi32, #tpu.memory_space<hbm>>
        %dma_start3A_147 = tpu.memref_slice %arg3[%mul3A_138] : memref<320000xi32, #tpu.memory_space<hbm>> -> memref<80xi32, #tpu.memory_space<hbm>>
        tpu.enqueue_dma source(%dma_start3A_147 : memref<80xi32, #tpu.memory_space<hbm>>) target(%arg10 : memref<80xi32, #tpu.memory_space<vmem>>) target_semaphore(%run_scoped3A : memref<!tpu.dma_semaphore, #tpu.memory_space<semaphore_mem>>)
        %dma_wait3A = tpu.memref_slice %arg3[%mul3A_138] : memref<320000xi32, #tpu.memory_space<hbm>> -> memref<80xi32, #tpu.memory_space<hbm>>
        %dma_wait3A_148 = tpu.memref_slice %arg3[%mul3A_138] : memref<320000xi32, #tpu.memory_space<hbm>> -> memref<80xi32, #tpu.memory_space<hbm>>
        tpu.wait_dma2 semaphore(%run_scoped3A : memref<!tpu.dma_semaphore, #tpu.memory_space<semaphore_mem>>) src(%dma_wait3A_148 : memref<80xi32, #tpu.memory_space<hbm>>) dst(%arg10 : memref<80xi32, #tpu.memory_space<vmem>>)
        tpu.yield
      }) : () -> ()
      %dma_start3A = arith.constant 0 : i32
      %dma_start3A_139 = arith.constant 0 : i32
      %dma_start3A_140 = tpu.memref_slice %arg9[%dma_start3A, %dma_start3A_139] : memref<10000x128xf32, #tpu.memory_space<vmem_shared>> -> memref<10000x128xf32, #tpu.memory_space<vmem_shared>>
      tpu.enqueue_indirect_dma source(%arg15 : memref<80x128xf32, #tpu.memory_space<vmem>>) target(%dma_start3A_140 : memref<10000x128xf32, #tpu.memory_space<vmem_shared>>) offsets(%arg10 : memref<80xi32, #tpu.memory_space<vmem>>) semaphore(%arg16 : memref<!tpu.dma_semaphore, #tpu.memory_space<semaphore_mem>>) {add = true}
      %scan3A = arith.constant 0 : i32
      %scan3A_141 = arith.constant 0 : i32
      %scan3A_142 = arith.constant 125 : i32
      %scan3A_143 = arith.addi %scan3A_141, %scan3A_142 : i32
      %scan3A_144 = arith.constant 1 : i32
      scf.for %scan3A_146 = %scan3A_141 to %scan3A_143 step %scan3A_144  : i32 {
        %mul3A_147 = arith.constant 2 : i32
        %mul3A_148 = arith.muli %mul3A_147, %scan3A_146 : i32
        %mul3A_149 = arith.constant 20000 : i32
        %mul3A_150 = arith.muli %arg1, %mul3A_149 : i32
        %add3A_151 = arith.constant 1 : i32
        %add3A_152 = arith.addi %mul3A_148, %add3A_151 : i32
        %mul3A_153 = arith.constant 80 : i32
        %mul3A_154 = arith.muli %add3A_152, %mul3A_153 : i32
        %add3A_155 = arith.addi %mul3A_150, %mul3A_154 : i32
        "tpu.region"() ({
          %run_scoped3A = tpu.sem_alloc : memref<!tpu.dma_semaphore, #tpu.memory_space<semaphore_mem>>
          %dma_start3A_165 = tpu.memref_slice %arg3[%add3A_155] : memref<320000xi32, #tpu.memory_space<hbm>> -> memref<80xi32, #tpu.memory_space<hbm>>
          %dma_start3A_166 = tpu.memref_slice %arg3[%add3A_155] : memref<320000xi32, #tpu.memory_space<hbm>> -> memref<80xi32, #tpu.memory_space<hbm>>
          tpu.enqueue_dma source(%dma_start3A_166 : memref<80xi32, #tpu.memory_space<hbm>>) target(%arg11 : memref<80xi32, #tpu.memory_space<vmem>>) target_semaphore(%run_scoped3A : memref<!tpu.dma_semaphore, #tpu.memory_space<semaphore_mem>>)
          %dma_wait3A = tpu.memref_slice %arg3[%add3A_155] : memref<320000xi32, #tpu.memory_space<hbm>> -> memref<80xi32, #tpu.memory_space<hbm>>
          %dma_wait3A_167 = tpu.memref_slice %arg3[%add3A_155] : memref<320000xi32, #tpu.memory_space<hbm>> -> memref<80xi32, #tpu.memory_space<hbm>>
          tpu.wait_dma2 semaphore(%run_scoped3A : memref<!tpu.dma_semaphore, #tpu.memory_space<semaphore_mem>>) src(%dma_wait3A_167 : memref<80xi32, #tpu.memory_space<hbm>>) dst(%arg11 : memref<80xi32, #tpu.memory_space<vmem>>)
          tpu.yield
        }) : () -> ()
        %dma_start3A_156 = arith.constant 0 : i32
        %dma_start3A_157 = arith.constant 0 : i32
        %dma_start3A_158 = tpu.memref_slice %arg9[%dma_start3A_156, %dma_start3A_157] : memref<10000x128xf32, #tpu.memory_space<vmem_shared>> -> memref<10000x128xf32, #tpu.memory_space<vmem_shared>>
        tpu.enqueue_indirect_dma source(%arg15 : memref<80x128xf32, #tpu.memory_space<vmem>>) target(%dma_start3A_158 : memref<10000x128xf32, #tpu.memory_space<vmem_shared>>) offsets(%arg11 : memref<80xi32, #tpu.memory_space<vmem>>) semaphore(%arg17 : memref<!tpu.dma_semaphore, #tpu.memory_space<semaphore_mem>>) {add = true}
        tpu.wait_dma2 semaphore(%arg16 : memref<!tpu.dma_semaphore, #tpu.memory_space<semaphore_mem>>) src(%arg5 : memref<80x128xf32, #tpu.memory_space<hbm>>) dst(%arg15 : memref<80x128xf32, #tpu.memory_space<vmem>>)
        %add3A_159 = arith.constant 2 : i32
        %add3A_160 = arith.addi %mul3A_148, %add3A_159 : i32
        %lt3A = arith.constant 250 : i32
        %lt3A_161 = arith.cmpi slt, %add3A_160, %lt3A : i32
        %convert_element_type3A_162 = arith.extui %lt3A_161 : i1 to i32
        %cond3A_163 = arith.constant 0 : i32
        %cond3A_164 = arith.cmpi ne, %convert_element_type3A_162, %cond3A_163 : i32
        scf.if %cond3A_164 {
          %mul3A_165 = arith.constant 20000 : i32
          %mul3A_166 = arith.muli %arg1, %mul3A_165 : i32
          %add3A_167 = arith.constant 2 : i32
          %add3A_168 = arith.addi %mul3A_148, %add3A_167 : i32
          %mul3A_169 = arith.constant 80 : i32
          %mul3A_170 = arith.muli %add3A_168, %mul3A_169 : i32
          %add3A_171 = arith.addi %mul3A_166, %mul3A_170 : i32
          "tpu.region"() ({
            %run_scoped3A = tpu.sem_alloc : memref<!tpu.dma_semaphore, #tpu.memory_space<semaphore_mem>>
            %dma_start3A_175 = tpu.memref_slice %arg3[%add3A_171] : memref<320000xi32, #tpu.memory_space<hbm>> -> memref<80xi32, #tpu.memory_space<hbm>>
            %dma_start3A_176 = tpu.memref_slice %arg3[%add3A_171] : memref<320000xi32, #tpu.memory_space<hbm>> -> memref<80xi32, #tpu.memory_space<hbm>>
            tpu.enqueue_dma source(%dma_start3A_176 : memref<80xi32, #tpu.memory_space<hbm>>) target(%arg10 : memref<80xi32, #tpu.memory_space<vmem>>) target_semaphore(%run_scoped3A : memref<!tpu.dma_semaphore, #tpu.memory_space<semaphore_mem>>)
            %dma_wait3A = tpu.memref_slice %arg3[%add3A_171] : memref<320000xi32, #tpu.memory_space<hbm>> -> memref<80xi32, #tpu.memory_space<hbm>>
            %dma_wait3A_177 = tpu.memref_slice %arg3[%add3A_171] : memref<320000xi32, #tpu.memory_space<hbm>> -> memref<80xi32, #tpu.memory_space<hbm>>
            tpu.wait_dma2 semaphore(%run_scoped3A : memref<!tpu.dma_semaphore, #tpu.memory_space<semaphore_mem>>) src(%dma_wait3A_177 : memref<80xi32, #tpu.memory_space<hbm>>) dst(%arg10 : memref<80xi32, #tpu.memory_space<vmem>>)
            tpu.yield
          }) : () -> ()
          %dma_start3A_172 = arith.constant 0 : i32
          %dma_start3A_173 = arith.constant 0 : i32
          %dma_start3A_174 = tpu.memref_slice %arg9[%dma_start3A_172, %dma_start3A_173] : memref<10000x128xf32, #tpu.memory_space<vmem_shared>> -> memref<10000x128xf32, #tpu.memory_space<vmem_shared>>
          tpu.enqueue_indirect_dma source(%arg15 : memref<80x128xf32, #tpu.memory_space<vmem>>) target(%dma_start3A_174 : memref<10000x128xf32, #tpu.memory_space<vmem_shared>>) offsets(%arg10 : memref<80xi32, #tpu.memory_space<vmem>>) semaphore(%arg16 : memref<!tpu.dma_semaphore, #tpu.memory_space<semaphore_mem>>) {add = true}
        } else {
        }
        tpu.wait_dma2 semaphore(%arg17 : memref<!tpu.dma_semaphore, #tpu.memory_space<semaphore_mem>>) src(%arg5 : memref<80x128xf32, #tpu.memory_space<hbm>>) dst(%arg15 : memref<80x128xf32, #tpu.memory_space<vmem>>)
      }
      %scan3A_145 = arith.constant 125 : i32
    } else {
    }
    %barrier3A_99 = arith.constant 0 : index
    tpu.barrier barrier_id(%barrier3A_99)
    %add3A_100 = arith.constant 0 : i32
    %add3A_101 = arith.addi %mul3A_0, %add3A_100 : i32
    "tpu.region"() ({
      %run_scoped3A = tpu.sem_alloc : memref<!tpu.dma_semaphore, #tpu.memory_space<semaphore_mem>>
      %dma_start3A = arith.constant 0 : i32
      %dma_start3A_137 = tpu.memref_slice %arg9[%add3A_101, %dma_start3A] : memref<10000x128xf32, #tpu.memory_space<vmem_shared>> -> memref<80x128xf32, #tpu.memory_space<vmem_shared>>
      %dma_start3A_138 = arith.constant 0 : i32
      %dma_start3A_139 = tpu.memref_slice %arg9[%add3A_101, %dma_start3A_138] : memref<10000x128xf32, #tpu.memory_space<vmem_shared>> -> memref<80x128xf32, #tpu.memory_space<vmem_shared>>
      tpu.enqueue_dma source(%dma_start3A_139 : memref<80x128xf32, #tpu.memory_space<vmem_shared>>) target(%arg13 : memref<80x128xf32, #tpu.memory_space<vmem>>) target_semaphore(%run_scoped3A : memref<!tpu.dma_semaphore, #tpu.memory_space<semaphore_mem>>)
      %dma_wait3A = arith.constant 0 : i32
      %dma_wait3A_140 = tpu.memref_slice %arg9[%add3A_101, %dma_wait3A] : memref<10000x128xf32, #tpu.memory_space<vmem_shared>> -> memref<80x128xf32, #tpu.memory_space<vmem_shared>>
      %dma_wait3A_141 = arith.constant 0 : i32
      %dma_wait3A_142 = tpu.memref_slice %arg9[%add3A_101, %dma_wait3A_141] : memref<10000x128xf32, #tpu.memory_space<vmem_shared>> -> memref<80x128xf32, #tpu.memory_space<vmem_shared>>
      tpu.wait_dma2 semaphore(%run_scoped3A : memref<!tpu.dma_semaphore, #tpu.memory_space<semaphore_mem>>) src(%dma_wait3A_142 : memref<80x128xf32, #tpu.memory_space<vmem_shared>>) dst(%arg13 : memref<80x128xf32, #tpu.memory_space<vmem>>)
      tpu.yield
    }) : () -> ()
    %add3A_102 = arith.constant 0 : i32
    %add3A_103 = arith.addi %mul3A_0, %add3A_102 : i32
    "tpu.region"() ({
      %run_scoped3A = tpu.sem_alloc : memref<!tpu.dma_semaphore, #tpu.memory_space<semaphore_mem>>
      %dma_start3A = arith.constant 0 : i32
      %dma_start3A_137 = tpu.memref_slice %arg8[%arg0, %add3A_103, %dma_start3A] : memref<2x10000x128xf32, #tpu.memory_space<hbm>> -> memref<1x80x128xf32, #tpu.memory_space<hbm>>
      %dma_start3A_138 = tpu.memref_squeeze %dma_start3A_137 : memref<1x80x128xf32, #tpu.memory_space<hbm>> -> memref<80x128xf32, #tpu.memory_space<hbm>>
      %dma_start3A_139 = arith.constant 0 : i32
      %dma_start3A_140 = tpu.memref_slice %arg8[%arg0, %add3A_103, %dma_start3A_139] : memref<2x10000x128xf32, #tpu.memory_space<hbm>> -> memref<1x80x128xf32, #tpu.memory_space<hbm>>
      %dma_start3A_141 = tpu.memref_squeeze %dma_start3A_140 : memref<1x80x128xf32, #tpu.memory_space<hbm>> -> memref<80x128xf32, #tpu.memory_space<hbm>>
      tpu.enqueue_dma source(%arg13 : memref<80x128xf32, #tpu.memory_space<vmem>>) target(%dma_start3A_141 : memref<80x128xf32, #tpu.memory_space<hbm>>) target_semaphore(%run_scoped3A : memref<!tpu.dma_semaphore, #tpu.memory_space<semaphore_mem>>)
      %dma_wait3A = arith.constant 0 : i32
      %dma_wait3A_142 = tpu.memref_slice %arg8[%arg0, %add3A_103, %dma_wait3A] : memref<2x10000x128xf32, #tpu.memory_space<hbm>> -> memref<1x80x128xf32, #tpu.memory_space<hbm>>
      %dma_wait3A_143 = tpu.memref_squeeze %dma_wait3A_142 : memref<1x80x128xf32, #tpu.memory_space<hbm>> -> memref<80x128xf32, #tpu.memory_space<hbm>>
      %dma_wait3A_144 = arith.constant 0 : i32
      %dma_wait3A_145 = tpu.memref_slice %arg8[%arg0, %add3A_103, %dma_wait3A_144] : memref<2x10000x128xf32, #tpu.memory_space<hbm>> -> memref<1x80x128xf32, #tpu.memory_space<hbm>>
      %dma_wait3A_146 = tpu.memref_squeeze %dma_wait3A_145 : memref<1x80x128xf32, #tpu.memory_space<hbm>> -> memref<80x128xf32, #tpu.memory_space<hbm>>
      tpu.wait_dma2 semaphore(%run_scoped3A : memref<!tpu.dma_semaphore, #tpu.memory_space<semaphore_mem>>) src(%arg13 : memref<80x128xf32, #tpu.memory_space<vmem>>) dst(%dma_wait3A_146 : memref<80x128xf32, #tpu.memory_space<hbm>>)
      tpu.yield
    }) : () -> ()
    %add3A_104 = arith.constant 80 : i32
    %add3A_105 = arith.addi %mul3A_0, %add3A_104 : i32
    "tpu.region"() ({
      %run_scoped3A = tpu.sem_alloc : memref<!tpu.dma_semaphore, #tpu.memory_space<semaphore_mem>>
      %dma_start3A = arith.constant 0 : i32
      %dma_start3A_137 = tpu.memref_slice %arg9[%add3A_105, %dma_start3A] : memref<10000x128xf32, #tpu.memory_space<vmem_shared>> -> memref<80x128xf32, #tpu.memory_space<vmem_shared>>
      %dma_start3A_138 = arith.constant 0 : i32
      %dma_start3A_139 = tpu.memref_slice %arg9[%add3A_105, %dma_start3A_138] : memref<10000x128xf32, #tpu.memory_space<vmem_shared>> -> memref<80x128xf32, #tpu.memory_space<vmem_shared>>
      tpu.enqueue_dma source(%dma_start3A_139 : memref<80x128xf32, #tpu.memory_space<vmem_shared>>) target(%arg13 : memref<80x128xf32, #tpu.memory_space<vmem>>) target_semaphore(%run_scoped3A : memref<!tpu.dma_semaphore, #tpu.memory_space<semaphore_mem>>)
      %dma_wait3A = arith.constant 0 : i32
      %dma_wait3A_140 = tpu.memref_slice %arg9[%add3A_105, %dma_wait3A] : memref<10000x128xf32, #tpu.memory_space<vmem_shared>> -> memref<80x128xf32, #tpu.memory_space<vmem_shared>>
      %dma_wait3A_141 = arith.constant 0 : i32
      %dma_wait3A_142 = tpu.memref_slice %arg9[%add3A_105, %dma_wait3A_141] : memref<10000x128xf32, #tpu.memory_space<vmem_shared>> -> memref<80x128xf32, #tpu.memory_space<vmem_shared>>
      tpu.wait_dma2 semaphore(%run_scoped3A : memref<!tpu.dma_semaphore, #tpu.memory_space<semaphore_mem>>) src(%dma_wait3A_142 : memref<80x128xf32, #tpu.memory_space<vmem_shared>>) dst(%arg13 : memref<80x128xf32, #tpu.memory_space<vmem>>)
      tpu.yield
    }) : () -> ()
    %add3A_106 = arith.constant 80 : i32
    %add3A_107 = arith.addi %mul3A_0, %add3A_106 : i32
    "tpu.region"() ({
      %run_scoped3A = tpu.sem_alloc : memref<!tpu.dma_semaphore, #tpu.memory_space<semaphore_mem>>
      %dma_start3A = arith.constant 0 : i32
      %dma_start3A_137 = tpu.memref_slice %arg8[%arg0, %add3A_107, %dma_start3A] : memref<2x10000x128xf32, #tpu.memory_space<hbm>> -> memref<1x80x128xf32, #tpu.memory_space<hbm>>
      %dma_start3A_138 = tpu.memref_squeeze %dma_start3A_137 : memref<1x80x128xf32, #tpu.memory_space<hbm>> -> memref<80x128xf32, #tpu.memory_space<hbm>>
      %dma_start3A_139 = arith.constant 0 : i32
      %dma_start3A_140 = tpu.memref_slice %arg8[%arg0, %add3A_107, %dma_start3A_139] : memref<2x10000x128xf32, #tpu.memory_space<hbm>> -> memref<1x80x128xf32, #tpu.memory_space<hbm>>
      %dma_start3A_141 = tpu.memref_squeeze %dma_start3A_140 : memref<1x80x128xf32, #tpu.memory_space<hbm>> -> memref<80x128xf32, #tpu.memory_space<hbm>>
      tpu.enqueue_dma source(%arg13 : memref<80x128xf32, #tpu.memory_space<vmem>>) target(%dma_start3A_141 : memref<80x128xf32, #tpu.memory_space<hbm>>) target_semaphore(%run_scoped3A : memref<!tpu.dma_semaphore, #tpu.memory_space<semaphore_mem>>)
      %dma_wait3A = arith.constant 0 : i32
      %dma_wait3A_142 = tpu.memref_slice %arg8[%arg0, %add3A_107, %dma_wait3A] : memref<2x10000x128xf32, #tpu.memory_space<hbm>> -> memref<1x80x128xf32, #tpu.memory_space<hbm>>
      %dma_wait3A_143 = tpu.memref_squeeze %dma_wait3A_142 : memref<1x80x128xf32, #tpu.memory_space<hbm>> -> memref<80x128xf32, #tpu.memory_space<hbm>>
      %dma_wait3A_144 = arith.constant 0 : i32
      %dma_wait3A_145 = tpu.memref_slice %arg8[%arg0, %add3A_107, %dma_wait3A_144] : memref<2x10000x128xf32, #tpu.memory_space<hbm>> -> memref<1x80x128xf32, #tpu.memory_space<hbm>>
      %dma_wait3A_146 = tpu.memref_squeeze %dma_wait3A_145 : memref<1x80x128xf32, #tpu.memory_space<hbm>> -> memref<80x128xf32, #tpu.memory_space<hbm>>
      tpu.wait_dma2 semaphore(%run_scoped3A : memref<!tpu.dma_semaphore, #tpu.memory_space<semaphore_mem>>) src(%arg13 : memref<80x128xf32, #tpu.memory_space<vmem>>) dst(%dma_wait3A_146 : memref<80x128xf32, #tpu.memory_space<hbm>>)
      tpu.yield
    }) : () -> ()
    %add3A_108 = arith.constant 160 : i32
    %add3A_109 = arith.addi %mul3A_0, %add3A_108 : i32
    "tpu.region"() ({
      %run_scoped3A = tpu.sem_alloc : memref<!tpu.dma_semaphore, #tpu.memory_space<semaphore_mem>>
      %dma_start3A = arith.constant 0 : i32
      %dma_start3A_137 = tpu.memref_slice %arg9[%add3A_109, %dma_start3A] : memref<10000x128xf32, #tpu.memory_space<vmem_shared>> -> memref<80x128xf32, #tpu.memory_space<vmem_shared>>
      %dma_start3A_138 = arith.constant 0 : i32
      %dma_start3A_139 = tpu.memref_slice %arg9[%add3A_109, %dma_start3A_138] : memref<10000x128xf32, #tpu.memory_space<vmem_shared>> -> memref<80x128xf32, #tpu.memory_space<vmem_shared>>
      tpu.enqueue_dma source(%dma_start3A_139 : memref<80x128xf32, #tpu.memory_space<vmem_shared>>) target(%arg13 : memref<80x128xf32, #tpu.memory_space<vmem>>) target_semaphore(%run_scoped3A : memref<!tpu.dma_semaphore, #tpu.memory_space<semaphore_mem>>)
      %dma_wait3A = arith.constant 0 : i32
      %dma_wait3A_140 = tpu.memref_slice %arg9[%add3A_109, %dma_wait3A] : memref<10000x128xf32, #tpu.memory_space<vmem_shared>> -> memref<80x128xf32, #tpu.memory_space<vmem_shared>>
      %dma_wait3A_141 = arith.constant 0 : i32
      %dma_wait3A_142 = tpu.memref_slice %arg9[%add3A_109, %dma_wait3A_141] : memref<10000x128xf32, #tpu.memory_space<vmem_shared>> -> memref<80x128xf32, #tpu.memory_space<vmem_shared>>
      tpu.wait_dma2 semaphore(%run_scoped3A : memref<!tpu.dma_semaphore, #tpu.memory_space<semaphore_mem>>) src(%dma_wait3A_142 : memref<80x128xf32, #tpu.memory_space<vmem_shared>>) dst(%arg13 : memref<80x128xf32, #tpu.memory_space<vmem>>)
      tpu.yield
    }) : () -> ()
    %add3A_110 = arith.constant 160 : i32
    %add3A_111 = arith.addi %mul3A_0, %add3A_110 : i32
    "tpu.region"() ({
      %run_scoped3A = tpu.sem_alloc : memref<!tpu.dma_semaphore, #tpu.memory_space<semaphore_mem>>
      %dma_start3A = arith.constant 0 : i32
      %dma_start3A_137 = tpu.memref_slice %arg8[%arg0, %add3A_111, %dma_start3A] : memref<2x10000x128xf32, #tpu.memory_space<hbm>> -> memref<1x80x128xf32, #tpu.memory_space<hbm>>
      %dma_start3A_138 = tpu.memref_squeeze %dma_start3A_137 : memref<1x80x128xf32, #tpu.memory_space<hbm>> -> memref<80x128xf32, #tpu.memory_space<hbm>>
      %dma_start3A_139 = arith.constant 0 : i32
      %dma_start3A_140 = tpu.memref_slice %arg8[%arg0, %add3A_111, %dma_start3A_139] : memref<2x10000x128xf32, #tpu.memory_space<hbm>> -> memref<1x80x128xf32, #tpu.memory_space<hbm>>
      %dma_start3A_141 = tpu.memref_squeeze %dma_start3A_140 : memref<1x80x128xf32, #tpu.memory_space<hbm>> -> memref<80x128xf32, #tpu.memory_space<hbm>>
      tpu.enqueue_dma source(%arg13 : memref<80x128xf32, #tpu.memory_space<vmem>>) target(%dma_start3A_141 : memref<80x128xf32, #tpu.memory_space<hbm>>) target_semaphore(%run_scoped3A : memref<!tpu.dma_semaphore, #tpu.memory_space<semaphore_mem>>)
      %dma_wait3A = arith.constant 0 : i32
      %dma_wait3A_142 = tpu.memref_slice %arg8[%arg0, %add3A_111, %dma_wait3A] : memref<2x10000x128xf32, #tpu.memory_space<hbm>> -> memref<1x80x128xf32, #tpu.memory_space<hbm>>
      %dma_wait3A_143 = tpu.memref_squeeze %dma_wait3A_142 : memref<1x80x128xf32, #tpu.memory_space<hbm>> -> memref<80x128xf32, #tpu.memory_space<hbm>>
      %dma_wait3A_144 = arith.constant 0 : i32
      %dma_wait3A_145 = tpu.memref_slice %arg8[%arg0, %add3A_111, %dma_wait3A_144] : memref<2x10000x128xf32, #tpu.memory_space<hbm>> -> memref<1x80x128xf32, #tpu.memory_space<hbm>>
      %dma_wait3A_146 = tpu.memref_squeeze %dma_wait3A_145 : memref<1x80x128xf32, #tpu.memory_space<hbm>> -> memref<80x128xf32, #tpu.memory_space<hbm>>
      tpu.wait_dma2 semaphore(%run_scoped3A : memref<!tpu.dma_semaphore, #tpu.memory_space<semaphore_mem>>) src(%arg13 : memref<80x128xf32, #tpu.memory_space<vmem>>) dst(%dma_wait3A_146 : memref<80x128xf32, #tpu.memory_space<hbm>>)
      tpu.yield
    }) : () -> ()
    %add3A_112 = arith.constant 240 : i32
    %add3A_113 = arith.addi %mul3A_0, %add3A_112 : i32
    "tpu.region"() ({
      %run_scoped3A = tpu.sem_alloc : memref<!tpu.dma_semaphore, #tpu.memory_space<semaphore_mem>>
      %dma_start3A = arith.constant 0 : i32
      %dma_start3A_137 = tpu.memref_slice %arg9[%add3A_113, %dma_start3A] : memref<10000x128xf32, #tpu.memory_space<vmem_shared>> -> memref<80x128xf32, #tpu.memory_space<vmem_shared>>
      %dma_start3A_138 = arith.constant 0 : i32
      %dma_start3A_139 = tpu.memref_slice %arg9[%add3A_113, %dma_start3A_138] : memref<10000x128xf32, #tpu.memory_space<vmem_shared>> -> memref<80x128xf32, #tpu.memory_space<vmem_shared>>
      tpu.enqueue_dma source(%dma_start3A_139 : memref<80x128xf32, #tpu.memory_space<vmem_shared>>) target(%arg13 : memref<80x128xf32, #tpu.memory_space<vmem>>) target_semaphore(%run_scoped3A : memref<!tpu.dma_semaphore, #tpu.memory_space<semaphore_mem>>)
      %dma_wait3A = arith.constant 0 : i32
      %dma_wait3A_140 = tpu.memref_slice %arg9[%add3A_113, %dma_wait3A] : memref<10000x128xf32, #tpu.memory_space<vmem_shared>> -> memref<80x128xf32, #tpu.memory_space<vmem_shared>>
      %dma_wait3A_141 = arith.constant 0 : i32
      %dma_wait3A_142 = tpu.memref_slice %arg9[%add3A_113, %dma_wait3A_141] : memref<10000x128xf32, #tpu.memory_space<vmem_shared>> -> memref<80x128xf32, #tpu.memory_space<vmem_shared>>
      tpu.wait_dma2 semaphore(%run_scoped3A : memref<!tpu.dma_semaphore, #tpu.memory_space<semaphore_mem>>) src(%dma_wait3A_142 : memref<80x128xf32, #tpu.memory_space<vmem_shared>>) dst(%arg13 : memref<80x128xf32, #tpu.memory_space<vmem>>)
      tpu.yield
    }) : () -> ()
    %add3A_114 = arith.constant 240 : i32
    %add3A_115 = arith.addi %mul3A_0, %add3A_114 : i32
    "tpu.region"() ({
      %run_scoped3A = tpu.sem_alloc : memref<!tpu.dma_semaphore, #tpu.memory_space<semaphore_mem>>
      %dma_start3A = arith.constant 0 : i32
      %dma_start3A_137 = tpu.memref_slice %arg8[%arg0, %add3A_115, %dma_start3A] : memref<2x10000x128xf32, #tpu.memory_space<hbm>> -> memref<1x80x128xf32, #tpu.memory_space<hbm>>
      %dma_start3A_138 = tpu.memref_squeeze %dma_start3A_137 : memref<1x80x128xf32, #tpu.memory_space<hbm>> -> memref<80x128xf32, #tpu.memory_space<hbm>>
      %dma_start3A_139 = arith.constant 0 : i32
      %dma_start3A_140 = tpu.memref_slice %arg8[%arg0, %add3A_115, %dma_start3A_139] : memref<2x10000x128xf32, #tpu.memory_space<hbm>> -> memref<1x80x128xf32, #tpu.memory_space<hbm>>
      %dma_start3A_141 = tpu.memref_squeeze %dma_start3A_140 : memref<1x80x128xf32, #tpu.memory_space<hbm>> -> memref<80x128xf32, #tpu.memory_space<hbm>>
      tpu.enqueue_dma source(%arg13 : memref<80x128xf32, #tpu.memory_space<vmem>>) target(%dma_start3A_141 : memref<80x128xf32, #tpu.memory_space<hbm>>) target_semaphore(%run_scoped3A : memref<!tpu.dma_semaphore, #tpu.memory_space<semaphore_mem>>)
      %dma_wait3A = arith.constant 0 : i32
      %dma_wait3A_142 = tpu.memref_slice %arg8[%arg0, %add3A_115, %dma_wait3A] : memref<2x10000x128xf32, #tpu.memory_space<hbm>> -> memref<1x80x128xf32, #tpu.memory_space<hbm>>
      %dma_wait3A_143 = tpu.memref_squeeze %dma_wait3A_142 : memref<1x80x128xf32, #tpu.memory_space<hbm>> -> memref<80x128xf32, #tpu.memory_space<hbm>>
      %dma_wait3A_144 = arith.constant 0 : i32
      %dma_wait3A_145 = tpu.memref_slice %arg8[%arg0, %add3A_115, %dma_wait3A_144] : memref<2x10000x128xf32, #tpu.memory_space<hbm>> -> memref<1x80x128xf32, #tpu.memory_space<hbm>>
      %dma_wait3A_146 = tpu.memref_squeeze %dma_wait3A_145 : memref<1x80x128xf32, #tpu.memory_space<hbm>> -> memref<80x128xf32, #tpu.memory_space<hbm>>
      tpu.wait_dma2 semaphore(%run_scoped3A : memref<!tpu.dma_semaphore, #tpu.memory_space<semaphore_mem>>) src(%arg13 : memref<80x128xf32, #tpu.memory_space<vmem>>) dst(%dma_wait3A_146 : memref<80x128xf32, #tpu.memory_space<hbm>>)
      tpu.yield
    }) : () -> ()
    %add3A_116 = arith.constant 320 : i32
    %add3A_117 = arith.addi %mul3A_0, %add3A_116 : i32
    "tpu.region"() ({
      %run_scoped3A = tpu.sem_alloc : memref<!tpu.dma_semaphore, #tpu.memory_space<semaphore_mem>>
      %dma_start3A = arith.constant 0 : i32
      %dma_start3A_137 = tpu.memref_slice %arg9[%add3A_117, %dma_start3A] : memref<10000x128xf32, #tpu.memory_space<vmem_shared>> -> memref<80x128xf32, #tpu.memory_space<vmem_shared>>
      %dma_start3A_138 = arith.constant 0 : i32
      %dma_start3A_139 = tpu.memref_slice %arg9[%add3A_117, %dma_start3A_138] : memref<10000x128xf32, #tpu.memory_space<vmem_shared>> -> memref<80x128xf32, #tpu.memory_space<vmem_shared>>
      tpu.enqueue_dma source(%dma_start3A_139 : memref<80x128xf32, #tpu.memory_space<vmem_shared>>) target(%arg13 : memref<80x128xf32, #tpu.memory_space<vmem>>) target_semaphore(%run_scoped3A : memref<!tpu.dma_semaphore, #tpu.memory_space<semaphore_mem>>)
      %dma_wait3A = arith.constant 0 : i32
      %dma_wait3A_140 = tpu.memref_slice %arg9[%add3A_117, %dma_wait3A] : memref<10000x128xf32, #tpu.memory_space<vmem_shared>> -> memref<80x128xf32, #tpu.memory_space<vmem_shared>>
      %dma_wait3A_141 = arith.constant 0 : i32
      %dma_wait3A_142 = tpu.memref_slice %arg9[%add3A_117, %dma_wait3A_141] : memref<10000x128xf32, #tpu.memory_space<vmem_shared>> -> memref<80x128xf32, #tpu.memory_space<vmem_shared>>
      tpu.wait_dma2 semaphore(%run_scoped3A : memref<!tpu.dma_semaphore, #tpu.memory_space<semaphore_mem>>) src(%dma_wait3A_142 : memref<80x128xf32, #tpu.memory_space<vmem_shared>>) dst(%arg13 : memref<80x128xf32, #tpu.memory_space<vmem>>)
      tpu.yield
    }) : () -> ()
    %add3A_118 = arith.constant 320 : i32
    %add3A_119 = arith.addi %mul3A_0, %add3A_118 : i32
    "tpu.region"() ({
      %run_scoped3A = tpu.sem_alloc : memref<!tpu.dma_semaphore, #tpu.memory_space<semaphore_mem>>
      %dma_start3A = arith.constant 0 : i32
      %dma_start3A_137 = tpu.memref_slice %arg8[%arg0, %add3A_119, %dma_start3A] : memref<2x10000x128xf32, #tpu.memory_space<hbm>> -> memref<1x80x128xf32, #tpu.memory_space<hbm>>
      %dma_start3A_138 = tpu.memref_squeeze %dma_start3A_137 : memref<1x80x128xf32, #tpu.memory_space<hbm>> -> memref<80x128xf32, #tpu.memory_space<hbm>>
      %dma_start3A_139 = arith.constant 0 : i32
      %dma_start3A_140 = tpu.memref_slice %arg8[%arg0, %add3A_119, %dma_start3A_139] : memref<2x10000x128xf32, #tpu.memory_space<hbm>> -> memref<1x80x128xf32, #tpu.memory_space<hbm>>
      %dma_start3A_141 = tpu.memref_squeeze %dma_start3A_140 : memref<1x80x128xf32, #tpu.memory_space<hbm>> -> memref<80x128xf32, #tpu.memory_space<hbm>>
      tpu.enqueue_dma source(%arg13 : memref<80x128xf32, #tpu.memory_space<vmem>>) target(%dma_start3A_141 : memref<80x128xf32, #tpu.memory_space<hbm>>) target_semaphore(%run_scoped3A : memref<!tpu.dma_semaphore, #tpu.memory_space<semaphore_mem>>)
      %dma_wait3A = arith.constant 0 : i32
      %dma_wait3A_142 = tpu.memref_slice %arg8[%arg0, %add3A_119, %dma_wait3A] : memref<2x10000x128xf32, #tpu.memory_space<hbm>> -> memref<1x80x128xf32, #tpu.memory_space<hbm>>
      %dma_wait3A_143 = tpu.memref_squeeze %dma_wait3A_142 : memref<1x80x128xf32, #tpu.memory_space<hbm>> -> memref<80x128xf32, #tpu.memory_space<hbm>>
      %dma_wait3A_144 = arith.constant 0 : i32
      %dma_wait3A_145 = tpu.memref_slice %arg8[%arg0, %add3A_119, %dma_wait3A_144] : memref<2x10000x128xf32, #tpu.memory_space<hbm>> -> memref<1x80x128xf32, #tpu.memory_space<hbm>>
      %dma_wait3A_146 = tpu.memref_squeeze %dma_wait3A_145 : memref<1x80x128xf32, #tpu.memory_space<hbm>> -> memref<80x128xf32, #tpu.memory_space<hbm>>
      tpu.wait_dma2 semaphore(%run_scoped3A : memref<!tpu.dma_semaphore, #tpu.memory_space<semaphore_mem>>) src(%arg13 : memref<80x128xf32, #tpu.memory_space<vmem>>) dst(%dma_wait3A_146 : memref<80x128xf32, #tpu.memory_space<hbm>>)
      tpu.yield
    }) : () -> ()
    %add3A_120 = arith.constant 400 : i32
    %add3A_121 = arith.addi %mul3A_0, %add3A_120 : i32
    "tpu.region"() ({
      %run_scoped3A = tpu.sem_alloc : memref<!tpu.dma_semaphore, #tpu.memory_space<semaphore_mem>>
      %dma_start3A = arith.constant 0 : i32
      %dma_start3A_137 = tpu.memref_slice %arg9[%add3A_121, %dma_start3A] : memref<10000x128xf32, #tpu.memory_space<vmem_shared>> -> memref<80x128xf32, #tpu.memory_space<vmem_shared>>
      %dma_start3A_138 = arith.constant 0 : i32
      %dma_start3A_139 = tpu.memref_slice %arg9[%add3A_121, %dma_start3A_138] : memref<10000x128xf32, #tpu.memory_space<vmem_shared>> -> memref<80x128xf32, #tpu.memory_space<vmem_shared>>
      tpu.enqueue_dma source(%dma_start3A_139 : memref<80x128xf32, #tpu.memory_space<vmem_shared>>) target(%arg13 : memref<80x128xf32, #tpu.memory_space<vmem>>) target_semaphore(%run_scoped3A : memref<!tpu.dma_semaphore, #tpu.memory_space<semaphore_mem>>)
      %dma_wait3A = arith.constant 0 : i32
      %dma_wait3A_140 = tpu.memref_slice %arg9[%add3A_121, %dma_wait3A] : memref<10000x128xf32, #tpu.memory_space<vmem_shared>> -> memref<80x128xf32, #tpu.memory_space<vmem_shared>>
      %dma_wait3A_141 = arith.constant 0 : i32
      %dma_wait3A_142 = tpu.memref_slice %arg9[%add3A_121, %dma_wait3A_141] : memref<10000x128xf32, #tpu.memory_space<vmem_shared>> -> memref<80x128xf32, #tpu.memory_space<vmem_shared>>
      tpu.wait_dma2 semaphore(%run_scoped3A : memref<!tpu.dma_semaphore, #tpu.memory_space<semaphore_mem>>) src(%dma_wait3A_142 : memref<80x128xf32, #tpu.memory_space<vmem_shared>>) dst(%arg13 : memref<80x128xf32, #tpu.memory_space<vmem>>)
      tpu.yield
    }) : () -> ()
    %add3A_122 = arith.constant 400 : i32
    %add3A_123 = arith.addi %mul3A_0, %add3A_122 : i32
    "tpu.region"() ({
      %run_scoped3A = tpu.sem_alloc : memref<!tpu.dma_semaphore, #tpu.memory_space<semaphore_mem>>
      %dma_start3A = arith.constant 0 : i32
      %dma_start3A_137 = tpu.memref_slice %arg8[%arg0, %add3A_123, %dma_start3A] : memref<2x10000x128xf32, #tpu.memory_space<hbm>> -> memref<1x80x128xf32, #tpu.memory_space<hbm>>
      %dma_start3A_138 = tpu.memref_squeeze %dma_start3A_137 : memref<1x80x128xf32, #tpu.memory_space<hbm>> -> memref<80x128xf32, #tpu.memory_space<hbm>>
      %dma_start3A_139 = arith.constant 0 : i32
      %dma_start3A_140 = tpu.memref_slice %arg8[%arg0, %add3A_123, %dma_start3A_139] : memref<2x10000x128xf32, #tpu.memory_space<hbm>> -> memref<1x80x128xf32, #tpu.memory_space<hbm>>
      %dma_start3A_141 = tpu.memref_squeeze %dma_start3A_140 : memref<1x80x128xf32, #tpu.memory_space<hbm>> -> memref<80x128xf32, #tpu.memory_space<hbm>>
      tpu.enqueue_dma source(%arg13 : memref<80x128xf32, #tpu.memory_space<vmem>>) target(%dma_start3A_141 : memref<80x128xf32, #tpu.memory_space<hbm>>) target_semaphore(%run_scoped3A : memref<!tpu.dma_semaphore, #tpu.memory_space<semaphore_mem>>)
      %dma_wait3A = arith.constant 0 : i32
      %dma_wait3A_142 = tpu.memref_slice %arg8[%arg0, %add3A_123, %dma_wait3A] : memref<2x10000x128xf32, #tpu.memory_space<hbm>> -> memref<1x80x128xf32, #tpu.memory_space<hbm>>
      %dma_wait3A_143 = tpu.memref_squeeze %dma_wait3A_142 : memref<1x80x128xf32, #tpu.memory_space<hbm>> -> memref<80x128xf32, #tpu.memory_space<hbm>>
      %dma_wait3A_144 = arith.constant 0 : i32
      %dma_wait3A_145 = tpu.memref_slice %arg8[%arg0, %add3A_123, %dma_wait3A_144] : memref<2x10000x128xf32, #tpu.memory_space<hbm>> -> memref<1x80x128xf32, #tpu.memory_space<hbm>>
      %dma_wait3A_146 = tpu.memref_squeeze %dma_wait3A_145 : memref<1x80x128xf32, #tpu.memory_space<hbm>> -> memref<80x128xf32, #tpu.memory_space<hbm>>
      tpu.wait_dma2 semaphore(%run_scoped3A : memref<!tpu.dma_semaphore, #tpu.memory_space<semaphore_mem>>) src(%arg13 : memref<80x128xf32, #tpu.memory_space<vmem>>) dst(%dma_wait3A_146 : memref<80x128xf32, #tpu.memory_space<hbm>>)
      tpu.yield
    }) : () -> ()
    %add3A_124 = arith.constant 480 : i32
    %add3A_125 = arith.addi %mul3A_0, %add3A_124 : i32
    "tpu.region"() ({
      %run_scoped3A = tpu.sem_alloc : memref<!tpu.dma_semaphore, #tpu.memory_space<semaphore_mem>>
      %dma_start3A = arith.constant 0 : i32
      %dma_start3A_137 = tpu.memref_slice %arg9[%add3A_125, %dma_start3A] : memref<10000x128xf32, #tpu.memory_space<vmem_shared>> -> memref<80x128xf32, #tpu.memory_space<vmem_shared>>
      %dma_start3A_138 = arith.constant 0 : i32
      %dma_start3A_139 = tpu.memref_slice %arg9[%add3A_125, %dma_start3A_138] : memref<10000x128xf32, #tpu.memory_space<vmem_shared>> -> memref<80x128xf32, #tpu.memory_space<vmem_shared>>
      tpu.enqueue_dma source(%dma_start3A_139 : memref<80x128xf32, #tpu.memory_space<vmem_shared>>) target(%arg13 : memref<80x128xf32, #tpu.memory_space<vmem>>) target_semaphore(%run_scoped3A : memref<!tpu.dma_semaphore, #tpu.memory_space<semaphore_mem>>)
      %dma_wait3A = arith.constant 0 : i32
      %dma_wait3A_140 = tpu.memref_slice %arg9[%add3A_125, %dma_wait3A] : memref<10000x128xf32, #tpu.memory_space<vmem_shared>> -> memref<80x128xf32, #tpu.memory_space<vmem_shared>>
      %dma_wait3A_141 = arith.constant 0 : i32
      %dma_wait3A_142 = tpu.memref_slice %arg9[%add3A_125, %dma_wait3A_141] : memref<10000x128xf32, #tpu.memory_space<vmem_shared>> -> memref<80x128xf32, #tpu.memory_space<vmem_shared>>
      tpu.wait_dma2 semaphore(%run_scoped3A : memref<!tpu.dma_semaphore, #tpu.memory_space<semaphore_mem>>) src(%dma_wait3A_142 : memref<80x128xf32, #tpu.memory_space<vmem_shared>>) dst(%arg13 : memref<80x128xf32, #tpu.memory_space<vmem>>)
      tpu.yield
    }) : () -> ()
    %add3A_126 = arith.constant 480 : i32
    %add3A_127 = arith.addi %mul3A_0, %add3A_126 : i32
    "tpu.region"() ({
      %run_scoped3A = tpu.sem_alloc : memref<!tpu.dma_semaphore, #tpu.memory_space<semaphore_mem>>
      %dma_start3A = arith.constant 0 : i32
      %dma_start3A_137 = tpu.memref_slice %arg8[%arg0, %add3A_127, %dma_start3A] : memref<2x10000x128xf32, #tpu.memory_space<hbm>> -> memref<1x80x128xf32, #tpu.memory_space<hbm>>
      %dma_start3A_138 = tpu.memref_squeeze %dma_start3A_137 : memref<1x80x128xf32, #tpu.memory_space<hbm>> -> memref<80x128xf32, #tpu.memory_space<hbm>>
      %dma_start3A_139 = arith.constant 0 : i32
      %dma_start3A_140 = tpu.memref_slice %arg8[%arg0, %add3A_127, %dma_start3A_139] : memref<2x10000x128xf32, #tpu.memory_space<hbm>> -> memref<1x80x128xf32, #tpu.memory_space<hbm>>
      %dma_start3A_141 = tpu.memref_squeeze %dma_start3A_140 : memref<1x80x128xf32, #tpu.memory_space<hbm>> -> memref<80x128xf32, #tpu.memory_space<hbm>>
      tpu.enqueue_dma source(%arg13 : memref<80x128xf32, #tpu.memory_space<vmem>>) target(%dma_start3A_141 : memref<80x128xf32, #tpu.memory_space<hbm>>) target_semaphore(%run_scoped3A : memref<!tpu.dma_semaphore, #tpu.memory_space<semaphore_mem>>)
      %dma_wait3A = arith.constant 0 : i32
      %dma_wait3A_142 = tpu.memref_slice %arg8[%arg0, %add3A_127, %dma_wait3A] : memref<2x10000x128xf32, #tpu.memory_space<hbm>> -> memref<1x80x128xf32, #tpu.memory_space<hbm>>
      %dma_wait3A_143 = tpu.memref_squeeze %dma_wait3A_142 : memref<1x80x128xf32, #tpu.memory_space<hbm>> -> memref<80x128xf32, #tpu.memory_space<hbm>>
      %dma_wait3A_144 = arith.constant 0 : i32
      %dma_wait3A_145 = tpu.memref_slice %arg8[%arg0, %add3A_127, %dma_wait3A_144] : memref<2x10000x128xf32, #tpu.memory_space<hbm>> -> memref<1x80x128xf32, #tpu.memory_space<hbm>>
      %dma_wait3A_146 = tpu.memref_squeeze %dma_wait3A_145 : memref<1x80x128xf32, #tpu.memory_space<hbm>> -> memref<80x128xf32, #tpu.memory_space<hbm>>
      tpu.wait_dma2 semaphore(%run_scoped3A : memref<!tpu.dma_semaphore, #tpu.memory_space<semaphore_mem>>) src(%arg13 : memref<80x128xf32, #tpu.memory_space<vmem>>) dst(%dma_wait3A_146 : memref<80x128xf32, #tpu.memory_space<hbm>>)
      tpu.yield
    }) : () -> ()
    %add3A_128 = arith.constant 560 : i32
    %add3A_129 = arith.addi %mul3A_0, %add3A_128 : i32
    "tpu.region"() ({
      %run_scoped3A = tpu.sem_alloc : memref<!tpu.dma_semaphore, #tpu.memory_space<semaphore_mem>>
      %dma_start3A = arith.constant 0 : i32
      %dma_start3A_137 = arith.constant 0 : i32
      %dma_start3A_138 = tpu.memref_slice %arg13[%dma_start3A, %dma_start3A_137] : memref<80x128xf32, #tpu.memory_space<vmem>> -> memref<64x128xf32, #tpu.memory_space<vmem>>
      %dma_start3A_139 = arith.constant 0 : i32
      %dma_start3A_140 = tpu.memref_slice %arg9[%add3A_129, %dma_start3A_139] : memref<10000x128xf32, #tpu.memory_space<vmem_shared>> -> memref<64x128xf32, #tpu.memory_space<vmem_shared>>
      %dma_start3A_141 = arith.constant 0 : i32
      %dma_start3A_142 = arith.constant 0 : i32
      %dma_start3A_143 = tpu.memref_slice %arg13[%dma_start3A_141, %dma_start3A_142] : memref<80x128xf32, #tpu.memory_space<vmem>> -> memref<64x128xf32, #tpu.memory_space<vmem>>
      %dma_start3A_144 = arith.constant 0 : i32
      %dma_start3A_145 = tpu.memref_slice %arg9[%add3A_129, %dma_start3A_144] : memref<10000x128xf32, #tpu.memory_space<vmem_shared>> -> memref<64x128xf32, #tpu.memory_space<vmem_shared>>
      tpu.enqueue_dma source(%dma_start3A_145 : memref<64x128xf32, #tpu.memory_space<vmem_shared>>) target(%dma_start3A_143 : memref<64x128xf32, #tpu.memory_space<vmem>>) target_semaphore(%run_scoped3A : memref<!tpu.dma_semaphore, #tpu.memory_space<semaphore_mem>>)
      %dma_wait3A = arith.constant 0 : i32
      %dma_wait3A_146 = arith.constant 0 : i32
      %dma_wait3A_147 = tpu.memref_slice %arg13[%dma_wait3A, %dma_wait3A_146] : memref<80x128xf32, #tpu.memory_space<vmem>> -> memref<64x128xf32, #tpu.memory_space<vmem>>
      %dma_wait3A_148 = arith.constant 0 : i32
      %dma_wait3A_149 = tpu.memref_slice %arg9[%add3A_129, %dma_wait3A_148] : memref<10000x128xf32, #tpu.memory_space<vmem_shared>> -> memref<64x128xf32, #tpu.memory_space<vmem_shared>>
      %dma_wait3A_150 = arith.constant 0 : i32
      %dma_wait3A_151 = arith.constant 0 : i32
      %dma_wait3A_152 = tpu.memref_slice %arg13[%dma_wait3A_150, %dma_wait3A_151] : memref<80x128xf32, #tpu.memory_space<vmem>> -> memref<64x128xf32, #tpu.memory_space<vmem>>
      %dma_wait3A_153 = arith.constant 0 : i32
      %dma_wait3A_154 = tpu.memref_slice %arg9[%add3A_129, %dma_wait3A_153] : memref<10000x128xf32, #tpu.memory_space<vmem_shared>> -> memref<64x128xf32, #tpu.memory_space<vmem_shared>>
      tpu.wait_dma2 semaphore(%run_scoped3A : memref<!tpu.dma_semaphore, #tpu.memory_space<semaphore_mem>>) src(%dma_wait3A_154 : memref<64x128xf32, #tpu.memory_space<vmem_shared>>) dst(%dma_wait3A_152 : memref<64x128xf32, #tpu.memory_space<vmem>>)
      tpu.yield
    }) : () -> ()
    %add3A_130 = arith.constant 560 : i32
    %add3A_131 = arith.addi %mul3A_0, %add3A_130 : i32
    "tpu.region"() ({
      %run_scoped3A = tpu.sem_alloc : memref<!tpu.dma_semaphore, #tpu.memory_space<semaphore_mem>>
      %dma_start3A = arith.constant 0 : i32
      %dma_start3A_137 = arith.constant 0 : i32
      %dma_start3A_138 = tpu.memref_slice %arg13[%dma_start3A, %dma_start3A_137] : memref<80x128xf32, #tpu.memory_space<vmem>> -> memref<64x128xf32, #tpu.memory_space<vmem>>
      %dma_start3A_139 = arith.constant 0 : i32
      %dma_start3A_140 = tpu.memref_slice %arg8[%arg0, %add3A_131, %dma_start3A_139] : memref<2x10000x128xf32, #tpu.memory_space<hbm>> -> memref<1x64x128xf32, #tpu.memory_space<hbm>>
      %dma_start3A_141 = tpu.memref_squeeze %dma_start3A_140 : memref<1x64x128xf32, #tpu.memory_space<hbm>> -> memref<64x128xf32, #tpu.memory_space<hbm>>
      %dma_start3A_142 = arith.constant 0 : i32
      %dma_start3A_143 = tpu.memref_slice %arg8[%arg0, %add3A_131, %dma_start3A_142] : memref<2x10000x128xf32, #tpu.memory_space<hbm>> -> memref<1x64x128xf32, #tpu.memory_space<hbm>>
      %dma_start3A_144 = tpu.memref_squeeze %dma_start3A_143 : memref<1x64x128xf32, #tpu.memory_space<hbm>> -> memref<64x128xf32, #tpu.memory_space<hbm>>
      %dma_start3A_145 = arith.constant 0 : i32
      %dma_start3A_146 = arith.constant 0 : i32
      %dma_start3A_147 = tpu.memref_slice %arg13[%dma_start3A_145, %dma_start3A_146] : memref<80x128xf32, #tpu.memory_space<vmem>> -> memref<64x128xf32, #tpu.memory_space<vmem>>
      tpu.enqueue_dma source(%dma_start3A_147 : memref<64x128xf32, #tpu.memory_space<vmem>>) target(%dma_start3A_144 : memref<64x128xf32, #tpu.memory_space<hbm>>) target_semaphore(%run_scoped3A : memref<!tpu.dma_semaphore, #tpu.memory_space<semaphore_mem>>)
      %dma_wait3A = arith.constant 0 : i32
      %dma_wait3A_148 = arith.constant 0 : i32
      %dma_wait3A_149 = tpu.memref_slice %arg13[%dma_wait3A, %dma_wait3A_148] : memref<80x128xf32, #tpu.memory_space<vmem>> -> memref<64x128xf32, #tpu.memory_space<vmem>>
      %dma_wait3A_150 = arith.constant 0 : i32
      %dma_wait3A_151 = tpu.memref_slice %arg8[%arg0, %add3A_131, %dma_wait3A_150] : memref<2x10000x128xf32, #tpu.memory_space<hbm>> -> memref<1x64x128xf32, #tpu.memory_space<hbm>>
      %dma_wait3A_152 = tpu.memref_squeeze %dma_wait3A_151 : memref<1x64x128xf32, #tpu.memory_space<hbm>> -> memref<64x128xf32, #tpu.memory_space<hbm>>
      %dma_wait3A_153 = arith.constant 0 : i32
      %dma_wait3A_154 = tpu.memref_slice %arg8[%arg0, %add3A_131, %dma_wait3A_153] : memref<2x10000x128xf32, #tpu.memory_space<hbm>> -> memref<1x64x128xf32, #tpu.memory_space<hbm>>
      %dma_wait3A_155 = tpu.memref_squeeze %dma_wait3A_154 : memref<1x64x128xf32, #tpu.memory_space<hbm>> -> memref<64x128xf32, #tpu.memory_space<hbm>>
      %dma_wait3A_156 = arith.constant 0 : i32
      %dma_wait3A_157 = arith.constant 0 : i32
      %dma_wait3A_158 = tpu.memref_slice %arg13[%dma_wait3A_156, %dma_wait3A_157] : memref<80x128xf32, #tpu.memory_space<vmem>> -> memref<64x128xf32, #tpu.memory_space<vmem>>
      tpu.wait_dma2 semaphore(%run_scoped3A : memref<!tpu.dma_semaphore, #tpu.memory_space<semaphore_mem>>) src(%dma_wait3A_158 : memref<64x128xf32, #tpu.memory_space<vmem>>) dst(%dma_wait3A_155 : memref<64x128xf32, #tpu.memory_space<hbm>>)
      tpu.yield
    }) : () -> ()
    %eq3A_132 = arith.constant 15 : i32
    %eq3A_133 = arith.cmpi eq, %arg1, %eq3A_132 : i32
    %convert_element_type3A_134 = arith.extui %eq3A_133 : i1 to i32
    %cond3A_135 = arith.constant 0 : i32
    %cond3A_136 = arith.cmpi ne, %convert_element_type3A_134, %cond3A_135 : i32
    scf.if %cond3A_136 {
      "tpu.region"() ({
        %run_scoped3A = tpu.sem_alloc : memref<!tpu.dma_semaphore, #tpu.memory_space<semaphore_mem>>
        %dma_start3A = arith.constant 0 : i32
        %dma_start3A_137 = arith.constant 0 : i32
        %dma_start3A_138 = tpu.memref_slice %arg13[%dma_start3A, %dma_start3A_137] : memref<80x128xf32, #tpu.memory_space<vmem>> -> memref<16x128xf32, #tpu.memory_space<vmem>>
        %dma_start3A_139 = arith.constant 9984 : i32
        %dma_start3A_140 = arith.constant 0 : i32
        %dma_start3A_141 = tpu.memref_slice %arg9[%dma_start3A_139, %dma_start3A_140] : memref<10000x128xf32, #tpu.memory_space<vmem_shared>> -> memref<16x128xf32, #tpu.memory_space<vmem_shared>>
        %dma_start3A_142 = arith.constant 0 : i32
        %dma_start3A_143 = arith.constant 0 : i32
        %dma_start3A_144 = tpu.memref_slice %arg13[%dma_start3A_142, %dma_start3A_143] : memref<80x128xf32, #tpu.memory_space<vmem>> -> memref<16x128xf32, #tpu.memory_space<vmem>>
        %dma_start3A_145 = arith.constant 9984 : i32
        %dma_start3A_146 = arith.constant 0 : i32
        %dma_start3A_147 = tpu.memref_slice %arg9[%dma_start3A_145, %dma_start3A_146] : memref<10000x128xf32, #tpu.memory_space<vmem_shared>> -> memref<16x128xf32, #tpu.memory_space<vmem_shared>>
        tpu.enqueue_dma source(%dma_start3A_147 : memref<16x128xf32, #tpu.memory_space<vmem_shared>>) target(%dma_start3A_144 : memref<16x128xf32, #tpu.memory_space<vmem>>) target_semaphore(%run_scoped3A : memref<!tpu.dma_semaphore, #tpu.memory_space<semaphore_mem>>)
        %dma_wait3A = arith.constant 0 : i32
        %dma_wait3A_148 = arith.constant 0 : i32
        %dma_wait3A_149 = tpu.memref_slice %arg13[%dma_wait3A, %dma_wait3A_148] : memref<80x128xf32, #tpu.memory_space<vmem>> -> memref<16x128xf32, #tpu.memory_space<vmem>>
        %dma_wait3A_150 = arith.constant 9984 : i32
        %dma_wait3A_151 = arith.constant 0 : i32
        %dma_wait3A_152 = tpu.memref_slice %arg9[%dma_wait3A_150, %dma_wait3A_151] : memref<10000x128xf32, #tpu.memory_space<vmem_shared>> -> memref<16x128xf32, #tpu.memory_space<vmem_shared>>
        %dma_wait3A_153 = arith.constant 0 : i32
        %dma_wait3A_154 = arith.constant 0 : i32
        %dma_wait3A_155 = tpu.memref_slice %arg13[%dma_wait3A_153, %dma_wait3A_154] : memref<80x128xf32, #tpu.memory_space<vmem>> -> memref<16x128xf32, #tpu.memory_space<vmem>>
        %dma_wait3A_156 = arith.constant 9984 : i32
        %dma_wait3A_157 = arith.constant 0 : i32
        %dma_wait3A_158 = tpu.memref_slice %arg9[%dma_wait3A_156, %dma_wait3A_157] : memref<10000x128xf32, #tpu.memory_space<vmem_shared>> -> memref<16x128xf32, #tpu.memory_space<vmem_shared>>
        tpu.wait_dma2 semaphore(%run_scoped3A : memref<!tpu.dma_semaphore, #tpu.memory_space<semaphore_mem>>) src(%dma_wait3A_158 : memref<16x128xf32, #tpu.memory_space<vmem_shared>>) dst(%dma_wait3A_155 : memref<16x128xf32, #tpu.memory_space<vmem>>)
        tpu.yield
      }) : () -> ()
      "tpu.region"() ({
        %run_scoped3A = tpu.sem_alloc : memref<!tpu.dma_semaphore, #tpu.memory_space<semaphore_mem>>
        %dma_start3A = arith.constant 0 : i32
        %dma_start3A_137 = arith.constant 0 : i32
        %dma_start3A_138 = tpu.memref_slice %arg13[%dma_start3A, %dma_start3A_137] : memref<80x128xf32, #tpu.memory_space<vmem>> -> memref<16x128xf32, #tpu.memory_space<vmem>>
        %dma_start3A_139 = arith.constant 9984 : i32
        %dma_start3A_140 = arith.constant 0 : i32
        %dma_start3A_141 = tpu.memref_slice %arg8[%arg0, %dma_start3A_139, %dma_start3A_140] : memref<2x10000x128xf32, #tpu.memory_space<hbm>> -> memref<1x16x128xf32, #tpu.memory_space<hbm>>
        %dma_start3A_142 = tpu.memref_squeeze %dma_start3A_141 : memref<1x16x128xf32, #tpu.memory_space<hbm>> -> memref<16x128xf32, #tpu.memory_space<hbm>>
        %dma_start3A_143 = arith.constant 9984 : i32
        %dma_start3A_144 = arith.constant 0 : i32
        %dma_start3A_145 = tpu.memref_slice %arg8[%arg0, %dma_start3A_143, %dma_start3A_144] : memref<2x10000x128xf32, #tpu.memory_space<hbm>> -> memref<1x16x128xf32, #tpu.memory_space<hbm>>
        %dma_start3A_146 = tpu.memref_squeeze %dma_start3A_145 : memref<1x16x128xf32, #tpu.memory_space<hbm>> -> memref<16x128xf32, #tpu.memory_space<hbm>>
        %dma_start3A_147 = arith.constant 0 : i32
        %dma_start3A_148 = arith.constant 0 : i32
        %dma_start3A_149 = tpu.memref_slice %arg13[%dma_start3A_147, %dma_start3A_148] : memref<80x128xf32, #tpu.memory_space<vmem>> -> memref<16x128xf32, #tpu.memory_space<vmem>>
        tpu.enqueue_dma source(%dma_start3A_149 : memref<16x128xf32, #tpu.memory_space<vmem>>) target(%dma_start3A_146 : memref<16x128xf32, #tpu.memory_space<hbm>>) target_semaphore(%run_scoped3A : memref<!tpu.dma_semaphore, #tpu.memory_space<semaphore_mem>>)
        %dma_wait3A = arith.constant 0 : i32
        %dma_wait3A_150 = arith.constant 0 : i32
        %dma_wait3A_151 = tpu.memref_slice %arg13[%dma_wait3A, %dma_wait3A_150] : memref<80x128xf32, #tpu.memory_space<vmem>> -> memref<16x128xf32, #tpu.memory_space<vmem>>
        %dma_wait3A_152 = arith.constant 9984 : i32
        %dma_wait3A_153 = arith.constant 0 : i32
        %dma_wait3A_154 = tpu.memref_slice %arg8[%arg0, %dma_wait3A_152, %dma_wait3A_153] : memref<2x10000x128xf32, #tpu.memory_space<hbm>> -> memref<1x16x128xf32, #tpu.memory_space<hbm>>
        %dma_wait3A_155 = tpu.memref_squeeze %dma_wait3A_154 : memref<1x16x128xf32, #tpu.memory_space<hbm>> -> memref<16x128xf32, #tpu.memory_space<hbm>>
        %dma_wait3A_156 = arith.constant 9984 : i32
        %dma_wait3A_157 = arith.constant 0 : i32
        %dma_wait3A_158 = tpu.memref_slice %arg8[%arg0, %dma_wait3A_156, %dma_wait3A_157] : memref<2x10000x128xf32, #tpu.memory_space<hbm>> -> memref<1x16x128xf32, #tpu.memory_space<hbm>>
        %dma_wait3A_159 = tpu.memref_squeeze %dma_wait3A_158 : memref<1x16x128xf32, #tpu.memory_space<hbm>> -> memref<16x128xf32, #tpu.memory_space<hbm>>
        %dma_wait3A_160 = arith.constant 0 : i32
        %dma_wait3A_161 = arith.constant 0 : i32
        %dma_wait3A_162 = tpu.memref_slice %arg13[%dma_wait3A_160, %dma_wait3A_161] : memref<80x128xf32, #tpu.memory_space<vmem>> -> memref<16x128xf32, #tpu.memory_space<vmem>>
        tpu.wait_dma2 semaphore(%run_scoped3A : memref<!tpu.dma_semaphore, #tpu.memory_space<semaphore_mem>>) src(%dma_wait3A_162 : memref<16x128xf32, #tpu.memory_space<vmem>>) dst(%dma_wait3A_159 : memref<16x128xf32, #tpu.memory_space<hbm>>)
        tpu.yield
      }) : () -> ()
    } else {
    }
    return
  }
}

module attributes {stable_mosaic.version = 14 : i64} {
  func.func @_tc_body(%arg0: i32, %arg1: memref<400x128xf32, #tpu.memory_space<vmem>>, %arg2: memref<400x128xf32, #tpu.memory_space<vmem>>, %arg3: memref<400x128xf32, #tpu.memory_space<vmem>>, %arg4: memref<400x128xf32, #tpu.memory_space<vmem>>, %arg5: memref<400x128xf32, #tpu.memory_space<vmem>>, %arg6: memref<128x128xf32, #tpu.memory_space<vmem>>, %arg7: memref<128x128xf32, #tpu.memory_space<vmem>>, %arg8: memref<128x128xf32, #tpu.memory_space<vmem>>, %arg9: memref<128x128xf32, #tpu.memory_space<vmem>>, %arg10: memref<8x128xf32, #tpu.memory_space<vmem>>, %arg11: memref<8x128xf32, #tpu.memory_space<vmem>>, %arg12: memref<400x128xf32, #tpu.memory_space<vmem>>) attributes {dimension_semantics = [#tpu.dimension_semantics<arbitrary>], iteration_bounds = array<i64: 25>, scalar_prefetch = 0 : i64, scratch_operands = 0 : i64, tpu.core_type = #tpu.core_type<tc>, window_params = [{transform_indices = @transform_0, window_bounds = array<i64: 400, 128>}, {transform_indices = @transform_1, window_bounds = array<i64: 400, 128>}, {transform_indices = @transform_2, window_bounds = array<i64: 400, 128>}, {transform_indices = @transform_3, window_bounds = array<i64: 400, 128>}, {transform_indices = @transform_4, window_bounds = array<i64: 400, 128>}, {pipeline_mode = #tpu.pipeline_mode<synchronous>, transform_indices = @transform_5, window_bounds = array<i64: 128, 128>}, {pipeline_mode = #tpu.pipeline_mode<synchronous>, transform_indices = @transform_6, window_bounds = array<i64: 128, 128>}, {pipeline_mode = #tpu.pipeline_mode<synchronous>, transform_indices = @transform_7, window_bounds = array<i64: 128, 128>}, {pipeline_mode = #tpu.pipeline_mode<synchronous>, transform_indices = @transform_8, window_bounds = array<i64: 128, 128>}, {pipeline_mode = #tpu.pipeline_mode<synchronous>, transform_indices = @transform_9, window_bounds = array<i64: 8, 128>}, {pipeline_mode = #tpu.pipeline_mode<synchronous>, transform_indices = @transform_10, window_bounds = array<i64: 8, 128>}, {transform_indices = @transform_11, window_bounds = array<i64: 400, 128>}]} {
    %get3A = arith.constant 0 : index
    %get3A_0 = arith.constant 0 : index
    %get3A_1 = vector.load %arg1[%get3A, %get3A_0] : memref<400x128xf32, #tpu.memory_space<vmem>>, vector<400x128xf32>
    %get3A_2 = arith.constant 0 : index
    %get3A_3 = arith.constant 0 : index
    %get3A_4 = vector.load %arg2[%get3A_2, %get3A_3] : memref<400x128xf32, #tpu.memory_space<vmem>>, vector<400x1xf32>
    %max3A = arith.constant 1.000000e+00 : f32
    %max3A_5 = vector.broadcast %max3A : f32 to vector<400x1xf32>
    %max3A_6 = arith.maximumf %get3A_4, %max3A_5 : vector<400x1xf32>
    %div3A = vector.broadcast %max3A_6 : vector<400x1xf32> to vector<400x128xf32>
    %div3A_7 = arith.divf %get3A_1, %div3A : vector<400x128xf32>
    %get3A_8 = arith.constant 0 : index
    %get3A_9 = arith.constant 0 : index
    %get3A_10 = vector.load %arg3[%get3A_8, %get3A_9] : memref<400x128xf32, #tpu.memory_space<vmem>>, vector<400x128xf32>
    %get3A_11 = arith.constant 0 : index
    %get3A_12 = arith.constant 0 : index
    %get3A_13 = vector.load %arg4[%get3A_11, %get3A_12] : memref<400x128xf32, #tpu.memory_space<vmem>>, vector<400x1xf32>
    %max3A_14 = arith.constant 1.000000e+00 : f32
    %max3A_15 = vector.broadcast %max3A_14 : f32 to vector<400x1xf32>
    %max3A_16 = arith.maximumf %get3A_13, %max3A_15 : vector<400x1xf32>
    %div3A_17 = vector.broadcast %max3A_16 : vector<400x1xf32> to vector<400x128xf32>
    %div3A_18 = arith.divf %get3A_10, %div3A_17 : vector<400x128xf32>
    %get3A_19 = arith.constant 0 : index
    %get3A_20 = arith.constant 0 : index
    %get3A_21 = vector.load %arg6[%get3A_19, %get3A_20] : memref<128x128xf32, #tpu.memory_space<vmem>>, vector<128x128xf32>
    %dot_general3A = arith.constant dense<0.000000e+00> : vector<400x128xf32>
    %dot_general3A_22 = tpu.matmul %div3A_7, %get3A_21, %dot_general3A {dimension_numbers = #tpu.dot_dimension_numbers<[1], [0], [0], [1], [0, 0, 1, 1], [], []>, transpose_lhs_hint = false} : vector<400x128xf32>, vector<128x128xf32>, vector<400x128xf32> -> vector<400x128xf32>
    %get3A_23 = arith.constant 0 : index
    %get3A_24 = arith.constant 0 : index
    %get3A_25 = vector.load %arg7[%get3A_23, %get3A_24] : memref<128x128xf32, #tpu.memory_space<vmem>>, vector<128x128xf32>
    %dot_general3A_26 = arith.constant dense<0.000000e+00> : vector<400x128xf32>
    %dot_general3A_27 = tpu.matmul %div3A_18, %get3A_25, %dot_general3A_26 {dimension_numbers = #tpu.dot_dimension_numbers<[1], [0], [0], [1], [0, 0, 1, 1], [], []>, transpose_lhs_hint = false} : vector<400x128xf32>, vector<128x128xf32>, vector<400x128xf32> -> vector<400x128xf32>
    %add3A = arith.addf %dot_general3A_22, %dot_general3A_27 : vector<400x128xf32>
    %get3A_28 = arith.constant 0 : index
    %get3A_29 = arith.constant 0 : index
    %get3A_30 = vector.load %arg5[%get3A_28, %get3A_29] : memref<400x128xf32, #tpu.memory_space<vmem>>, vector<400x128xf32>
    %get3A_31 = arith.constant 0 : index
    %get3A_32 = arith.constant 0 : index
    %get3A_33 = vector.load %arg8[%get3A_31, %get3A_32] : memref<128x128xf32, #tpu.memory_space<vmem>>, vector<128x128xf32>
    %get3A_34 = arith.constant 0 : index
    %get3A_35 = arith.constant 0 : index
    %get3A_36 = vector.load %arg9[%get3A_34, %get3A_35] : memref<128x128xf32, #tpu.memory_space<vmem>>, vector<128x128xf32>
    %add3A_37 = arith.addf %get3A_33, %get3A_36 : vector<128x128xf32>
    %dot_general3A_38 = arith.constant dense<0.000000e+00> : vector<400x128xf32>
    %dot_general3A_39 = tpu.matmul %get3A_30, %add3A_37, %dot_general3A_38 {dimension_numbers = #tpu.dot_dimension_numbers<[1], [0], [0], [1], [0, 0, 1, 1], [], []>, transpose_lhs_hint = false} : vector<400x128xf32>, vector<128x128xf32>, vector<400x128xf32> -> vector<400x128xf32>
    %add3A_40 = arith.addf %add3A, %dot_general3A_39 : vector<400x128xf32>
    %get3A_41 = arith.constant 0 : index
    %get3A_42 = arith.constant 0 : index
    %get3A_43 = vector.load %arg10[%get3A_41, %get3A_42] : memref<8x128xf32, #tpu.memory_space<vmem>>, vector<1x128xf32>
    %add3A_44 = vector.broadcast %get3A_43 : vector<1x128xf32> to vector<400x128xf32>
    %add3A_45 = arith.addf %add3A_40, %add3A_44 : vector<400x128xf32>
    %get3A_46 = arith.constant 0 : index
    %get3A_47 = arith.constant 0 : index
    %get3A_48 = vector.load %arg11[%get3A_46, %get3A_47] : memref<8x128xf32, #tpu.memory_space<vmem>>, vector<1x128xf32>
    %add3A_49 = vector.broadcast %get3A_48 : vector<1x128xf32> to vector<400x128xf32>
    %add3A_50 = arith.addf %add3A_45, %add3A_49 : vector<400x128xf32>
    %swap3A = arith.constant 0 : index
    %swap3A_51 = arith.constant 0 : index
    %swap3A_52 = vector.load %arg12[%swap3A, %swap3A_51] : memref<400x128xf32, #tpu.memory_space<vmem>>, vector<400x128xf32>
    tpu.vector_store %arg12[%swap3A, %swap3A_51], %add3A_50 {strides = array<i32>} : memref<400x128xf32, #tpu.memory_space<vmem>>, vector<400x128xf32>,
    return
  }
  func.func @transform_0(%arg0: i32) -> (i32, i32) {
    %c0_i32 = arith.constant 0 : i32
    %c0_i32_0 = arith.constant 0 : i32
    return %arg0, %c0_i32 : i32, i32
  }
  func.func @transform_1(%arg0: i32) -> (i32, i32) {
    %c0_i32 = arith.constant 0 : i32
    %c0_i32_0 = arith.constant 0 : i32
    return %arg0, %c0_i32 : i32, i32
  }
  func.func @transform_2(%arg0: i32) -> (i32, i32) {
    %c0_i32 = arith.constant 0 : i32
    %c0_i32_0 = arith.constant 0 : i32
    return %arg0, %c0_i32 : i32, i32
  }
  func.func @transform_3(%arg0: i32) -> (i32, i32) {
    %c0_i32 = arith.constant 0 : i32
    %c0_i32_0 = arith.constant 0 : i32
    return %arg0, %c0_i32 : i32, i32
  }
  func.func @transform_4(%arg0: i32) -> (i32, i32) {
    %c0_i32 = arith.constant 0 : i32
    %c0_i32_0 = arith.constant 0 : i32
    return %arg0, %c0_i32 : i32, i32
  }
  func.func @transform_5(%arg0: i32) -> (i32, i32) {
    %c0_i32 = arith.constant 0 : i32
    %c0_i32_0 = arith.constant 0 : i32
    %c0_i32_1 = arith.constant 0 : i32
    return %c0_i32, %c0_i32_0 : i32, i32
  }
  func.func @transform_6(%arg0: i32) -> (i32, i32) {
    %c0_i32 = arith.constant 0 : i32
    %c0_i32_0 = arith.constant 0 : i32
    %c0_i32_1 = arith.constant 0 : i32
    return %c0_i32, %c0_i32_0 : i32, i32
  }
  func.func @transform_7(%arg0: i32) -> (i32, i32) {
    %c0_i32 = arith.constant 0 : i32
    %c0_i32_0 = arith.constant 0 : i32
    %c0_i32_1 = arith.constant 0 : i32
    return %c0_i32, %c0_i32_0 : i32, i32
  }
  func.func @transform_8(%arg0: i32) -> (i32, i32) {
    %c0_i32 = arith.constant 0 : i32
    %c0_i32_0 = arith.constant 0 : i32
    %c0_i32_1 = arith.constant 0 : i32
    return %c0_i32, %c0_i32_0 : i32, i32
  }
  func.func @transform_9(%arg0: i32) -> (i32, i32) {
    %c0_i32 = arith.constant 0 : i32
    %c0_i32_0 = arith.constant 0 : i32
    %c0_i32_1 = arith.constant 0 : i32
    return %c0_i32, %c0_i32_0 : i32, i32
  }
  func.func @transform_10(%arg0: i32) -> (i32, i32) {
    %c0_i32 = arith.constant 0 : i32
    %c0_i32_0 = arith.constant 0 : i32
    %c0_i32_1 = arith.constant 0 : i32
    return %c0_i32, %c0_i32_0 : i32, i32
  }
  func.func @transform_11(%arg0: i32) -> (i32, i32) {
    %c0_i32 = arith.constant 0 : i32
    %c0_i32_0 = arith.constant 0 : i32
    return %arg0, %c0_i32 : i32, i32
  }
}

</mosaic_0001>

<sc_bundles>
// kernel: kernel.4.cloned.1.call-start
scs
__scs_entry_jumppad:
0x0: {  	(pc) =	sbr.rel $0x88, $3  }
0x1: {  	(tag) =	ssettag $0x0;
	lr =	simm.s32 $0x1  }
0x2: {  	[smem:$0x3F99] =	sst lr;
	_ =	strace $0xD0000000  }
0x3: {  	_ = 	snop  }
0x4: {  	_ = 	snop  }
0x5: {  	_ = 	snop  }
0x6: {  	_ = 	snop  }
0x7: {  	_ = 	snop  }
__scs_overlays_trampoline_lowered:
0x8: {  	[smem:$0x3FA8] =	sst s0  }
0x9: {  	[smem:$0x3FA9] =	sst s1  }
0xa: {  	[smem:$0x3FAA] =	sst s2  }
0xb: {  	[smem:$0x3FAB] =	sst s3  }
0xc: {  	[smem:$0x3FAC] =	sst s4  }
0xd: {  	[smem:$0x3FAD] =	sst s5  }
0xe: {  	[smem:$0x3FAE] =	sst s6  }
0xf: {  	[smem:$0x3FAF] =	sst s7  }
0x10: {  	[smem:$0x3FB0] =	sst s8  }
0x11: {  	[smem:$0x3FB1] =	sst s9;
	s0 =	simm.s32 @!p0 $0x0  }
0x12: {  	s1 =	sld [smem:$0x3F97];
	s0 =	simm.s32 @p0 $0x1  }
0x13: {  	[smem:$0x3FB2] =	sst s0;
	s0 =	simm.s32 @!p1 $0x0  }
0x14: {  	s2 =	sld [smem:$0x3F96];
	s0 =	simm.s32 @p1 $0x1  }
0x15: {  	[smem:$0x3FB3] =	sst s0;
	s0 =	simm.s32 @!p2 $0x0  }
0x16: {  	s3 =	sld [smem:$0x3FDB];
	s0 =	simm.s32 @p2 $0x1  }
0x17: {  	s4 =	simm.s32 $0x1BF5;
	[smem:$0x3FB5] =	sst s0  }
0x18: {  	s0 =	sld [smem:$0x3F98];
	_ =	swait.ge [sflag:s4], $0x0  }
0x19: {  	s7 =	sld [smem:$0x3F99]  }
0x1a: {  	s8 =	sadd.s32 $0xFFFFE003, lr  }
0x1b: {  	s9 =	sadd.s32 $0xFFFFFEF7, lr;
	s5 =	simm.s32 $0xFFFFFFFF;
	p2 =	slt.u32 s8, $0xFFFFF086  }
0x1c: {  	p1 =	slt.u32 s9, $0xF7A;
	s5 =	simm.s32 @!p2 $0x0  }
0x1d: {  	s5 =	simm.s32 @p1 $0x1;
	p0 =	seq.s32 s7, s2  }
0x1e: {  	s7 =	smul.u32 @!p0 $0xF7A, s2;
	p2 =	seq.s32 @!p0 s5, $0x0  }
0x1f: {  	s9 =	smul.u32 $0xF7A, s1;
	s8 =	simm.s32 @!p0 $0x1BF5;
	p2 =	por !p2, p0  }
0x20: {  	[sflag:s8] =	ssyncset.s32 @!p0 $0xFFFFF086;
	s6 =	sadd.s32 @!p0 s3, s7;
	s7 =	simm.s32 @!p0 $0x108  }
0x21: {  	s3 =	sadd.s32 s3, s9;
	s6 =	sadd.s32 @!p0 $0x88, s6;
	s7 =	simm.s32 @p2 $0x1082  }
0x22: {  	[simem:s7], [sflag:s8] =	dma.local @!p0 [hbm:s6], $0xF7A  }
0x23: {  	s9 =	sor.u32 $0xD0000000, s2;
	s6 =	simm.s32 $0x108;
	_ =	swait.ge @!p0 [sflag:s8], $0x0  }
0x24: {  	s3 =	sadd.s32 $0x88, s3;
	s6 =	simm.s32 @!p1 $0x1082;
	[sflag:s4] =	ssyncset.s32 $0xFFFFF086  }
0x25: {  	[simem:s6], [sflag:s4] =	dma.local [hbm:s3], $0xF7A  }
0x26: {  	[smem:$0x3F99] =	sst s1;
	(tag) =	ssettag s2;
	_ =	strace s9  }
0x27: {  	s1 =	sld [smem:$0x3FA9]  }
0x28: {  	s2 =	sld [smem:$0x3FAA]  }
0x29: {  	s4 =	sld [smem:$0x3FAC]  }
0x2a: {  	p0 =	seq.s32 s5, $0x0;
	s5 =	sld [smem:$0x3FAD]  }
0x2b: {  	s6 =	sld [smem:$0x3FAE]  }
0x2c: {  	s7 =	sld [smem:$0x3FAF]  }
0x2d: {  	s3 =	simm.s32 $0x108;
	s8 =	sld [smem:$0x3FB0]  }
0x2e: {  	s3 =	simm.s32 @!p0 $0x1082;
	s9 =	sld [smem:$0x3FB1]  }
0x2f: {  	lr =	sadd.s32 s0, s3;
	s0 =	sld [smem:$0x3FA8]  }
0x30: {  	s3 =	sld [smem:$0x3FAB]  }
0x31: {  	[smem:$0x3FB4] =	sst s10  }
0x32: {  	s10 =	sld [smem:$0x3FB2];
	_ =	sdelay $0x3  }
0x33: {  	p0 =	seq.s32 s10, $0x1;
	s10 =	sld [smem:$0x3FB4];
	_ =	sdelay $0x3  }
0x34: {  	[smem:$0x3FB4] =	sst s10  }
0x35: {  	s10 =	sld [smem:$0x3FB3];
	_ =	sdelay $0x3  }
0x36: {  	p1 =	seq.s32 s10, $0x1;
	s10 =	sld [smem:$0x3FB4];
	_ =	sdelay $0x3  }
0x37: {  	[smem:$0x3FB4] =	sst s10  }
0x38: {  	s10 =	sld [smem:$0x3FB5]  }
0x39: {  	_ = 	snop;
	(pc) =	sbr.ind lr, $3  }
0x3a: {  	_ = 	snop  }
0x3b: {  	_ = 	snop  }
0x3c: {  	p2 =	seq.s32 s10, $0x1;
	s10 =	sld [smem:$0x3FB4]  }
0x3d: {  	_ =	shalt  }
0x3e: {  	_ =	shalt  }
0x3f: {  	_ =	shalt  }
0x40: {  	_ =	shalt  }
0x41: {  	_ =	shalt  }
0x42: {  	_ =	shalt  }
0x43: {  	_ =	shalt  }
0x44: {  	_ =	shalt  }
0x45: {  	_ =	shalt  }
0x46: {  	_ =	shalt  }
0x47: {  	_ =	shalt  }
0x48: {  	_ =	shalt  }
0x49: {  	_ =	shalt  }
0x4a: {  	_ =	shalt  }
0x4b: {  	_ =	shalt  }
0x4c: {  	_ =	shalt  }
0x4d: {  	_ =	shalt  }
0x4e: {  	_ =	shalt  }
0x4f: {  	_ =	shalt  }
0x50: {  	_ =	shalt  }
0x51: {  	_ =	shalt  }
0x52: {  	_ =	shalt  }
0x53: {  	_ =	shalt  }
0x54: {  	_ =	shalt  }
0x55: {  	_ =	shalt  }
0x56: {  	_ =	shalt  }
0x57: {  	_ =	shalt  }
0x58: {  	_ =	shalt  }
0x59: {  	_ =	shalt  }
0x5a: {  	_ =	shalt  }
0x5b: {  	_ =	shalt  }
0x5c: {  	_ =	shalt  }
0x5d: {  	_ =	shalt  }
0x5e: {  	_ =	shalt  }
0x5f: {  	_ =	shalt  }
0x60: {  	_ =	shalt  }
0x61: {  	_ =	shalt  }
0x62: {  	_ =	shalt  }
0x63: {  	_ =	shalt  }
0x64: {  	_ =	shalt  }
0x65: {  	_ =	shalt  }
0x66: {  	_ =	shalt  }
0x67: {  	_ =	shalt  }
0x68: {  	_ =	shalt  }
0x69: {  	_ =	shalt  }
0x6a: {  	_ =	shalt  }
0x6b: {  	_ =	shalt  }
0x6c: {  	_ =	shalt  }
0x6d: {  	_ =	shalt  }
0x6e: {  	_ =	shalt  }
0x6f: {  	_ =	shalt  }
0x70: {  	_ =	shalt  }
0x71: {  	_ =	shalt  }
0x72: {  	_ =	shalt  }
0x73: {  	_ =	shalt  }
0x74: {  	_ =	shalt  }
0x75: {  	_ =	shalt  }
0x76: {  	_ =	shalt  }
0x77: {  	_ =	shalt  }
0x78: {  	_ =	shalt  }
0x79: {  	_ =	shalt  }
0x7a: {  	_ =	shalt  }
0x7b: {  	_ =	shalt  }
0x7c: {  	_ =	shalt  }
0x7d: {  	_ =	shalt  }
0x7e: {  	_ =	shalt  }
0x7f: {  	_ =	shalt  }
0x80: {  	_ =	shalt  }
0x81: {  	_ =	shalt  }
0x82: {  	_ =	shalt  }
0x83: {  	_ =	shalt  }
0x84: {  	_ =	shalt  }
0x85: {  	_ =	shalt  }
0x86: {  	_ =	shalt  }
0x87: {  	_ =	shalt  }
.Lfunc_end0:
.L_simem_size_0:
called_computation_lowered:
.L_overlay_start_0:
0x88: {  	s2 =	sld [smem:$0x3FD9]  }
0x89: {  	s3 =	sld [smem:$0x3FFE];
	_ =	sdelay $0x1  }
0x8a: {  	s1 =	srdreg.scid  }
0x8b: {  	s0 =	sand.u32 $0x1, s1  }
0x8c: {  	s17 =	sshll.u32 s0, $0xA;
	s2 =	sadd.s32 s3, s2  }
0x8d: {  	s2 =	sadd.s32 s2, s17  }
0x8e: {  	[smem:$0x3FC0] =	sst s2  }
0x8f: {  	_ = 	snop  }
0x90: {  	s2 =	sld [smem:$0x3FC9]  }
0x91: {  	s18 =	sld [smem:$0x3FD0];
	(tm) =	ssettm $0x1  }
0x92: {  	s4 =	sld [smem:$0x3FFB];
	_ =	sdelay $0x3  }
0x93: {  	_ =	strace s4  }
0x94: {  	s4 =	sld [smem:$0x3FFC];
	_ =	sdelay $0x3  }
0x95: {  	_ =	strace s4  }
0x96: {  	s4 =	sld [smem:$0x3FFD];
	_ =	sdelay $0x3  }
0x97: {  	_ =	strace s4  }
0x98: {  	_ =	strace $0x8FFFFFFF  }
0x99: {  	s19 =	sld [smem:$0x3FDB];
	_ =	sdelay $0x1  }
0x9a: {  	s5 =	simm.s32 $_scs_section_size  }
0x9b: {  	s6 =	simm.s32 $_size__tile_overlayer_lowered;
	s7 =	simm.s32 $_tile_overlayer_lowered  }
0x9c: {  	s22 =	simm.s32 $0x1BFF;
	s21 =	sshll.u32 s7, $0x1;
	s4 =	sadd.s32 s5, s19  }
0x9d: {  	s8 =	simm.s32 $0x0;
	s20 =	sshll.u32 s6, $0x1;
	s6 =	sadd.s32 s21, s4  }
0x9e: {  	[timem:s8], [sflag:s22] =	dma.local [hbm:s6], s20  }
0x9f: {  	_ =	swait.ge [sflag:s22], s20  }
0xa0: {  	s5 =	ssub.s32 $0x0, s20;
	[sflag:s22] =	ssyncset.done $0x0  }
0xa1: {  	[sflag:s22] =	ssyncadd.s32 s5;
	_ =	sdelay $0x1  }
0xa2: {  	s23 =	simm.s32 $0x1B8B  }
0xa3: {  	_ =	swait.ge [sflag:s23], $0x1  }
0xa4: {  	[sflag:s23] =	ssyncset.done $0x0  }
0xa5: {  	s25 =	simm.s32 $0x1B8E;
	s24 =	sld [smem:$0x3FFE];
	[sflag:s23] =	ssyncadd.s32 $0xFFFFFFFF  }
0xa6: {  	s26 =	simm.s32 $execute0_lowered;
	[smem:$0x3FD2] =	sst s25  }
0xa7: {  	s6 =	sshll.u32 s26, $0x1;
	_ =	strace $0x80000046;
	[dreg:$0x1] =	wrdreg $0xFFFFFFFF  }
0xa8: {  	s28 =	simm.s32 $_size_execute0_lowered;
	s4 =	sadd.s32 s4, s6;
	[dreg:$0x0] =	wrdreg $0x0  }
0xa9: {  	s6 =	sshll.u32 s28, $0x1;
	[dreg:$0x2] =	wrdreg s4  }
0xaa: {  	[dreg:$0x3] =	wrdreg s6  }
0xab: {  	[dreg:$0x4] =	wrdreg $0xC0  }
0xac: {  	_ =	task [dreg:s8], $0x5FFFF  }
0xad: {  	[dreg:$0x1] =	wrdreg $0xFFFFFFFF  }
0xae: {  	[dreg:$0x0] =	wrdreg $0x60  }
0xaf: {  	[dreg:$0x2] =	wrdreg s2  }
0xb0: {  	[dreg:$0x3] =	wrdreg s24  }
0xb1: {  	[dreg:$0x4] =	wrdreg s18  }
0xb2: {  	[dreg:$0x5] =	wrdreg $0x0  }
0xb3: {  	[dreg:$0x6] =	wrdreg $0x9  }
0xb4: {  	_ =	task.clear_ibuf [dreg:s8], $0x7FFFF;
	_ =	strace $0x90000046  }
0xb5: {  	s29 =	simm.s32 $0x9;
	_ =	strace $0x80000048  }
0xb6: {  	_ =	swait.ge [sflag:s29], $0x1  }
0xb7: {  	[sflag:s29] =	ssyncadd.s32 $0xFFFFFFFF  }
0xb8: {  	_ =	strace $0x90000048  }
0xb9: {  	_ =	sfence  }
0xba: {  	s30 =	sld [smem:$0x0];
	_ =	sdelay $0x2  }
0xbb: {  	s31 =	sshll.u32 s1, $0xD;
	s1 =	sshrl.u32 s1, $0x2  }
0xbc: {  	s3 =	sand.u32 $0x4000, s31;
	s1 =	sadd.s32 s1, s30  }
0xbd: {  	s0 =	sor.u32 s3, s0;
	s1 =	sshll.u32 s1, $0x11  }
0xbe: {  	s0 =	sor.u32 s1, s0  }
0xbf: {  	s0 =	sadd.s32 $0x8F2B, s0  }
0xc0: {  	[sflag:s0] =	ssyncadd.remote.s32 $0x1  }
0xc1: {  	_ =	sfence.sel $0xFFFF  }
0xc2: {  	[dreg:$0x0] =	wrdreg $0xFFFFFFFF;
	(pc) =	sbr.abs _section_cstart, $3  }
0xc3: {  	[dreg:$0x1] =	wrdreg $0xFFFFFFFF  }
0xc4: {  	_ =	task.clear_ibuf [dreg:s8], $0x2FFFF;
	_ =	strace $0x9FFFFFFF  }
0xc5: {  	(tm) =	ssettm $0x7FFFFFFF  }
tec
execute0_lowered:
.L_overlay_start_1:
0x0: {  	(tag) =	ssettag $0x1  }
0x1: {  	s0 =	srdreg.scid;
	s21 =	stileid.u32  }
0x2: {  	s28 =	rddreg [dreg:$0x3];
	s31 =	simm.s32 $0x18A00;
	s1 =	sand.u32 $0x1, s0  }
0x3: {  	s0 =	rddreg [dreg:$0x1];
	s10 =	smul.u32 $0x13800, s21;
	p1 =	sne.s32 s21, $0xF  }
0x4: {  	s2 =	ssub.s32 $0x2, s1;
	s11 =	sadd.s32 $0xB800, s0;
	s12 =	sadd.s32 $0x59A00, s0  }
0x5: {  	s13 =	smul.u32 $0x138800, s1;
	p0 =	sne.s32 s1, $0x0;
	s3 =	sshrl.u32 s2, $0x1  }
0x6: {  	s4 =	sadd.s32 $0x7800, s10;
	s5 =	sadd.s32 $0xA000, s10;
	s6 =	sadd.s32 $0xC800, s10  }
0x7: {  	s8 =	sadd.s32 $0xF000, s10;
	s9 =	sadd.s32 $0x11800, s10;
	s7 =	ssub.s32 s2, s3  }
0x8: {  	s2 =	sadd.s32 $0x2800, s10;
	s3 =	sadd.s32 $0x5000, s10;
	s10 =	sadd.s32 s10, s13  }
0x9: {  	s23 =	sadd.s32 s13, s4;
	s17 =	sadd.s32 s13, s5;
	s18 =	sadd.s32 s13, s6  }
0xa: {  	s24 =	sadd.s32 s13, s8;
	s10 =	sshrl.u32 s10, $0x3;
	s14 =	sadd.s32 s13, s2  }
0xb: {  	s15 =	sadd.s32 s13, s3;
	s18 =	sshrl.u32 s18, $0x3;
	s16 =	sadd.s32 s11, s10  }
0xc: {  	s17 =	sshrl.u32 s17, $0x3;
	s25 =	sadd.s32 s11, s18;
	[dreg:$0x5] =	wrdreg s16  }
0xd: {  	s14 =	sshrl.u32 s14, $0x3;
	s10 =	sadd.s32 s12, s10;
	[dreg:$0xa] =	wrdreg s25  }
0xe: {  	s15 =	sshrl.u32 s15, $0x3;
	s20 =	sadd.s32 s11, s14;
	[dreg:$0xe] =	wrdreg s10  }
0xf: {  	s1 =	sadd.s32 s3, s28;
	s22 =	sadd.s32 s11, s15;
	[dreg:$0x6] =	wrdreg s20  }
0x10: {  	s3 =	sadd.s32 s5, s28;
	s14 =	sadd.s32 s12, s14;
	[dreg:$0x7] =	wrdreg s22  }
0x11: {  	s5 =	sadd.s32 s8, s28;
	s15 =	sadd.s32 s12, s15;
	[dreg:$0xf] =	wrdreg s14  }
0x12: {  	s16 =	sshrl.u32 s23, $0x3;
	s23 =	sadd.s32 s12, s17;
	[dreg:$0x10] =	wrdreg s15  }
0x13: {  	s7 =	smax.u32 s7, $0x1;
	s8 =	sadd.s32 $0x138000, s28;
	[dreg:$0x12] =	wrdreg s23  }
0x14: {  	s25 =	smul.u32 $0x4E20, s21;
	s19 =	sadd.s32 s11, s16;
	s15 =	rddreg [dreg:$0x2]  }
0x15: {  	s20 =	sadd.s32 s13, s9;
	s22 =	sadd.s32 s11, s17;
	[dreg:$0x8] =	wrdreg s19  }
0x16: {  	s13 =	sshrl.u32 s13, $0x3;
	s23 =	smul.u32 $0x4E000, s21;
	[dreg:$0x9] =	wrdreg s22  }
0x17: {  	s22 =	sadd.s32 s12, s16;
	s10 =	sshrl.u32 s25, $0x3;
	s25 =	rddreg [dreg:$0x0]  }
0x18: {  	s19 =	sshrl.u32 s24, $0x3;
	s24 =	sadd.s32 s12, s18;
	[dreg:$0x11] =	wrdreg s22  }
0x19: {  	s20 =	sshrl.u32 s20, $0x3;
	s26 =	sadd.s32 s11, s19;
	[dreg:$0x13] =	wrdreg s24  }
0x1a: {  	s13 =	sadd.s32 $0x27000, s13;
	s30 =	sadd.s32 s11, s20;
	[dreg:$0xb] =	wrdreg s26  }
0x1b: {  	s16 =	sadd.s32 $0xE00, s0;
	s11 =	sadd.s32 s11, s13;
	[dreg:$0xc] =	wrdreg s30  }
0x1c: {  	s14 =	sadd.s32 s12, s13;
	s17 =	sadd.s32 s15, s10;
	[dreg:$0xd] =	wrdreg s11  }
0x1d: {  	s18 =	sadd.s32 s16, s10;
	s10 =	sadd.s32 $0x9BA, s10;
	[dreg:$0x16] =	wrdreg s14  }
0x1e: {  	s24 =	sshrl.u32 s23, $0x2;
	s13 =	simm.s32 $0x50;
	[dreg:$0x17] =	wrdreg s17  }
0x1f: {  	s26 =	sadd.s32 s12, s19;
	s30 =	sadd.s32 s12, s20;
	[dreg:$0x18] =	wrdreg s18  }
0x20: {  	s19 =	simm.s32 $0x0;
	s20 =	smul.u32 $0x9C4, s21;
	[dreg:$0x14] =	wrdreg s26  }
0x21: {  	s22 =	sadd.s32 s15, s10;
	s10 =	sadd.s32 s16, s10;
	[dreg:$0x15] =	wrdreg s30  }
0x22: {  	s24 =	sadd.s32 s24, s28;
	s11 =	simm.s32 $0x13880;
	[smem:$0x7FF] =	sst s19  }
0x23: {  	s12 =	simm.s32 $0x13900;
	s14 =	simm.s32 $0x1;
	[dreg:$0x19] =	wrdreg s22  }
0x24: {  	s17 =	simm.s32 $0x2;
	s18 =	simm.s32 $0x3;
	[dreg:$0x1a] =	wrdreg s10  }
0x25: {  	s30 =	sadd.s32 $0xAC00, s0;
	s0 =	sadd.s32 $0xB200, s0;
	s10 =	simm.s32 $0x4  }
.Ltmp0:
0x26: {  	_ =	strace $0x80000047;
	[dreg:$0x1b] =	wrdreg s30;
	(pc) =	sbr.rel .LBB2_1-.Ltmp0, $4  }
0x27: {  	s26 =	sadd.s32 s20, s16;
	s29 =	sadd.s32 s20, s15;
	[dreg:$0x1c] =	wrdreg s0  }
0x28: {  	s0 =	sadd.s32 s2, s28;
	s2 =	sadd.s32 s4, s28;
	s4 =	sadd.s32 s6, s28  }
0x29: {  	s6 =	sadd.s32 s9, s28;
	[dreg:$0x1d] =	wrdreg s7;
	s9 =	simm.s32 $0x13A00  }
0x2a: {  	s15 =	simm.s32 $0x13980;
	s16 =	simm.s32 $0x16200;
	s7 =	simm.s32 $0x0  }
.LBB2_14:
0x2b: {  	s21 =	sadd.s32 $0x9BA, s20;
	[sflag:s17] =	ssyncadd.s32 $0xFFFFD800  }
0x2c: {  	[tilespmem:s12], [sflag:$0x4] =	stream.linear.gather [hbm4b:s21+s19], $0x50, $0x38;
	[tilespmem:$0x1B200] =	vst v63  }
0x2d: {  	_ =	swait.ge [sflag:s10], $0x50  }
0x2e: {  	[sflag:s10] =	ssyncset.done $0x0  }
0x2f: {  	[sflag:s10] =	ssyncadd.s32 $0xFFFFFFB0  }
0x30: {  	[spmem:s28] =	stream.indirect.scatter.add.f32 [tilespmem:s31], [sflag:$0x2], $0x80, s12, s13, $0xb8;
	[tilespmem:$0x1B200] =	vst v63  }
0x31: {  	_ =	swait.ge [sflag:s14], $0x2800  }
0x32: {  	[sflag:s14] =	ssyncset.done $0x0  }
0x33: {  	s30 =	sadd.s32 $0x9C4, s20;
	[sflag:s14] =	ssyncadd.s32 $0xFFFFD800  }
0x34: {  	[tilespmem:s11], [sflag:$0x4] =	stream.linear.gather [hbm4b:s30+s19], $0x50, $0x38;
	[tilespmem:$0x1B200] =	vst v63  }
0x35: {  	_ =	swait.ge [sflag:s10], $0x50  }
0x36: {  	[sflag:s10] =	ssyncset.done $0x0  }
0x37: {  	[sflag:s10] =	ssyncadd.s32 $0xFFFFFFB0  }
0x38: {  	[spmem:s28] =	stream.indirect.scatter.add.f32 [tilespmem:s31], [sflag:$0x1], $0x80, s11, s13, $0xb8;
	[tilespmem:$0x1B200] =	vst v63  }
0x39: {  	_ =	swait.ge [sflag:s17], $0x2800  }
0x3a: {  	[sflag:s17] =	ssyncset.done $0x0  }
0x3b: {  	s20 =	rddreg [dreg:$0x1a];
	[sflag:s17] =	ssyncadd.s32 $0xFFFFD800  }
.LBB2_15:
0x3c: {  	[tilespmem:s12], [sflag:$0x4] =	stream.linear.gather [hbm4b:s20+s19], $0x50, $0x38;
	[tilespmem:$0x1B200] =	vst v63  }
0x3d: {  	_ =	swait.ge [sflag:s10], $0x50  }
0x3e: {  	[sflag:s10] =	ssyncset.done $0x0  }
0x3f: {  	[sflag:s10] =	ssyncadd.s32 $0xFFFFFFB0  }
0x40: {  	[spmem:s28] =	stream.indirect.scatter.add.f32 [tilespmem:s31], [sflag:$0x2], $0x80, s12, s13, $0xb8;
	[tilespmem:$0x1B200] =	vst v63  }
0x41: {  	_ =	swait.ge [sflag:s14], $0x2800  }
0x42: {  	[sflag:s14] =	ssyncset.done $0x0  }
0x43: {  	[sflag:s14] =	ssyncadd.s32 $0xFFFFD800  }
0x44: {  	_ =	swait.ge [sflag:s17], $0x2800  }
0x45: {  	[sflag:s17] =	ssyncset.done $0x0  }
0x46: {  	[sflag:s17] =	ssyncadd.s32 $0xFFFFD800  }
0x47: {  	[bflag:$0x0] =	sbarrier.arrive $0xFFFF  }
0x48: {  	[tilespmem:s9], [sflag:$0x4] =	stream.linear.gather [spmem:s24], $0x2800, $0x38;
	[tilespmem:$0x1B200] =	vst v63  }
0x49: {  	_ =	swait.ge [sflag:s10], $0x2800  }
0x4a: {  	[sflag:s10] =	ssyncset.done $0x0  }
0x4b: {  	s30 =	rddreg [dreg:$0xe];
	[sflag:s10] =	ssyncadd.s32 $0xFFFFD800  }
0x4c: {  	[hbm4b:s30+s19] =	stream.linear.scatter [tilespmem:s9], [sflag:$0x4], $0x2800, $0x38;
	[tilespmem:$0x1B200] =	vst v63  }
0x4d: {  	_ =	swait.ge [sflag:s10], $0x2800  }
0x4e: {  	[sflag:s10] =	ssyncset.done $0x0  }
0x4f: {  	[sflag:s10] =	ssyncadd.s32 $0xFFFFD800  }
0x50: {  	[tilespmem:s9], [sflag:$0x4] =	stream.linear.gather [spmem:s0], $0x2800, $0x38;
	[tilespmem:$0x1B200] =	vst v63  }
0x51: {  	_ =	swait.ge [sflag:s10], $0x2800  }
0x52: {  	[sflag:s10] =	ssyncset.done $0x0  }
0x53: {  	s21 =	rddreg [dreg:$0xf];
	[sflag:s10] =	ssyncadd.s32 $0xFFFFD800  }
0x54: {  	[hbm4b:s21+s19] =	stream.linear.scatter [tilespmem:s9], [sflag:$0x4], $0x2800, $0x38;
	[tilespmem:$0x1B200] =	vst v63  }
0x55: {  	_ =	swait.ge [sflag:s10], $0x2800  }
0x56: {  	[sflag:s10] =	ssyncset.done $0x0  }
0x57: {  	[sflag:s10] =	ssyncadd.s32 $0xFFFFD800  }
0x58: {  	[tilespmem:s9], [sflag:$0x4] =	stream.linear.gather [spmem:s1], $0x2800, $0x38;
	[tilespmem:$0x1B200] =	vst v63  }
0x59: {  	_ =	swait.ge [sflag:s10], $0x2800  }
0x5a: {  	[sflag:s10] =	ssyncset.done $0x0  }
0x5b: {  	s22 =	rddreg [dreg:$0x10];
	[sflag:s10] =	ssyncadd.s32 $0xFFFFD800  }
0x5c: {  	[hbm4b:s22+s19] =	stream.linear.scatter [tilespmem:s9], [sflag:$0x4], $0x2800, $0x38;
	[tilespmem:$0x1B200] =	vst v63  }
0x5d: {  	_ =	swait.ge [sflag:s10], $0x2800  }
0x5e: {  	[sflag:s10] =	ssyncset.done $0x0  }
0x5f: {  	[sflag:s10] =	ssyncadd.s32 $0xFFFFD800  }
0x60: {  	[tilespmem:s9], [sflag:$0x4] =	stream.linear.gather [spmem:s2], $0x2800, $0x38;
	[tilespmem:$0x1B200] =	vst v63  }
0x61: {  	_ =	swait.ge [sflag:s10], $0x2800  }
0x62: {  	[sflag:s10] =	ssyncset.done $0x0  }
0x63: {  	s23 =	rddreg [dreg:$0x11];
	[sflag:s10] =	ssyncadd.s32 $0xFFFFD800  }
0x64: {  	[hbm4b:s23+s19] =	stream.linear.scatter [tilespmem:s9], [sflag:$0x4], $0x2800, $0x38;
	[tilespmem:$0x1B200] =	vst v63  }
0x65: {  	_ =	swait.ge [sflag:s10], $0x2800  }
0x66: {  	[sflag:s10] =	ssyncset.done $0x0  }
0x67: {  	[sflag:s10] =	ssyncadd.s32 $0xFFFFD800  }
0x68: {  	[tilespmem:s9], [sflag:$0x4] =	stream.linear.gather [spmem:s3], $0x2800, $0x38;
	[tilespmem:$0x1B200] =	vst v63  }
0x69: {  	_ =	swait.ge [sflag:s10], $0x2800  }
0x6a: {  	[sflag:s10] =	ssyncset.done $0x0  }
0x6b: {  	s30 =	rddreg [dreg:$0x12];
	[sflag:s10] =	ssyncadd.s32 $0xFFFFD800  }
0x6c: {  	[hbm4b:s30+s19] =	stream.linear.scatter [tilespmem:s9], [sflag:$0x4], $0x2800, $0x38;
	[tilespmem:$0x1B200] =	vst v63  }
0x6d: {  	_ =	swait.ge [sflag:s10], $0x2800  }
0x6e: {  	[sflag:s10] =	ssyncset.done $0x0  }
0x6f: {  	[sflag:s10] =	ssyncadd.s32 $0xFFFFD800  }
0x70: {  	[tilespmem:s9], [sflag:$0x4] =	stream.linear.gather [spmem:s4], $0x2800, $0x38;
	[tilespmem:$0x1B200] =	vst v63  }
0x71: {  	_ =	swait.ge [sflag:s10], $0x2800  }
0x72: {  	[sflag:s10] =	ssyncset.done $0x0  }
0x73: {  	s21 =	rddreg [dreg:$0x13];
	[sflag:s10] =	ssyncadd.s32 $0xFFFFD800  }
0x74: {  	[hbm4b:s21+s19] =	stream.linear.scatter [tilespmem:s9], [sflag:$0x4], $0x2800, $0x38;
	[tilespmem:$0x1B200] =	vst v63  }
0x75: {  	_ =	swait.ge [sflag:s10], $0x2800  }
0x76: {  	[sflag:s10] =	ssyncset.done $0x0  }
0x77: {  	[sflag:s10] =	ssyncadd.s32 $0xFFFFD800  }
0x78: {  	[tilespmem:s9], [sflag:$0x4] =	stream.linear.gather [spmem:s5], $0x2800, $0x38;
	[tilespmem:$0x1B200] =	vst v63  }
0x79: {  	_ =	swait.ge [sflag:s10], $0x2800  }
0x7a: {  	[sflag:s10] =	ssyncset.done $0x0  }
0x7b: {  	s22 =	rddreg [dreg:$0x14];
	[sflag:s10] =	ssyncadd.s32 $0xFFFFD800  }
0x7c: {  	[hbm4b:s22+s19] =	stream.linear.scatter [tilespmem:s9], [sflag:$0x4], $0x2800, $0x38;
	[tilespmem:$0x1B200] =	vst v63  }
0x7d: {  	_ =	swait.ge [sflag:s10], $0x2800  }
0x7e: {  	[sflag:s10] =	ssyncset.done $0x0  }
0x7f: {  	[sflag:s10] =	ssyncadd.s32 $0xFFFFD800  }
0x80: {  	[tilespmem:s9], [sflag:$0x4] =	stream.linear.gather [spmem:s6], $0x2000, $0x38;
	[tilespmem:$0x1B200] =	vst v63  }
0x81: {  	_ =	swait.ge [sflag:s10], $0x2000  }
0x82: {  	[sflag:s10] =	ssyncset.done $0x0  }
0x83: {  	s23 =	rddreg [dreg:$0x15];
	[sflag:s10] =	ssyncadd.s32 $0xFFFFE000  }
0x84: {  	[hbm4b:s23+s19] =	stream.linear.scatter [tilespmem:s9], [sflag:$0x4], $0x2000, $0x38;
	[tilespmem:$0x1B200] =	vst v63  }
0x85: {  	_ =	swait.ge [sflag:s10], $0x2000  }
0x86: {  	[sflag:s10] =	ssyncset.done $0x0  }
0x87: {  	s20 =	simm.s32 @!p1 $0x13A00;
	s21 =	simm.s32 @!p1 $0x4;
	[sflag:s10] =	ssyncadd.s32 $0xFFFFE000  }
0x88: {  	[tilespmem:s20], [sflag:$0x4] =	stream.linear.gather @!p1 [spmem:s8], $0x800, $0x38;
	[tilespmem:$0x1B200] =	vst v63  }
0x89: {  	_ =	swait.ge @!p1 [sflag:s21], $0x800  }
0x8a: {  	[sflag:s21] =	ssyncset.done @!p1 $0x0  }
0x8b: {  	s22 =	simm.s32 @!p1 $0x0;
	s23 =	rddreg [dreg:$0x16];
	[sflag:s21] =	ssyncadd.s32 @!p1 $0xFFFFF800  }
0x8c: {  	[hbm4b:s23+s22] =	stream.linear.scatter @!p1 [tilespmem:s20], [sflag:$0x4], $0x800, $0x38;
	[tilespmem:$0x1B200] =	vst v63  }
0x8d: {  	_ =	swait.ge @!p1 [sflag:s21], $0x800  }
0x8e: {  	s7 =	sadd.s32 $0x1, s7;
	s30 =	rddreg [dreg:$0x1d]  }
0x8f: {  	p2 =	sne.s32 s7, s30  }
.Ltmp1:
0x90: {  	_ = 	snop;
	(pc) =	sbr.rel @!p2 .LBB2_16-.Ltmp1, $3  }
0x91: {  	_ =	sdelay $0x1  }
0x92: {  	[sflag:s21] =	ssyncset.done @!p1 $0x0  }
0x93: {  	[sflag:s21] =	ssyncadd.s32 @!p1 $0xFFFFF800  }
.LBB2_1:
0x94: {  	s20 =	rddreg [dreg:$0x1b]  }
0x95: {  	[tilespmem:s9], [sflag:$0x4] =	stream.linear.gather [hbm4b:s20+s19], $0x2800, $0x38;
	[tilespmem:$0x1B200] =	vst v63  }
0x96: {  	_ =	swait.ge [sflag:s10], $0x2800  }
0x97: {  	[sflag:s10] =	ssyncset.done $0x0  }
0x98: {  	[sflag:s10] =	ssyncadd.s32 $0xFFFFD800  }
0x99: {  	[spmem:s24] =	stream.linear.scatter [tilespmem:s9], [sflag:$0x4], $0x2800, $0x38;
	[tilespmem:$0x1B200] =	vst v63  }
0x9a: {  	_ =	swait.ge [sflag:s10], $0x2800  }
0x9b: {  	[sflag:s10] =	ssyncset.done $0x0  }
0x9c: {  	[sflag:s10] =	ssyncadd.s32 $0xFFFFD800  }
0x9d: {  	[spmem:s0] =	stream.linear.scatter [tilespmem:s9], [sflag:$0x4], $0x2800, $0x38;
	[tilespmem:$0x1B200] =	vst v63  }
0x9e: {  	_ =	swait.ge [sflag:s10], $0x2800  }
0x9f: {  	[sflag:s10] =	ssyncset.done $0x0  }
0xa0: {  	[sflag:s10] =	ssyncadd.s32 $0xFFFFD800  }
0xa1: {  	[spmem:s1] =	stream.linear.scatter [tilespmem:s9], [sflag:$0x4], $0x2800, $0x38;
	[tilespmem:$0x1B200] =	vst v63  }
0xa2: {  	_ =	swait.ge [sflag:s10], $0x2800  }
0xa3: {  	[sflag:s10] =	ssyncset.done $0x0  }
0xa4: {  	[sflag:s10] =	ssyncadd.s32 $0xFFFFD800  }
0xa5: {  	[spmem:s2] =	stream.linear.scatter [tilespmem:s9], [sflag:$0x4], $0x2800, $0x38;
	[tilespmem:$0x1B200] =	vst v63  }
0xa6: {  	_ =	swait.ge [sflag:s10], $0x2800  }
0xa7: {  	[sflag:s10] =	ssyncset.done $0x0  }
0xa8: {  	[sflag:s10] =	ssyncadd.s32 $0xFFFFD800  }
0xa9: {  	[spmem:s3] =	stream.linear.scatter [tilespmem:s9], [sflag:$0x4], $0x2800, $0x38;
	[tilespmem:$0x1B200] =	vst v63  }
0xaa: {  	_ =	swait.ge [sflag:s10], $0x2800  }
0xab: {  	[sflag:s10] =	ssyncset.done $0x0  }
0xac: {  	[sflag:s10] =	ssyncadd.s32 $0xFFFFD800  }
0xad: {  	[spmem:s4] =	stream.linear.scatter [tilespmem:s9], [sflag:$0x4], $0x2800, $0x38;
	[tilespmem:$0x1B200] =	vst v63  }
0xae: {  	_ =	swait.ge [sflag:s10], $0x2800  }
0xaf: {  	[sflag:s10] =	ssyncset.done $0x0  }
0xb0: {  	[sflag:s10] =	ssyncadd.s32 $0xFFFFD800  }
0xb1: {  	[spmem:s5] =	stream.linear.scatter [tilespmem:s9], [sflag:$0x4], $0x2800, $0x38;
	[tilespmem:$0x1B200] =	vst v63  }
0xb2: {  	_ =	swait.ge [sflag:s10], $0x2800  }
0xb3: {  	[sflag:s10] =	ssyncset.done $0x0  }
0xb4: {  	[sflag:s10] =	ssyncadd.s32 $0xFFFFD800  }
0xb5: {  	[spmem:s6] =	stream.linear.scatter [tilespmem:s9], [sflag:$0x4], $0x2000, $0x38;
	[tilespmem:$0x1B200] =	vst v63  }
0xb6: {  	_ =	swait.ge [sflag:s10], $0x2000  }
0xb7: {  	[sflag:s10] =	ssyncset.done $0x0  }
0xb8: {  	s20 =	simm.s32 @!p1 $0x13A00;
	[sflag:s10] =	ssyncadd.s32 $0xFFFFE000  }
0xb9: {  	[spmem:s8] =	stream.linear.scatter @!p1 [tilespmem:s20], [sflag:$0x4], $0x800, $0x38;
	[tilespmem:$0x1B200] =	vst v63  }
0xba: {  	s20 =	simm.s32 @!p1 $0x4  }
.Ltmp2:
0xbb: {  	_ =	swait.ge @!p1 [sflag:s20], $0x800;
	(pc) =	sbr.rel @p0 .LBB2_5-.Ltmp2, $3  }
0xbc: {  	[sflag:s20] =	ssyncset.done @!p1 $0x0  }
0xbd: {  	[sflag:s20] =	ssyncadd.s32 @!p1 $0xFFFFF800  }
0xbe: {  	[bflag:$0x0] =	sbarrier.arrive $0xFFFF;
	_ =	sdelay $0x1  }
0xbf: {  	s20 =	rddreg [dreg:$0x18]  }
0xc0: {  	[tilespmem:s11], [sflag:$0x4] =	stream.linear.gather [hbm4b:s20+s19], $0x50, $0x38;
	[tilespmem:$0x1B200] =	vst v63  }
0xc1: {  	_ =	swait.ge [sflag:s10], $0x50  }
0xc2: {  	[sflag:s10] =	ssyncset.done $0x0  }
0xc3: {  	s23 =	rddreg [dreg:$0x17];
	[sflag:s10] =	ssyncadd.s32 $0xFFFFFFB0  }
0xc4: {  	[tilespmem:s12], [sflag:$0x4] =	stream.linear.gather [hbm4b:s23+s19], $0x50, $0x38;
	[tilespmem:$0x1B200] =	vst v63  }
0xc5: {  	_ =	swait.ge [sflag:s10], $0x50  }
0xc6: {  	[sflag:s10] =	ssyncset.done $0x0  }
0xc7: {  	[sflag:s10] =	ssyncadd.s32 $0xFFFFFFB0  }
0xc8: {  	[tilespmem:s9], [sflag:$0x1] =	stream.indirect.gather [hbm4b:s25+s13], $0x80, s11, s13, $0xb8;
	[tilespmem:$0x1B200] =	vst v63  }
0xc9: {  	_ =	swait.ge [sflag:s14], $0x2800  }
0xca: {  	[sflag:s14] =	ssyncset.done $0x0  }
0xcb: {  	s30 =	sadd.s32 $0xFFFFF650, s26;
	[sflag:s14] =	ssyncadd.s32 $0xFFFFD800  }
0xcc: {  	[spmem:s28] =	stream.indirect.scatter.add.f32 [tilespmem:s9], [sflag:$0x2], $0x80, s12, s13, $0xb8;
	[tilespmem:$0x1B200] =	vst v63  }
0xcd: {  	s21 =	sadd.s32 $0x9BA, s30  }
0xce: {  	[tilespmem:s11], [sflag:$0x4] =	stream.linear.gather [hbm4b:s21+s19], $0x50, $0x38;
	[tilespmem:$0x1B200] =	vst v63  }
0xcf: {  	_ =	swait.ge [sflag:s10], $0x50  }
0xd0: {  	s23 =	sadd.s32 $0xFFFFF650, s29;
	[sflag:s10] =	ssyncset.done $0x0  }
0xd1: {  	s22 =	sadd.s32 $0x9BA, s23;
	[sflag:s10] =	ssyncadd.s32 $0xFFFFFFB0  }
0xd2: {  	[tilespmem:s15], [sflag:$0x4] =	stream.linear.gather [hbm4b:s22+s19], $0x50, $0x38;
	[tilespmem:$0x1B200] =	vst v63  }
0xd3: {  	_ =	swait.ge [sflag:s10], $0x50  }
0xd4: {  	[sflag:s10] =	ssyncset.done $0x0  }
0xd5: {  	[sflag:s10] =	ssyncadd.s32 $0xFFFFFFB0  }
0xd6: {  	[tilespmem:s16], [sflag:$0x1] =	stream.indirect.gather [hbm4b:s25+s13], $0x80, s11, s13, $0xb8;
	[tilespmem:$0x1B200] =	vst v63  }
0xd7: {  	_ =	swait.ge [sflag:s14], $0x2800  }
0xd8: {  	[sflag:s14] =	ssyncset.done $0x0  }
0xd9: {  	[sflag:s14] =	ssyncadd.s32 $0xFFFFD800  }
0xda: {  	[spmem:s28] =	stream.indirect.scatter.add.f32 [tilespmem:s16], [sflag:$0x3], $0x80, s15, s13, $0xb8;
	[tilespmem:$0x1B200] =	vst v63  }
0xdb: {  	_ =	swait.ge [sflag:s17], $0x2800  }
0xdc: {  	[sflag:s17] =	ssyncset.done $0x0  }
0xdd: {  	s20 =	sadd.s32 $0x9C4, s30;
	[sflag:s17] =	ssyncadd.s32 $0xFFFFD800  }
0xde: {  	[tilespmem:s11], [sflag:$0x4] =	stream.linear.gather [hbm4b:s20+s19], $0x50, $0x38;
	[tilespmem:$0x1B200] =	vst v63  }
0xdf: {  	_ =	swait.ge [sflag:s10], $0x50  }
0xe0: {  	[sflag:s10] =	ssyncset.done $0x0  }
0xe1: {  	s30 =	sadd.s32 $0x9C4, s23;
	[sflag:s10] =	ssyncadd.s32 $0xFFFFFFB0  }
0xe2: {  	[tilespmem:s12], [sflag:$0x4] =	stream.linear.gather [hbm4b:s30+s19], $0x50, $0x38;
	[tilespmem:$0x1B200] =	vst v63  }
0xe3: {  	_ =	swait.ge [sflag:s10], $0x50  }
0xe4: {  	[sflag:s10] =	ssyncset.done $0x0  }
0xe5: {  	[sflag:s10] =	ssyncadd.s32 $0xFFFFFFB0  }
0xe6: {  	[tilespmem:s9], [sflag:$0x1] =	stream.indirect.gather [hbm4b:s25+s13], $0x80, s11, s13, $0xb8;
	[tilespmem:$0x1B200] =	vst v63  }
0xe7: {  	_ =	swait.ge [sflag:s14], $0x2800  }
0xe8: {  	[sflag:s14] =	ssyncset.done $0x0  }
0xe9: {  	[sflag:s14] =	ssyncadd.s32 $0xFFFFD800  }
0xea: {  	_ =	swait.ge [sflag:s18], $0x2800  }
0xeb: {  	s20 =	simm.s32 $0xFFFFF664;
	[sflag:s18] =	ssyncset.done $0x0  }
.LBB2_3:
0xec: {  	s22 =	sadd.s32 s20, s26  }
0xed: {  	[sflag:s18] =	ssyncadd.s32 $0xFFFFD800;
	s23 =	smov.u32 s20;
	s21 =	sadd.s32 $0x14, s20  }
0xee: {  	[spmem:s28] =	stream.indirect.scatter.add.f32 [tilespmem:s9], [sflag:$0x2], $0x80, s12, s13, $0xb8;
	[tilespmem:$0x1B200] =	vst v63  }
0xef: {  	p2 =	seq.s32 s20, $0xFFFFFFEC;
	s30 =	sadd.s32 $0x9BA, s22  }
0xf0: {  	[tilespmem:s11], [sflag:$0x4] =	stream.linear.gather [hbm4b:s30+s19], $0x50, $0x38;
	[tilespmem:$0x1B200] =	vst v63  }
0xf1: {  	_ =	swait.ge [sflag:s10], $0x50  }
0xf2: {  	s20 =	sadd.s32 s23, s29;
	[sflag:s10] =	ssyncset.done $0x0  }
0xf3: {  	s23 =	sadd.s32 $0x9BA, s20;
	[sflag:s10] =	ssyncadd.s32 $0xFFFFFFB0  }
0xf4: {  	[tilespmem:s15], [sflag:$0x4] =	stream.linear.gather [hbm4b:s23+s19], $0x50, $0x38;
	[tilespmem:$0x1B200] =	vst v63  }
0xf5: {  	_ =	swait.ge [sflag:s10], $0x50  }
0xf6: {  	[sflag:s10] =	ssyncset.done $0x0  }
0xf7: {  	[sflag:s10] =	ssyncadd.s32 $0xFFFFFFB0  }
0xf8: {  	[tilespmem:s16], [sflag:$0x1] =	stream.indirect.gather [hbm4b:s25+s13], $0x80, s11, s13, $0xb8;
	[tilespmem:$0x1B200] =	vst v63  }
0xf9: {  	_ =	swait.ge [sflag:s14], $0x2800  }
0xfa: {  	[sflag:s14] =	ssyncset.done $0x0  }
0xfb: {  	[sflag:s14] =	ssyncadd.s32 $0xFFFFD800  }
0xfc: {  	[spmem:s28] =	stream.indirect.scatter.add.f32 [tilespmem:s16], [sflag:$0x3], $0x80, s15, s13, $0xb8;
	[tilespmem:$0x1B200] =	vst v63  }
0xfd: {  	_ =	swait.ge [sflag:s17], $0x2800  }
0xfe: {  	[sflag:s17] =	ssyncset.done $0x0  }
0xff: {  	s22 =	sadd.s32 $0x9C4, s22;
	[sflag:s17] =	ssyncadd.s32 $0xFFFFD800  }
0x100: {  	[tilespmem:s11], [sflag:$0x4] =	stream.linear.gather [hbm4b:s22+s19], $0x50, $0x38;
	[tilespmem:$0x1B200] =	vst v63  }
0x101: {  	_ =	swait.ge [sflag:s10], $0x50  }
0x102: {  	[sflag:s10] =	ssyncset.done $0x0  }
0x103: {  	s20 =	sadd.s32 $0x9C4, s20;
	[sflag:s10] =	ssyncadd.s32 $0xFFFFFFB0  }
0x104: {  	[tilespmem:s12], [sflag:$0x4] =	stream.linear.gather [hbm4b:s20+s19], $0x50, $0x38;
	[tilespmem:$0x1B200] =	vst v63  }
0x105: {  	_ =	swait.ge [sflag:s10], $0x50  }
0x106: {  	[sflag:s10] =	ssyncset.done $0x0  }
0x107: {  	[sflag:s10] =	ssyncadd.s32 $0xFFFFFFB0  }
0x108: {  	[tilespmem:s9], [sflag:$0x1] =	stream.indirect.gather [hbm4b:s25+s13], $0x80, s11, s13, $0xb8;
	[tilespmem:$0x1B200] =	vst v63  }
.Ltmp3:
0x109: {  	_ =	swait.ge [sflag:s14], $0x2800;
	(pc) =	sbr.rel @!p2 .LBB2_3-.Ltmp3, $4  }
0x10a: {  	[sflag:s14] =	ssyncset.done $0x0  }
0x10b: {  	[sflag:s14] =	ssyncadd.s32 $0xFFFFD800  }
0x10c: {  	_ =	swait.ge [sflag:s18], $0x2800  }
0x10d: {  	s20 =	smov.u32 s21;
	[sflag:s18] =	ssyncset.done $0x0  }
.Ltmp4:
0x10e: {  	(pc) =	sbr.rel .LBB2_8-.Ltmp4, $3  }
0x10f: {  	_ =	sdelay $0x1  }
0x110: {  	s21 =	rddreg [dreg:$0x1a]  }
0x111: {  	[sflag:s18] =	ssyncadd.s32 $0xFFFFD800;
	s20 =	rddreg [dreg:$0x19]  }
.LBB2_5:
0x112: {  	s20 =	rddreg [dreg:$0x17]  }
0x113: {  	[tilespmem:s11], [sflag:$0x4] =	stream.linear.gather [hbm4b:s20+s19], $0x50, $0x38;
	[tilespmem:$0x1B200] =	vst v63  }
0x114: {  	_ =	swait.ge [sflag:s10], $0x50  }
0x115: {  	[sflag:s10] =	ssyncset.done $0x0  }
0x116: {  	s23 =	rddreg [dreg:$0x18];
	[sflag:s10] =	ssyncadd.s32 $0xFFFFFFB0  }
0x117: {  	[tilespmem:s12], [sflag:$0x4] =	stream.linear.gather [hbm4b:s23+s19], $0x50, $0x38;
	[tilespmem:$0x1B200] =	vst v63  }
0x118: {  	_ =	swait.ge [sflag:s10], $0x50  }
0x119: {  	[sflag:s10] =	ssyncset.done $0x0  }
0x11a: {  	[sflag:s10] =	ssyncadd.s32 $0xFFFFFFB0  }
0x11b: {  	[tilespmem:s9], [sflag:$0x1] =	stream.indirect.gather [hbm4b:s25+s13], $0x80, s11, s13, $0xb8;
	[tilespmem:$0x1B200] =	vst v63  }
0x11c: {  	_ =	swait.ge [sflag:s14], $0x2800  }
0x11d: {  	[sflag:s14] =	ssyncset.done $0x0  }
0x11e: {  	s30 =	sadd.s32 $0xFFFFF650, s29;
	[sflag:s14] =	ssyncadd.s32 $0xFFFFD800  }
0x11f: {  	[spmem:s28] =	stream.indirect.scatter.add.f32 [tilespmem:s9], [sflag:$0x2], $0x80, s12, s13, $0xb8;
	[tilespmem:$0x1B200] =	vst v63  }
0x120: {  	s21 =	sadd.s32 $0x9BA, s30  }
0x121: {  	[tilespmem:s11], [sflag:$0x4] =	stream.linear.gather [hbm4b:s21+s19], $0x50, $0x38;
	[tilespmem:$0x1B200] =	vst v63  }
0x122: {  	_ =	swait.ge [sflag:s10], $0x50  }
0x123: {  	s23 =	sadd.s32 $0xFFFFF650, s26;
	[sflag:s10] =	ssyncset.done $0x0  }
0x124: {  	s22 =	sadd.s32 $0x9BA, s23;
	[sflag:s10] =	ssyncadd.s32 $0xFFFFFFB0  }
0x125: {  	[tilespmem:s15], [sflag:$0x4] =	stream.linear.gather [hbm4b:s22+s19], $0x50, $0x38;
	[tilespmem:$0x1B200] =	vst v63  }
0x126: {  	_ =	swait.ge [sflag:s10], $0x50  }
0x127: {  	[sflag:s10] =	ssyncset.done $0x0  }
0x128: {  	[sflag:s10] =	ssyncadd.s32 $0xFFFFFFB0  }
0x129: {  	[tilespmem:s16], [sflag:$0x1] =	stream.indirect.gather [hbm4b:s25+s13], $0x80, s11, s13, $0xb8;
	[tilespmem:$0x1B200] =	vst v63  }
0x12a: {  	_ =	swait.ge [sflag:s14], $0x2800  }
0x12b: {  	[sflag:s14] =	ssyncset.done $0x0  }
0x12c: {  	[sflag:s14] =	ssyncadd.s32 $0xFFFFD800  }
0x12d: {  	[spmem:s28] =	stream.indirect.scatter.add.f32 [tilespmem:s16], [sflag:$0x3], $0x80, s15, s13, $0xb8;
	[tilespmem:$0x1B200] =	vst v63  }
0x12e: {  	_ =	swait.ge [sflag:s17], $0x2800  }
0x12f: {  	[sflag:s17] =	ssyncset.done $0x0  }
0x130: {  	s20 =	sadd.s32 $0x9C4, s30;
	[sflag:s17] =	ssyncadd.s32 $0xFFFFD800  }
0x131: {  	[tilespmem:s11], [sflag:$0x4] =	stream.linear.gather [hbm4b:s20+s19], $0x50, $0x38;
	[tilespmem:$0x1B200] =	vst v63  }
0x132: {  	_ =	swait.ge [sflag:s10], $0x50  }
0x133: {  	[sflag:s10] =	ssyncset.done $0x0  }
0x134: {  	s30 =	sadd.s32 $0x9C4, s23;
	[sflag:s10] =	ssyncadd.s32 $0xFFFFFFB0  }
0x135: {  	[tilespmem:s12], [sflag:$0x4] =	stream.linear.gather [hbm4b:s30+s19], $0x50, $0x38;
	[tilespmem:$0x1B200] =	vst v63  }
0x136: {  	_ =	swait.ge [sflag:s10], $0x50  }
0x137: {  	[sflag:s10] =	ssyncset.done $0x0  }
0x138: {  	[sflag:s10] =	ssyncadd.s32 $0xFFFFFFB0  }
0x139: {  	[tilespmem:s9], [sflag:$0x1] =	stream.indirect.gather [hbm4b:s25+s13], $0x80, s11, s13, $0xb8;
	[tilespmem:$0x1B200] =	vst v63  }
0x13a: {  	_ =	swait.ge [sflag:s14], $0x2800  }
0x13b: {  	[sflag:s14] =	ssyncset.done $0x0  }
0x13c: {  	[sflag:s14] =	ssyncadd.s32 $0xFFFFD800  }
0x13d: {  	_ =	swait.ge [sflag:s18], $0x2800  }
0x13e: {  	s21 =	simm.s32 $0xFFFFF664;
	[sflag:s18] =	ssyncset.done $0x0  }
.LBB2_6:
0x13f: {  	s22 =	sadd.s32 s21, s29  }
0x140: {  	[sflag:s18] =	ssyncadd.s32 $0xFFFFD800;
	s23 =	smov.u32 s21;
	s20 =	sadd.s32 $0x14, s21  }
0x141: {  	[spmem:s28] =	stream.indirect.scatter.add.f32 [tilespmem:s9], [sflag:$0x2], $0x80, s12, s13, $0xb8;
	[tilespmem:$0x1B200] =	vst v63  }
0x142: {  	p2 =	sne.s32 s21, $0xFFFFFFEC;
	s30 =	sadd.s32 $0x9BA, s22  }
0x143: {  	[tilespmem:s11], [sflag:$0x4] =	stream.linear.gather [hbm4b:s30+s19], $0x50, $0x38;
	[tilespmem:$0x1B200] =	vst v63  }
0x144: {  	_ =	swait.ge [sflag:s10], $0x50  }
0x145: {  	s21 =	sadd.s32 s23, s26;
	[sflag:s10] =	ssyncset.done $0x0  }
0x146: {  	s23 =	sadd.s32 $0x9BA, s21;
	[sflag:s10] =	ssyncadd.s32 $0xFFFFFFB0  }
0x147: {  	[tilespmem:s15], [sflag:$0x4] =	stream.linear.gather [hbm4b:s23+s19], $0x50, $0x38;
	[tilespmem:$0x1B200] =	vst v63  }
0x148: {  	_ =	swait.ge [sflag:s10], $0x50  }
0x149: {  	[sflag:s10] =	ssyncset.done $0x0  }
0x14a: {  	[sflag:s10] =	ssyncadd.s32 $0xFFFFFFB0  }
0x14b: {  	[tilespmem:s16], [sflag:$0x1] =	stream.indirect.gather [hbm4b:s25+s13], $0x80, s11, s13, $0xb8;
	[tilespmem:$0x1B200] =	vst v63  }
0x14c: {  	_ =	swait.ge [sflag:s14], $0x2800  }
0x14d: {  	[sflag:s14] =	ssyncset.done $0x0  }
0x14e: {  	[sflag:s14] =	ssyncadd.s32 $0xFFFFD800  }
0x14f: {  	[spmem:s28] =	stream.indirect.scatter.add.f32 [tilespmem:s16], [sflag:$0x3], $0x80, s15, s13, $0xb8;
	[tilespmem:$0x1B200] =	vst v63  }
0x150: {  	_ =	swait.ge [sflag:s17], $0x2800  }
0x151: {  	[sflag:s17] =	ssyncset.done $0x0  }
0x152: {  	s22 =	sadd.s32 $0x9C4, s22;
	[sflag:s17] =	ssyncadd.s32 $0xFFFFD800  }
0x153: {  	[tilespmem:s11], [sflag:$0x4] =	stream.linear.gather [hbm4b:s22+s19], $0x50, $0x38;
	[tilespmem:$0x1B200] =	vst v63  }
0x154: {  	_ =	swait.ge [sflag:s10], $0x50  }
0x155: {  	[sflag:s10] =	ssyncset.done $0x0  }
0x156: {  	s21 =	sadd.s32 $0x9C4, s21;
	[sflag:s10] =	ssyncadd.s32 $0xFFFFFFB0  }
0x157: {  	[tilespmem:s12], [sflag:$0x4] =	stream.linear.gather [hbm4b:s21+s19], $0x50, $0x38;
	[tilespmem:$0x1B200] =	vst v63  }
0x158: {  	_ =	swait.ge [sflag:s10], $0x50  }
0x159: {  	[sflag:s10] =	ssyncset.done $0x0  }
0x15a: {  	[sflag:s10] =	ssyncadd.s32 $0xFFFFFFB0  }
0x15b: {  	[tilespmem:s9], [sflag:$0x1] =	stream.indirect.gather [hbm4b:s25+s13], $0x80, s11, s13, $0xb8;
	[tilespmem:$0x1B200] =	vst v63  }
.Ltmp5:
0x15c: {  	_ =	swait.ge [sflag:s14], $0x2800;
	(pc) =	sbr.rel @p2 .LBB2_6-.Ltmp5, $4  }
0x15d: {  	[sflag:s14] =	ssyncset.done $0x0  }
0x15e: {  	[sflag:s14] =	ssyncadd.s32 $0xFFFFD800  }
0x15f: {  	_ =	swait.ge [sflag:s18], $0x2800  }
0x160: {  	s21 =	smov.u32 s20;
	[sflag:s18] =	ssyncset.done $0x0  }
0x161: {  	s21 =	rddreg [dreg:$0x19]  }
0x162: {  	[sflag:s18] =	ssyncadd.s32 $0xFFFFD800;
	s20 =	rddreg [dreg:$0x1a]  }
.LBB2_8:
0x163: {  	[spmem:s28] =	stream.indirect.scatter.add.f32 [tilespmem:s9], [sflag:$0x2], $0x80, s12, s13, $0xb8;
	[tilespmem:$0x1B200] =	vst v63  }
0x164: {  	_ = 	snop  }
0x165: {  	[tilespmem:s11], [sflag:$0x4] =	stream.linear.gather [hbm4b:s21+s19], $0x50, $0x38;
	[tilespmem:$0x1B200] =	vst v63  }
0x166: {  	_ =	swait.ge [sflag:s10], $0x50  }
0x167: {  	[sflag:s10] =	ssyncset.done $0x0  }
0x168: {  	[sflag:s10] =	ssyncadd.s32 $0xFFFFFFB0  }
0x169: {  	[tilespmem:s15], [sflag:$0x4] =	stream.linear.gather [hbm4b:s20+s19], $0x50, $0x38;
	[tilespmem:$0x1B200] =	vst v63  }
0x16a: {  	_ =	swait.ge [sflag:s10], $0x50  }
0x16b: {  	[sflag:s10] =	ssyncset.done $0x0  }
0x16c: {  	[sflag:s10] =	ssyncadd.s32 $0xFFFFFFB0  }
0x16d: {  	[tilespmem:s16], [sflag:$0x1] =	stream.indirect.gather [hbm4b:s25+s13], $0x80, s11, s13, $0xb8;
	[tilespmem:$0x1B200] =	vst v63  }
0x16e: {  	_ =	swait.ge [sflag:s14], $0x2800  }
0x16f: {  	[sflag:s14] =	ssyncset.done $0x0  }
0x170: {  	[sflag:s14] =	ssyncadd.s32 $0xFFFFD800  }
0x171: {  	[spmem:s28] =	stream.indirect.scatter.add.f32 [tilespmem:s16], [sflag:$0x3], $0x80, s15, s13, $0xb8;
	[tilespmem:$0x1B200] =	vst v63  }
0x172: {  	_ =	swait.ge [sflag:s17], $0x2800  }
0x173: {  	[sflag:s17] =	ssyncset.done $0x0  }
0x174: {  	[sflag:s17] =	ssyncadd.s32 $0xFFFFD800  }
0x175: {  	_ =	swait.ge [sflag:s18], $0x2800  }
0x176: {  	[sflag:s18] =	ssyncset.done $0x0  }
0x177: {  	[sflag:s18] =	ssyncadd.s32 $0xFFFFD800  }
0x178: {  	[bflag:$0x0] =	sbarrier.arrive $0xFFFF  }
0x179: {  	[tilespmem:s9], [sflag:$0x4] =	stream.linear.gather [spmem:s24], $0x2800, $0x38;
	[tilespmem:$0x1B200] =	vst v63  }
0x17a: {  	_ =	swait.ge [sflag:s10], $0x2800  }
0x17b: {  	[sflag:s10] =	ssyncset.done $0x0  }
0x17c: {  	s23 =	rddreg [dreg:$0x5];
	[sflag:s10] =	ssyncadd.s32 $0xFFFFD800  }
0x17d: {  	[hbm4b:s23+s19] =	stream.linear.scatter [tilespmem:s9], [sflag:$0x4], $0x2800, $0x38;
	[tilespmem:$0x1B200] =	vst v63  }
0x17e: {  	_ =	swait.ge [sflag:s10], $0x2800  }
0x17f: {  	[sflag:s10] =	ssyncset.done $0x0  }
0x180: {  	[sflag:s10] =	ssyncadd.s32 $0xFFFFD800  }
0x181: {  	[tilespmem:s9], [sflag:$0x4] =	stream.linear.gather [spmem:s0], $0x2800, $0x38;
	[tilespmem:$0x1B200] =	vst v63  }
0x182: {  	_ =	swait.ge [sflag:s10], $0x2800  }
0x183: {  	[sflag:s10] =	ssyncset.done $0x0  }
0x184: {  	s30 =	rddreg [dreg:$0x6];
	[sflag:s10] =	ssyncadd.s32 $0xFFFFD800  }
0x185: {  	[hbm4b:s30+s19] =	stream.linear.scatter [tilespmem:s9], [sflag:$0x4], $0x2800, $0x38;
	[tilespmem:$0x1B200] =	vst v63  }
0x186: {  	_ =	swait.ge [sflag:s10], $0x2800  }
0x187: {  	[sflag:s10] =	ssyncset.done $0x0  }
0x188: {  	[sflag:s10] =	ssyncadd.s32 $0xFFFFD800  }
0x189: {  	[tilespmem:s9], [sflag:$0x4] =	stream.linear.gather [spmem:s1], $0x2800, $0x38;
	[tilespmem:$0x1B200] =	vst v63  }
0x18a: {  	_ =	swait.ge [sflag:s10], $0x2800  }
0x18b: {  	[sflag:s10] =	ssyncset.done $0x0  }
0x18c: {  	s21 =	rddreg [dreg:$0x7];
	[sflag:s10] =	ssyncadd.s32 $0xFFFFD800  }
0x18d: {  	[hbm4b:s21+s19] =	stream.linear.scatter [tilespmem:s9], [sflag:$0x4], $0x2800, $0x38;
	[tilespmem:$0x1B200] =	vst v63  }
0x18e: {  	_ =	swait.ge [sflag:s10], $0x2800  }
0x18f: {  	[sflag:s10] =	ssyncset.done $0x0  }
0x190: {  	[sflag:s10] =	ssyncadd.s32 $0xFFFFD800  }
0x191: {  	[tilespmem:s9], [sflag:$0x4] =	stream.linear.gather [spmem:s2], $0x2800, $0x38;
	[tilespmem:$0x1B200] =	vst v63  }
0x192: {  	_ =	swait.ge [sflag:s10], $0x2800  }
0x193: {  	[sflag:s10] =	ssyncset.done $0x0  }
0x194: {  	s22 =	rddreg [dreg:$0x8];
	[sflag:s10] =	ssyncadd.s32 $0xFFFFD800  }
0x195: {  	[hbm4b:s22+s19] =	stream.linear.scatter [tilespmem:s9], [sflag:$0x4], $0x2800, $0x38;
	[tilespmem:$0x1B200] =	vst v63  }
0x196: {  	_ =	swait.ge [sflag:s10], $0x2800  }
0x197: {  	[sflag:s10] =	ssyncset.done $0x0  }
0x198: {  	[sflag:s10] =	ssyncadd.s32 $0xFFFFD800  }
0x199: {  	[tilespmem:s9], [sflag:$0x4] =	stream.linear.gather [spmem:s3], $0x2800, $0x38;
	[tilespmem:$0x1B200] =	vst v63  }
0x19a: {  	_ =	swait.ge [sflag:s10], $0x2800  }
0x19b: {  	[sflag:s10] =	ssyncset.done $0x0  }
0x19c: {  	s23 =	rddreg [dreg:$0x9];
	[sflag:s10] =	ssyncadd.s32 $0xFFFFD800  }
0x19d: {  	[hbm4b:s23+s19] =	stream.linear.scatter [tilespmem:s9], [sflag:$0x4], $0x2800, $0x38;
	[tilespmem:$0x1B200] =	vst v63  }
0x19e: {  	_ =	swait.ge [sflag:s10], $0x2800  }
0x19f: {  	[sflag:s10] =	ssyncset.done $0x0  }
0x1a0: {  	[sflag:s10] =	ssyncadd.s32 $0xFFFFD800  }
0x1a1: {  	[tilespmem:s9], [sflag:$0x4] =	stream.linear.gather [spmem:s4], $0x2800, $0x38;
	[tilespmem:$0x1B200] =	vst v63  }
0x1a2: {  	_ =	swait.ge [sflag:s10], $0x2800  }
0x1a3: {  	[sflag:s10] =	ssyncset.done $0x0  }
0x1a4: {  	s30 =	rddreg [dreg:$0xa];
	[sflag:s10] =	ssyncadd.s32 $0xFFFFD800  }
0x1a5: {  	[hbm4b:s30+s19] =	stream.linear.scatter [tilespmem:s9], [sflag:$0x4], $0x2800, $0x38;
	[tilespmem:$0x1B200] =	vst v63  }
0x1a6: {  	_ =	swait.ge [sflag:s10], $0x2800  }
0x1a7: {  	[sflag:s10] =	ssyncset.done $0x0  }
0x1a8: {  	[sflag:s10] =	ssyncadd.s32 $0xFFFFD800  }
0x1a9: {  	[tilespmem:s9], [sflag:$0x4] =	stream.linear.gather [spmem:s5], $0x2800, $0x38;
	[tilespmem:$0x1B200] =	vst v63  }
0x1aa: {  	_ =	swait.ge [sflag:s10], $0x2800  }
0x1ab: {  	[sflag:s10] =	ssyncset.done $0x0  }
0x1ac: {  	s21 =	rddreg [dreg:$0xb];
	[sflag:s10] =	ssyncadd.s32 $0xFFFFD800  }
0x1ad: {  	[hbm4b:s21+s19] =	stream.linear.scatter [tilespmem:s9], [sflag:$0x4], $0x2800, $0x38;
	[tilespmem:$0x1B200] =	vst v63  }
0x1ae: {  	_ =	swait.ge [sflag:s10], $0x2800  }
0x1af: {  	[sflag:s10] =	ssyncset.done $0x0  }
0x1b0: {  	[sflag:s10] =	ssyncadd.s32 $0xFFFFD800  }
0x1b1: {  	[tilespmem:s9], [sflag:$0x4] =	stream.linear.gather [spmem:s6], $0x2000, $0x38;
	[tilespmem:$0x1B200] =	vst v63  }
0x1b2: {  	_ =	swait.ge [sflag:s10], $0x2000  }
0x1b3: {  	[sflag:s10] =	ssyncset.done $0x0  }
0x1b4: {  	s22 =	rddreg [dreg:$0xc];
	[sflag:s10] =	ssyncadd.s32 $0xFFFFE000  }
0x1b5: {  	[hbm4b:s22+s19] =	stream.linear.scatter [tilespmem:s9], [sflag:$0x4], $0x2000, $0x38;
	[tilespmem:$0x1B200] =	vst v63  }
0x1b6: {  	_ =	swait.ge [sflag:s10], $0x2000  }
0x1b7: {  	[sflag:s10] =	ssyncset.done $0x0  }
0x1b8: {  	s20 =	simm.s32 @!p1 $0x13A00;
	s21 =	simm.s32 @!p1 $0x4;
	[sflag:s10] =	ssyncadd.s32 $0xFFFFE000  }
0x1b9: {  	[tilespmem:s20], [sflag:$0x4] =	stream.linear.gather @!p1 [spmem:s8], $0x800, $0x38;
	[tilespmem:$0x1B200] =	vst v63  }
0x1ba: {  	_ =	swait.ge @!p1 [sflag:s21], $0x800  }
0x1bb: {  	[sflag:s21] =	ssyncset.done @!p1 $0x0  }
0x1bc: {  	s22 =	simm.s32 @!p1 $0x0;
	s23 =	rddreg [dreg:$0xd];
	[sflag:s21] =	ssyncadd.s32 @!p1 $0xFFFFF800  }
0x1bd: {  	[hbm4b:s23+s22] =	stream.linear.scatter @!p1 [tilespmem:s20], [sflag:$0x4], $0x800, $0x38;
	[tilespmem:$0x1B200] =	vst v63  }
0x1be: {  	_ =	swait.ge @!p1 [sflag:s21], $0x800  }
0x1bf: {  	[sflag:s21] =	ssyncset.done @!p1 $0x0  }
0x1c0: {  	[sflag:s21] =	ssyncadd.s32 @!p1 $0xFFFFF800  }
0x1c1: {  	[bflag:$0x0] =	sbarrier.arrive $0xFFFF  }
0x1c2: {  	s23 =	rddreg [dreg:$0x1b]  }
0x1c3: {  	[tilespmem:s9], [sflag:$0x4] =	stream.linear.gather [hbm4b:s23+s19], $0x2800, $0x38;
	[tilespmem:$0x1B200] =	vst v63  }
0x1c4: {  	_ =	swait.ge [sflag:s10], $0x2800  }
0x1c5: {  	[sflag:s10] =	ssyncset.done $0x0  }
0x1c6: {  	[sflag:s10] =	ssyncadd.s32 $0xFFFFD800  }
0x1c7: {  	[spmem:s24] =	stream.linear.scatter [tilespmem:s9], [sflag:$0x4], $0x2800, $0x38;
	[tilespmem:$0x1B200] =	vst v63  }
0x1c8: {  	_ =	swait.ge [sflag:s10], $0x2800  }
0x1c9: {  	[sflag:s10] =	ssyncset.done $0x0  }
0x1ca: {  	[sflag:s10] =	ssyncadd.s32 $0xFFFFD800  }
0x1cb: {  	[spmem:s0] =	stream.linear.scatter [tilespmem:s9], [sflag:$0x4], $0x2800, $0x38;
	[tilespmem:$0x1B200] =	vst v63  }
0x1cc: {  	_ =	swait.ge [sflag:s10], $0x2800  }
0x1cd: {  	[sflag:s10] =	ssyncset.done $0x0  }
0x1ce: {  	[sflag:s10] =	ssyncadd.s32 $0xFFFFD800  }
0x1cf: {  	[spmem:s1] =	stream.linear.scatter [tilespmem:s9], [sflag:$0x4], $0x2800, $0x38;
	[tilespmem:$0x1B200] =	vst v63  }
0x1d0: {  	_ =	swait.ge [sflag:s10], $0x2800  }
0x1d1: {  	[sflag:s10] =	ssyncset.done $0x0  }
0x1d2: {  	[sflag:s10] =	ssyncadd.s32 $0xFFFFD800  }
0x1d3: {  	[spmem:s2] =	stream.linear.scatter [tilespmem:s9], [sflag:$0x4], $0x2800, $0x38;
	[tilespmem:$0x1B200] =	vst v63  }
0x1d4: {  	_ =	swait.ge [sflag:s10], $0x2800  }
0x1d5: {  	[sflag:s10] =	ssyncset.done $0x0  }
0x1d6: {  	[sflag:s10] =	ssyncadd.s32 $0xFFFFD800  }
0x1d7: {  	[spmem:s3] =	stream.linear.scatter [tilespmem:s9], [sflag:$0x4], $0x2800, $0x38;
	[tilespmem:$0x1B200] =	vst v63  }
0x1d8: {  	_ =	swait.ge [sflag:s10], $0x2800  }
0x1d9: {  	[sflag:s10] =	ssyncset.done $0x0  }
0x1da: {  	[sflag:s10] =	ssyncadd.s32 $0xFFFFD800  }
0x1db: {  	[spmem:s4] =	stream.linear.scatter [tilespmem:s9], [sflag:$0x4], $0x2800, $0x38;
	[tilespmem:$0x1B200] =	vst v63  }
0x1dc: {  	_ =	swait.ge [sflag:s10], $0x2800  }
0x1dd: {  	[sflag:s10] =	ssyncset.done $0x0  }
0x1de: {  	[sflag:s10] =	ssyncadd.s32 $0xFFFFD800  }
0x1df: {  	[spmem:s5] =	stream.linear.scatter [tilespmem:s9], [sflag:$0x4], $0x2800, $0x38;
	[tilespmem:$0x1B200] =	vst v63  }
0x1e0: {  	_ =	swait.ge [sflag:s10], $0x2800  }
0x1e1: {  	[sflag:s10] =	ssyncset.done $0x0  }
0x1e2: {  	[sflag:s10] =	ssyncadd.s32 $0xFFFFD800  }
0x1e3: {  	[spmem:s6] =	stream.linear.scatter [tilespmem:s9], [sflag:$0x4], $0x2000, $0x38;
	[tilespmem:$0x1B200] =	vst v63  }
0x1e4: {  	_ =	swait.ge [sflag:s10], $0x2000  }
0x1e5: {  	[sflag:s10] =	ssyncset.done $0x0  }
0x1e6: {  	[sflag:s10] =	ssyncadd.s32 $0xFFFFE000  }
0x1e7: {  	[spmem:s8] =	stream.linear.scatter @!p1 [tilespmem:s20], [sflag:$0x4], $0x800, $0x38;
	[tilespmem:$0x1B200] =	vst v63  }
0x1e8: {  	_ =	swait.ge @!p1 [sflag:s21], $0x800  }
0x1e9: {  	[sflag:s21] =	ssyncset.done @!p1 $0x0  }
0x1ea: {  	s30 =	rddreg [dreg:$0x1c];
	[sflag:s21] =	ssyncadd.s32 @!p1 $0xFFFFF800  }
0x1eb: {  	[tilespmem:s31], [sflag:$0x4] =	stream.linear.gather [hbm4b:s30+s19], $0x2800, $0x38;
	[tilespmem:$0x1B200] =	vst v63  }
.Ltmp6:
0x1ec: {  	_ =	swait.ge [sflag:s10], $0x2800;
	(pc) =	sbr.rel @p0 .LBB2_12-.Ltmp6, $3  }
0x1ed: {  	[sflag:s10] =	ssyncset.done $0x0  }
0x1ee: {  	[sflag:s10] =	ssyncadd.s32 $0xFFFFD800  }
0x1ef: {  	[bflag:$0x0] =	sbarrier.arrive $0xFFFF;
	_ =	sdelay $0x1  }
0x1f0: {  	s20 =	rddreg [dreg:$0x17]  }
0x1f1: {  	[tilespmem:s11], [sflag:$0x4] =	stream.linear.gather [hbm4b:s20+s19], $0x50, $0x38;
	[tilespmem:$0x1B200] =	vst v63  }
0x1f2: {  	_ =	swait.ge [sflag:s10], $0x50  }
0x1f3: {  	[sflag:s10] =	ssyncset.done $0x0  }
0x1f4: {  	s30 =	sadd.s32 $0xFFFFF650, s29;
	[sflag:s10] =	ssyncadd.s32 $0xFFFFFFB0  }
0x1f5: {  	[spmem:s28] =	stream.indirect.scatter.add.f32 [tilespmem:s31], [sflag:$0x1], $0x80, s11, s13, $0xb8;
	[tilespmem:$0x1B200] =	vst v63  }
0x1f6: {  	s21 =	sadd.s32 $0x9BA, s30  }
0x1f7: {  	[tilespmem:s12], [sflag:$0x4] =	stream.linear.gather [hbm4b:s21+s19], $0x50, $0x38;
	[tilespmem:$0x1B200] =	vst v63  }
0x1f8: {  	_ =	swait.ge [sflag:s10], $0x50  }
0x1f9: {  	[sflag:s10] =	ssyncset.done $0x0  }
0x1fa: {  	[sflag:s10] =	ssyncadd.s32 $0xFFFFFFB0  }
0x1fb: {  	[spmem:s28] =	stream.indirect.scatter.add.f32 [tilespmem:s31], [sflag:$0x2], $0x80, s12, s13, $0xb8;
	[tilespmem:$0x1B200] =	vst v63  }
0x1fc: {  	_ =	swait.ge [sflag:s14], $0x2800  }
0x1fd: {  	[sflag:s14] =	ssyncset.done $0x0  }
0x1fe: {  	s20 =	sadd.s32 $0x9C4, s30;
	[sflag:s14] =	ssyncadd.s32 $0xFFFFD800  }
0x1ff: {  	[tilespmem:s11], [sflag:$0x4] =	stream.linear.gather [hbm4b:s20+s19], $0x50, $0x38;
	[tilespmem:$0x1B200] =	vst v63  }
0x200: {  	_ =	swait.ge [sflag:s10], $0x50  }
0x201: {  	[sflag:s10] =	ssyncset.done $0x0  }
0x202: {  	[sflag:s10] =	ssyncadd.s32 $0xFFFFFFB0  }
0x203: {  	[spmem:s28] =	stream.indirect.scatter.add.f32 [tilespmem:s31], [sflag:$0x1], $0x80, s11, s13, $0xb8;
	[tilespmem:$0x1B200] =	vst v63  }
0x204: {  	_ =	swait.ge [sflag:s17], $0x2800  }
0x205: {  	s21 =	simm.s32 $0xFFFFF678;
	s20 =	sadd.s32 $0xFFFFF664, s29;
	[sflag:s17] =	ssyncset.done $0x0  }
.LBB2_10:
0x206: {  	s22 =	sadd.s32 $0x9BA, s20  }
0x207: {  	[sflag:s17] =	ssyncadd.s32 $0xFFFFD800;
	s23 =	smov.u32 s21;
	s30 =	sadd.s32 $0x14, s21  }
0x208: {  	[tilespmem:s12], [sflag:$0x4] =	stream.linear.gather [hbm4b:s22+s19], $0x50, $0x38;
	[tilespmem:$0x1B200] =	vst v63  }
0x209: {  	p2 =	seq.s32 s21, $0xFFFFFFEC;
	_ =	swait.ge [sflag:s10], $0x50  }
0x20a: {  	[sflag:s10] =	ssyncset.done $0x0  }
0x20b: {  	[sflag:s10] =	ssyncadd.s32 $0xFFFFFFB0  }
0x20c: {  	[spmem:s28] =	stream.indirect.scatter.add.f32 [tilespmem:s31], [sflag:$0x2], $0x80, s12, s13, $0xb8;
	[tilespmem:$0x1B200] =	vst v63  }
0x20d: {  	_ =	swait.ge [sflag:s14], $0x2800  }
0x20e: {  	[sflag:s14] =	ssyncset.done $0x0  }
0x20f: {  	s20 =	sadd.s32 $0x9C4, s20;
	[sflag:s14] =	ssyncadd.s32 $0xFFFFD800  }
0x210: {  	[tilespmem:s11], [sflag:$0x4] =	stream.linear.gather [hbm4b:s20+s19], $0x50, $0x38;
	[tilespmem:$0x1B200] =	vst v63  }
0x211: {  	_ =	swait.ge [sflag:s10], $0x50  }
.Ltmp7:
0x212: {  	[sflag:s10] =	ssyncset.done $0x0;
	(pc) =	sbr.rel @!p2 .LBB2_10-.Ltmp7, $4  }
0x213: {  	[sflag:s10] =	ssyncadd.s32 $0xFFFFFFB0  }
0x214: {  	[spmem:s28] =	stream.indirect.scatter.add.f32 [tilespmem:s31], [sflag:$0x1], $0x80, s11, s13, $0xb8;
	[tilespmem:$0x1B200] =	vst v63  }
0x215: {  	_ =	swait.ge [sflag:s17], $0x2800  }
0x216: {  	s21 =	smov.u32 s30;
	s20 =	sadd.s32 s23, s29;
	[sflag:s17] =	ssyncset.done $0x0  }
0x217: {  	s21 =	sadd.s32 $0x9BA, s20;
	[sflag:s17] =	ssyncadd.s32 $0xFFFFD800  }
0x218: {  	[tilespmem:s12], [sflag:$0x4] =	stream.linear.gather [hbm4b:s21+s19], $0x50, $0x38;
	[tilespmem:$0x1B200] =	vst v63  }
0x219: {  	_ =	swait.ge [sflag:s10], $0x50  }
0x21a: {  	[sflag:s10] =	ssyncset.done $0x0  }
0x21b: {  	[sflag:s10] =	ssyncadd.s32 $0xFFFFFFB0  }
0x21c: {  	[spmem:s28] =	stream.indirect.scatter.add.f32 [tilespmem:s31], [sflag:$0x2], $0x80, s12, s13, $0xb8;
	[tilespmem:$0x1B200] =	vst v63  }
0x21d: {  	_ =	swait.ge [sflag:s14], $0x2800  }
0x21e: {  	[sflag:s14] =	ssyncset.done $0x0  }
0x21f: {  	s30 =	sadd.s32 $0x9C4, s20;
	[sflag:s14] =	ssyncadd.s32 $0xFFFFD800  }
0x220: {  	[tilespmem:s11], [sflag:$0x4] =	stream.linear.gather [hbm4b:s30+s19], $0x50, $0x38;
	[tilespmem:$0x1B200] =	vst v63  }
0x221: {  	_ =	swait.ge [sflag:s10], $0x50  }
0x222: {  	[sflag:s10] =	ssyncset.done $0x0  }
.Ltmp8:
0x223: {  	[sflag:s10] =	ssyncadd.s32 $0xFFFFFFB0;
	(pc) =	sbr.rel .LBB2_15-.Ltmp8, $4  }
0x224: {  	[spmem:s28] =	stream.indirect.scatter.add.f32 [tilespmem:s31], [sflag:$0x1], $0x80, s11, s13, $0xb8;
	[tilespmem:$0x1B200] =	vst v63  }
0x225: {  	_ =	swait.ge [sflag:s17], $0x2800  }
0x226: {  	[sflag:s17] =	ssyncset.done $0x0  }
0x227: {  	s20 =	rddreg [dreg:$0x19];
	[sflag:s17] =	ssyncadd.s32 $0xFFFFD800  }
.LBB2_12:
0x228: {  	s20 =	rddreg [dreg:$0x18]  }
0x229: {  	[tilespmem:s11], [sflag:$0x4] =	stream.linear.gather [hbm4b:s20+s19], $0x50, $0x38;
	[tilespmem:$0x1B200] =	vst v63  }
0x22a: {  	_ =	swait.ge [sflag:s10], $0x50  }
0x22b: {  	[sflag:s10] =	ssyncset.done $0x0  }
0x22c: {  	s30 =	sadd.s32 $0xFFFFF650, s26;
	[sflag:s10] =	ssyncadd.s32 $0xFFFFFFB0  }
0x22d: {  	[spmem:s28] =	stream.indirect.scatter.add.f32 [tilespmem:s31], [sflag:$0x1], $0x80, s11, s13, $0xb8;
	[tilespmem:$0x1B200] =	vst v63  }
0x22e: {  	s21 =	sadd.s32 $0x9BA, s30  }
0x22f: {  	[tilespmem:s12], [sflag:$0x4] =	stream.linear.gather [hbm4b:s21+s19], $0x50, $0x38;
	[tilespmem:$0x1B200] =	vst v63  }
0x230: {  	_ =	swait.ge [sflag:s10], $0x50  }
0x231: {  	[sflag:s10] =	ssyncset.done $0x0  }
0x232: {  	[sflag:s10] =	ssyncadd.s32 $0xFFFFFFB0  }
0x233: {  	[spmem:s28] =	stream.indirect.scatter.add.f32 [tilespmem:s31], [sflag:$0x2], $0x80, s12, s13, $0xb8;
	[tilespmem:$0x1B200] =	vst v63  }
0x234: {  	_ =	swait.ge [sflag:s14], $0x2800  }
0x235: {  	[sflag:s14] =	ssyncset.done $0x0  }
0x236: {  	s20 =	sadd.s32 $0x9C4, s30;
	[sflag:s14] =	ssyncadd.s32 $0xFFFFD800  }
0x237: {  	[tilespmem:s11], [sflag:$0x4] =	stream.linear.gather [hbm4b:s20+s19], $0x50, $0x38;
	[tilespmem:$0x1B200] =	vst v63  }
0x238: {  	_ =	swait.ge [sflag:s10], $0x50  }
0x239: {  	[sflag:s10] =	ssyncset.done $0x0  }
0x23a: {  	[sflag:s10] =	ssyncadd.s32 $0xFFFFFFB0  }
0x23b: {  	[spmem:s28] =	stream.indirect.scatter.add.f32 [tilespmem:s31], [sflag:$0x1], $0x80, s11, s13, $0xb8;
	[tilespmem:$0x1B200] =	vst v63  }
0x23c: {  	_ =	swait.ge [sflag:s17], $0x2800  }
0x23d: {  	s21 =	simm.s32 $0xFFFFF678;
	s20 =	sadd.s32 $0xFFFFF664, s26;
	[sflag:s17] =	ssyncset.done $0x0  }
.LBB2_13:
0x23e: {  	s22 =	sadd.s32 $0x9BA, s20  }
0x23f: {  	[sflag:s17] =	ssyncadd.s32 $0xFFFFD800;
	s23 =	smov.u32 s21;
	s30 =	sadd.s32 $0x14, s21  }
0x240: {  	[tilespmem:s12], [sflag:$0x4] =	stream.linear.gather [hbm4b:s22+s19], $0x50, $0x38;
	[tilespmem:$0x1B200] =	vst v63  }
0x241: {  	p2 =	sne.s32 s21, $0xFFFFFFEC;
	_ =	swait.ge [sflag:s10], $0x50  }
0x242: {  	[sflag:s10] =	ssyncset.done $0x0  }
0x243: {  	[sflag:s10] =	ssyncadd.s32 $0xFFFFFFB0  }
0x244: {  	[spmem:s28] =	stream.indirect.scatter.add.f32 [tilespmem:s31], [sflag:$0x2], $0x80, s12, s13, $0xb8;
	[tilespmem:$0x1B200] =	vst v63  }
0x245: {  	_ =	swait.ge [sflag:s14], $0x2800  }
0x246: {  	[sflag:s14] =	ssyncset.done $0x0  }
0x247: {  	s20 =	sadd.s32 $0x9C4, s20;
	[sflag:s14] =	ssyncadd.s32 $0xFFFFD800  }
0x248: {  	[tilespmem:s11], [sflag:$0x4] =	stream.linear.gather [hbm4b:s20+s19], $0x50, $0x38;
	[tilespmem:$0x1B200] =	vst v63  }
0x249: {  	_ =	swait.ge [sflag:s10], $0x50  }
.Ltmp9:
0x24a: {  	[sflag:s10] =	ssyncset.done $0x0;
	(pc) =	sbr.rel @p2 .LBB2_13-.Ltmp9, $4  }
0x24b: {  	[sflag:s10] =	ssyncadd.s32 $0xFFFFFFB0  }
0x24c: {  	[spmem:s28] =	stream.indirect.scatter.add.f32 [tilespmem:s31], [sflag:$0x1], $0x80, s11, s13, $0xb8;
	[tilespmem:$0x1B200] =	vst v63  }
0x24d: {  	_ =	swait.ge [sflag:s17], $0x2800  }
0x24e: {  	s21 =	smov.u32 s30;
	s20 =	sadd.s32 s23, s26;
	[sflag:s17] =	ssyncset.done $0x0  }
.Ltmp10:
0x24f: {  	_ = 	snop;
	(pc) =	sbr.rel .LBB2_14-.Ltmp10, $1  }
0x250: {  	_ =	sdelay $0x3  }
.LBB2_16:
0x251: {  	_ =	sfence.sel $0x180000  }
0x252: {  	[bflag:$0x0] =	sbarrier.arrive $0xFFFF  }
0x253: {  	_ =	strace $0x90000047  }
0x254: {  	s0 =	stileid.u32;
	[bflag:$0x2] =	sbarrier.arrive $0xFFFF  }
0x255: {  	p0 =	sne.s32 s0, $0x0;
	s0 =	rddreg [dreg:$0x4]  }
0x256: {  	s0 =	sadd.s32 @!p0 $0x100000, s0  }
0x257: {  	[sflag:s0] =	ssyncadd.tile.s32 @!p0 $0x1;
	_ =	shalt  }
.Lfunc_end2:
_tile_overlayer_lowered:
.L_overlay_start_2:
0x258: {  	(tag) =	ssettag $0x2  }
0x259: {  	s0 =	rddreg [dreg:$0x0];
	s2 =	stileid.u32  }
0x25a: {  	s1 =	rddreg [dreg:$0x1];
	p0 =	sne.s32 s2, $0x0  }
0x25b: {  	s3 =	rddreg [dreg:$0x2];
	[bflag:$0x3] =	sbarrier.arrive $0xFFFF;
	s2 =	simm.s32 @!p0 $0x1C04  }
0x25c: {  	[timem:s3], [sflag:s2] =	dma.local @!p0 [hbm:s0], s1  }
0x25d: {  	s0 =	simm.s32 @!p0 $0x4  }
0x25e: {  	_ =	swait.ge @!p0 [sflag:s0], s1  }
0x25f: {  	s1 =	ssub.s32 @!p0 $0x0, s1;
	[sflag:s0] =	ssyncset.done @!p0 $0x0  }
0x260: {  	[sflag:s0] =	ssyncadd.s32 @!p0 s1  }
0x261: {  	[bflag:$0x3] =	sbarrier.arrive $0xFFFF  }
0x262: {  	_ =	shalt  }

</sc_bundles>
